<compile_context>
chip_gen: v7x
topology: tpu7x:2x2x1
jax: 0.10.2.dev20260603
libtpu: 0.0.44.dev20260713+nightly
codegen_flags: <defaults>
</compile_context>

<pallas_src>
import functools

import jax
import jax.numpy as jnp
from jax import lax
from jax.experimental import pallas as pl
from jax.experimental.pallas import tpu as pltpu
from jax.experimental.pallas import tpu_sc as plsc

MAXLEN = 50
EMB = 32
B = 1024
N_MID = 1000000

NC = 2
NS = 16
NW = NC * NS

CH = 960
SUB = 128

N_ITEM = 2 * B
N_HIS = 2 * B * MAXLEN
N_UB = 2 * B * MAXLEN * 9
N_CAND = 2 * B * 9

CH_HIS = 800


def _subs(ch):
    return [(o, min(SUB, ch - o)) for o in range(0, ch, SUB)]


def _gather_chunk(table, idx_v, buf, sem, ch):
    cps = [
        pltpu.async_copy(table.at[idx_v.at[pl.ds(o, sz)]],
                         buf.at[pl.ds(o, sz), :], sem)
        for (o, sz) in _subs(ch)
    ]
    for cp in cps:
        cp.wait()


def _stream_job(sidx, out, table, idx_v, buf, sem_g, sem_w, wid, per_tile,
                ch, extra=None):
    nchunks = per_tile // ch
    base0 = wid * per_tile

    def chunk_body(c, carry):
        base = base0 + c * ch
        pltpu.sync_copy(sidx.at[pl.ds(base, ch)], idx_v.at[pl.ds(0, ch)])
        _gather_chunk(table, idx_v, buf, sem_g, ch)
        w = pltpu.async_copy(buf.at[pl.ds(0, ch), :],
                             out.at[pl.ds(base, ch), :], sem_w)
        if extra is not None:
            extra(c)
        w.wait()
        return carry

    lax.fori_loop(0, nchunks, chunk_body, 0)


@functools.partial(
    pl.kernel,
    mesh=plsc.VectorSubcoreMesh(core_axis_name="c", subcore_axis_name="s"),
    compiler_params=pltpu.CompilerParams(use_tc_tiling_on_sc=False),
    out_type=[
        jax.ShapeDtypeStruct((B, EMB), jnp.float32),
        jax.ShapeDtypeStruct((N_ITEM, EMB), jnp.float32),
        jax.ShapeDtypeStruct((N_HIS, EMB), jnp.float32),
        jax.ShapeDtypeStruct((B, 2 * EMB), jnp.float32),
        jax.ShapeDtypeStruct((B, MAXLEN * 2), jnp.float32),
        jax.ShapeDtypeStruct((N_UB, EMB), jnp.float32),
        jax.ShapeDtypeStruct((N_CAND, EMB), jnp.float32),
        jax.ShapeDtypeStruct((N_UB, EMB), jnp.float32),
        jax.ShapeDtypeStruct((N_CAND, EMB), jnp.float32),
    ],
    scratch_types=[
        pltpu.VMEM((CH,), jnp.int32),
        pltpu.VMEM((CH, EMB), jnp.float32),
        pltpu.VMEM((32, 2 * EMB), jnp.float32),
        pltpu.VMEM((MAXLEN * 2,), jnp.float32),
        pltpu.SemaphoreType.DMA,
        pltpu.SemaphoreType.DMA,
    ],
)
def _tgin_sc(uid_idx, item_sidx, his_sidx, ub0_sidx, cand0_sidx,
             ub1_sidx, cand1_sidx,
             uid_table, mc_table, pos_flat,
             uid_out, item_out, his_out, sum_out, pos_out,
             ub0_out, cand0_out, ub1_out, cand1_out,
             idx_v, buf, sum_buf, pos_v, sem_g, sem_w):
    wid = lax.axis_index("s") * NC + lax.axis_index("c")

    _stream_job(uid_idx, uid_out, uid_table, idx_v, buf, sem_g, sem_w,
                wid, B // NW, B // NW)

    ubase = wid * (B // NW)
    pltpu.sync_copy(pos_flat, pos_v)
    pos_cps = [
        pltpu.async_copy(pos_v, pos_out.at[ubase + i], sem_w)
        for i in range(B // NW)
    ]
    for cp in pos_cps:
        cp.wait()

    _stream_job(item_sidx, item_out, mc_table, idx_v, buf, sem_g, sem_w,
                wid, N_ITEM // NW, N_ITEM // NW)

    def his_extra(c):
        nb = CH_HIS // (2 * MAXLEN)

        def b_body(bl, carry):
            def l_body(l, acc):
                r = bl * (2 * MAXLEN) + 2 * l
                return (acc[0] + buf[r, pl.ds(0, 16)],
                        acc[1] + buf[r, pl.ds(16, 16)],
                        acc[2] + buf[r + 1, pl.ds(0, 16)],
                        acc[3] + buf[r + 1, pl.ds(16, 16)])
            z = jnp.zeros((16,), jnp.float32)
            a0, a1, a2, a3 = lax.fori_loop(0, MAXLEN, l_body, (z, z, z, z))
            row = c * nb + bl
            sum_buf[row, pl.ds(0, 16)] = a0
            sum_buf[row, pl.ds(16, 16)] = a1
            sum_buf[row, pl.ds(32, 16)] = a2
            sum_buf[row, pl.ds(48, 16)] = a3
            return carry

        lax.fori_loop(0, nb, b_body, 0)

    _stream_job(his_sidx, his_out, mc_table, idx_v, buf, sem_g, sem_w,
                wid, N_HIS // NW, CH_HIS, extra=his_extra)
    pltpu.sync_copy(sum_buf, sum_out.at[pl.ds(wid * (B // NW), B // NW), :])

    _stream_job(ub0_sidx, ub0_out, mc_table, idx_v, buf, sem_g, sem_w,
                wid, N_UB // NW, CH)
    _stream_job(cand0_sidx, cand0_out, mc_table, idx_v, buf, sem_g, sem_w,
                wid, N_CAND // NW, N_CAND // NW)
    _stream_job(ub1_sidx, ub1_out, mc_table, idx_v, buf, sem_g, sem_w,
                wid, N_UB // NW, CH)
    _stream_job(cand1_sidx, cand1_out, mc_table, idx_v, buf, sem_g, sem_w,
                wid, N_CAND // NW, N_CAND // NW)


def _ileave(midx, cidx):
    m = midx.reshape(-1).astype(jnp.int32)
    c = cidx.reshape(-1).astype(jnp.int32) + N_MID
    return jnp.stack([m, c], axis=1).reshape(-1)


def kernel(uid_batch, mid_batch, cat_batch, mid_his_batch, cat_his_batch,
           mids_tri0, cats_tri0, wi_tri0, mid0_his, cat0_his, wi0_his,
           mids_tri1, cats_tri1, wi_tri1, mid1_his, cat1_his, wi1_his,
           uid_table, mid_table, cat_table, pos_table):
    mc_table = jnp.concatenate([mid_table, cat_table], axis=0)
    outs = _tgin_sc(
        uid_batch.astype(jnp.int32),
        _ileave(mid_batch, cat_batch),
        _ileave(mid_his_batch, cat_his_batch),
        _ileave(mid0_his, cat0_his),
        _ileave(mids_tri0, cats_tri0),
        _ileave(mid1_his, cat1_his),
        _ileave(mids_tri1, cats_tri1),
        uid_table, mc_table,
        pos_table.reshape(-1),
    )
    (uid_emb, item2, his2, his_sum, pos2,
     ub0_2, cand0_2, ub1_2, cand1_2) = outs

    return (uid_emb,
            item2.reshape(B, 2 * EMB),
            his2.reshape(B, MAXLEN, 2 * EMB),
            his_sum,
            pos2.reshape(B, MAXLEN, 2),
            ub0_2.reshape(B, MAXLEN, 9, 2 * EMB),
            wi0_his[..., None],
            cand0_2.reshape(B, 9, 2 * EMB),
            wi_tri0[..., None],
            ub1_2.reshape(B, MAXLEN, 9, 2 * EMB),
            wi1_his[..., None],
            cand1_2.reshape(B, 9, 2 * EMB),
            wi_tri1[..., None])

# --- scband reference (transcript-rebuilt; emitter-appended) ---
"""Pipeline reference for scband-tgin-21492016349807 (READ-ONLY COPY).

The authoritative reference and input builder live on the scoring server;
editing this copy changes nothing except your own understanding.
"""

import jax, jax.numpy as jnp
import numpy as np

MAXLEN = 50
EMB = 32
POS_EMB = 2
N_UID = 100000
N_MID = 1000000
N_CAT = 1000
N_TRI = 3
B = 1024


def setup_inputs(seed: int = 0) -> dict:
    key = jax.random.key(seed)
    ks = jax.random.split(key, 24)
    inp = {}
    inp['uid_batch'] = jax.random.randint(ks[0], (B,), 0, N_UID, dtype=jnp.int64 if jax.config.jax_enable_x64 else jnp.int32)
    inp['mid_batch'] = jax.random.randint(ks[1], (B,), 0, N_MID)
    inp['cat_batch'] = jax.random.randint(ks[2], (B,), 0, N_CAT)
    inp['mid_his_batch'] = jax.random.randint(ks[3], (B, MAXLEN), 0, N_MID)
    inp['cat_his_batch'] = jax.random.randint(ks[4], (B, MAXLEN), 0, N_CAT)
    inp['mids_tri0'] = jax.random.randint(ks[5], (B, N_TRI * 3), 0, N_MID)
    inp['cats_tri0'] = jax.random.randint(ks[6], (B, N_TRI * 3), 0, N_CAT)
    inp['wi_tri0'] = jax.random.uniform(ks[7], (B, N_TRI), dtype=jnp.float32)
    inp['mid0_his'] = jax.random.randint(ks[8], (B, MAXLEN, N_TRI * 3), 0, N_MID)
    inp['cat0_his'] = jax.random.randint(ks[9], (B, MAXLEN, N_TRI * 3), 0, N_CAT)
    inp['wi0_his'] = jax.random.uniform(ks[10], (B, MAXLEN, N_TRI), dtype=jnp.float32)
    inp['mids_tri1'] = jax.random.randint(ks[11], (B, N_TRI * 3), 0, N_MID)
    inp['cats_tri1'] = jax.random.randint(ks[12], (B, N_TRI * 3), 0, N_CAT)
    inp['wi_tri1'] = jax.random.uniform(ks[13], (B, N_TRI), dtype=jnp.float32)
    inp['mid1_his'] = jax.random.randint(ks[14], (B, MAXLEN, N_TRI * 3), 0, N_MID)
    inp['cat1_his'] = jax.random.randint(ks[15], (B, MAXLEN, N_TRI * 3), 0, N_CAT)
    inp['wi1_his'] = jax.random.uniform(ks[16], (B, MAXLEN, N_TRI), dtype=jnp.float32)
    # learned parameters (embedding tables), sized per init_kwargs
    inp['uid_table'] = jax.random.normal(ks[17], (N_UID, EMB), dtype=jnp.float32) * 0.05
    inp['mid_table'] = jax.random.normal(ks[18], (N_MID, EMB), dtype=jnp.float32) * 0.05
    inp['cat_table'] = jax.random.normal(ks[19], (N_CAT, EMB), dtype=jnp.float32) * 0.05
    inp['pos_table'] = jax.random.normal(ks[20], (MAXLEN, POS_EMB), dtype=jnp.float32) * 0.05
    return inp


def reference(uid_batch, mid_batch, cat_batch, mid_his_batch, cat_his_batch,
              mids_tri0, cats_tri0, wi_tri0, mid0_his, cat0_his, wi0_his,
              mids_tri1, cats_tri1, wi_tri1, mid1_his, cat1_his, wi1_his,
              uid_table, mid_table, cat_table, pos_table):
    # Embedding layer of TGIN (faithful to the TF graph construction shown)
    uid_emb = jnp.take(uid_table, uid_batch, axis=0)                      # [B, E]
    mid_emb = jnp.take(mid_table, mid_batch, axis=0)                      # [B, E]
    cat_emb = jnp.take(cat_table, cat_batch, axis=0)                      # [B, E]
    mid_his_emb = jnp.take(mid_table, mid_his_batch, axis=0)              # [B, L, E]
    cat_his_emb = jnp.take(cat_table, cat_his_batch, axis=0)              # [B, L, E]

    item_eb = jnp.concatenate([mid_emb, cat_emb], axis=1)                 # [B, 2E]
    item_his_eb = jnp.concatenate([mid_his_emb, cat_his_emb], axis=2)     # [B, L, 2E]
    item_his_eb_sum = jnp.sum(item_his_eb, axis=1)                        # [B, 2E]

    # position embedding: lookup range(maxlen), tile over batch, reshape
    pos_his_eb = jnp.take(pos_table, jnp.arange(MAXLEN), axis=0)          # [L, P]
    Bn = item_his_eb.shape[0]
    pos_batch_embedded = jnp.broadcast_to(pos_his_eb[None, :, :], (Bn, MAXLEN, POS_EMB))

    # triangle hop-0
    mid0_his_emb = jnp.take(mid_table, mid0_his, axis=0)                  # [B, L, 3T, E]
    cat0_his_emb = jnp.take(cat_table, cat0_his, axis=0)                  # [B, L, 3T, E]
    ub0_triangle_node = jnp.concatenate([mid0_his_emb, cat0_his_emb], axis=3)
    ub0_triangle_score = wi0_his[..., None]                               # [B, L, T, 1]
    mid0_emb = jnp.take(mid_table, mids_tri0, axis=0)                     # [B, 3T, E]
    cat0_emb = jnp.take(cat_table, cats_tri0, axis=0)                     # [B, 3T, E]
    cand0_triangle_node = jnp.concatenate([mid0_emb, cat0_emb], axis=2)
    cand0_triangle_score = wi_tri0[..., None]                             # [B, T, 1]

    # triangle hop-1
    mid1_his_emb = jnp.take(mid_table, mid1_his, axis=0)
    cat1_his_emb = jnp.take(cat_table, cat1_his, axis=0)
    ub1_triangle_node = jnp.concatenate([mid1_his_emb, cat1_his_emb], axis=3)
    ub1_triangle_score = wi1_his[..., None]
    mid1_emb = jnp.take(mid_table, mids_tri1, axis=0)
    cat1_emb = jnp.take(cat_table, cats_tri1, axis=0)
    cand1_triangle_node = jnp.concatenate([mid1_emb, cat1_emb], axis=2)
    cand1_triangle_score = wi_tri1[..., None]

    return (uid_emb, item_eb, item_his_eb, item_his_eb_sum, pos_batch_embedded,
            ub0_triangle_node, ub0_triangle_score, cand0_triangle_node, cand0_triangle_score,
            ub1_triangle_node, ub1_triangle_score, cand1_triangle_node, cand1_triangle_score)

if __name__ == "__main__":
    import jax
    _d = setup_inputs()
    print(jax.jit(kernel)(*tuple(_d.values())))

</pallas_src>

<mosaic_0001>
#map = affine_map<(d0, d1) -> (0)>
#map1 = affine_map<(d0, d1) -> (0, 0)>
module attributes {stable_mosaic.version = 14 : i64} {
  func.func @_tgin_sc(%arg0: i32, %arg1: i32, %arg2: memref<1024xi32, #tpu.memory_space<hbm>>, %arg3: memref<2048xi32, #tpu.memory_space<hbm>>, %arg4: memref<102400xi32, #tpu.memory_space<hbm>>, %arg5: memref<921600xi32, #tpu.memory_space<hbm>>, %arg6: memref<18432xi32, #tpu.memory_space<hbm>>, %arg7: memref<921600xi32, #tpu.memory_space<hbm>>, %arg8: memref<18432xi32, #tpu.memory_space<hbm>>, %arg9: memref<100000x32xf32, #tpu.memory_space<hbm>>, %arg10: memref<1001000x32xf32, #tpu.memory_space<hbm>>, %arg11: memref<100xf32, #tpu.memory_space<hbm>>, %arg12: memref<1024x32xf32, #tpu.memory_space<hbm>>, %arg13: memref<2048x32xf32, #tpu.memory_space<hbm>>, %arg14: memref<102400x32xf32, #tpu.memory_space<hbm>>, %arg15: memref<1024x64xf32, #tpu.memory_space<hbm>>, %arg16: memref<1024x100xf32, #tpu.memory_space<hbm>>, %arg17: memref<921600x32xf32, #tpu.memory_space<hbm>>, %arg18: memref<18432x32xf32, #tpu.memory_space<hbm>>, %arg19: memref<921600x32xf32, #tpu.memory_space<hbm>>, %arg20: memref<18432x32xf32, #tpu.memory_space<hbm>>, %arg21: memref<960xi32, #tpu.memory_space<vmem>>, %arg22: memref<960x32xf32, #tpu.memory_space<vmem>>, %arg23: memref<32x64xf32, #tpu.memory_space<vmem>>, %arg24: memref<100xf32, #tpu.memory_space<vmem>>, %arg25: memref<!tpu.dma_semaphore, #tpu.memory_space<semaphore_mem>>, %arg26: memref<!tpu.dma_semaphore, #tpu.memory_space<semaphore_mem>>) attributes {dimension_semantics = [#tpu.dimension_semantics<core_parallel>, #tpu.dimension_semantics<subcore_parallel>], iteration_bounds = array<i64: 2, 16>, scalar_prefetch = 0 : i64, scratch_operands = 6 : i64, tpu.core_type = #tpu.core_type<sc_vector_subcore>, window_params = [{transform_indices = #map}, {transform_indices = #map}, {transform_indices = #map}, {transform_indices = #map}, {transform_indices = #map}, {transform_indices = #map}, {transform_indices = #map}, {transform_indices = #map1}, {transform_indices = #map1}, {transform_indices = #map}, {transform_indices = #map1}, {transform_indices = #map1}, {transform_indices = #map1}, {transform_indices = #map1}, {transform_indices = #map1}, {transform_indices = #map1}, {transform_indices = #map1}, {transform_indices = #map1}, {transform_indices = #map1}]} {
    %mul3A = arith.constant 2 : i32
    %mul3A_0 = arith.muli %arg1, %mul3A : i32
    %add3A = arith.addi %mul3A_0, %arg0 : i32
    %mul3A_1 = arith.constant 32 : i32
    %mul3A_2 = arith.muli %add3A, %mul3A_1 : i32
    %scan3A = arith.constant 0 : i32
    %scan3A_3 = arith.constant 0 : i32
    %mul3A_4 = arith.constant 32 : i32
    %mul3A_5 = arith.muli %scan3A_3, %mul3A_4 : i32
    %add3A_6 = arith.addi %mul3A_2, %mul3A_5 : i32
    "tpu.region"() ({
      %run_scoped3A = tpu.sem_alloc : memref<!tpu.dma_semaphore, #tpu.memory_space<semaphore_mem>>
      %dma_start3A_778 = arith.constant 0 : i32
      %dma_start3A_779 = tpu.memref_slice %arg21[%dma_start3A_778] : memref<960xi32, #tpu.memory_space<vmem>> -> memref<32xi32, #tpu.memory_space<vmem>>
      %dma_start3A_780 = tpu.memref_slice %arg2[%add3A_6] : memref<1024xi32, #tpu.memory_space<hbm>> -> memref<32xi32, #tpu.memory_space<hbm>>
      %dma_start3A_781 = arith.constant 0 : i32
      %dma_start3A_782 = tpu.memref_slice %arg21[%dma_start3A_781] : memref<960xi32, #tpu.memory_space<vmem>> -> memref<32xi32, #tpu.memory_space<vmem>>
      %dma_start3A_783 = tpu.memref_slice %arg2[%add3A_6] : memref<1024xi32, #tpu.memory_space<hbm>> -> memref<32xi32, #tpu.memory_space<hbm>>
      tpu.enqueue_dma source(%dma_start3A_783 : memref<32xi32, #tpu.memory_space<hbm>>) target(%dma_start3A_782 : memref<32xi32, #tpu.memory_space<vmem>>) target_semaphore(%run_scoped3A : memref<!tpu.dma_semaphore, #tpu.memory_space<semaphore_mem>>)
      %dma_wait3A_784 = arith.constant 0 : i32
      %dma_wait3A_785 = tpu.memref_slice %arg21[%dma_wait3A_784] : memref<960xi32, #tpu.memory_space<vmem>> -> memref<32xi32, #tpu.memory_space<vmem>>
      %dma_wait3A_786 = tpu.memref_slice %arg2[%add3A_6] : memref<1024xi32, #tpu.memory_space<hbm>> -> memref<32xi32, #tpu.memory_space<hbm>>
      %dma_wait3A_787 = arith.constant 0 : i32
      %dma_wait3A_788 = tpu.memref_slice %arg21[%dma_wait3A_787] : memref<960xi32, #tpu.memory_space<vmem>> -> memref<32xi32, #tpu.memory_space<vmem>>
      %dma_wait3A_789 = tpu.memref_slice %arg2[%add3A_6] : memref<1024xi32, #tpu.memory_space<hbm>> -> memref<32xi32, #tpu.memory_space<hbm>>
      tpu.wait_dma2 semaphore(%run_scoped3A : memref<!tpu.dma_semaphore, #tpu.memory_space<semaphore_mem>>) src(%dma_wait3A_789 : memref<32xi32, #tpu.memory_space<hbm>>) dst(%dma_wait3A_788 : memref<32xi32, #tpu.memory_space<vmem>>)
      tpu.yield
    }) : () -> ()
    %dma_start3A = arith.constant 0 : i32
    %dma_start3A_7 = arith.constant 0 : i32
    %dma_start3A_8 = tpu.memref_slice %arg22[%dma_start3A, %dma_start3A_7] : memref<960x32xf32, #tpu.memory_space<vmem>> -> memref<32x32xf32, #tpu.memory_space<vmem>>
    %dma_start3A_9 = arith.constant 0 : i32
    %dma_start3A_10 = tpu.memref_slice %arg21[%dma_start3A_9] : memref<960xi32, #tpu.memory_space<vmem>> -> memref<32xi32, #tpu.memory_space<vmem>>
    %dma_start3A_11 = arith.constant 0 : i32
    %dma_start3A_12 = arith.constant 0 : i32
    %dma_start3A_13 = tpu.memref_slice %arg9[%dma_start3A_11, %dma_start3A_12] : memref<100000x32xf32, #tpu.memory_space<hbm>> -> memref<100000x32xf32, #tpu.memory_space<hbm>>
    tpu.enqueue_indirect_dma source(%dma_start3A_13 : memref<100000x32xf32, #tpu.memory_space<hbm>>) target(%dma_start3A_8 : memref<32x32xf32, #tpu.memory_space<vmem>>) offsets(%dma_start3A_10 : memref<32xi32, #tpu.memory_space<vmem>>) semaphore(%arg25 : memref<!tpu.dma_semaphore, #tpu.memory_space<semaphore_mem>>)
    %dma_wait3A = arith.constant 0 : i32
    %dma_wait3A_14 = arith.constant 0 : i32
    %dma_wait3A_15 = tpu.memref_slice %arg22[%dma_wait3A, %dma_wait3A_14] : memref<960x32xf32, #tpu.memory_space<vmem>> -> memref<32x32xf32, #tpu.memory_space<vmem>>
    %dma_wait3A_16 = arith.constant 0 : i32
    %dma_wait3A_17 = tpu.memref_slice %arg21[%dma_wait3A_16] : memref<960xi32, #tpu.memory_space<vmem>> -> memref<32xi32, #tpu.memory_space<vmem>>
    %dma_wait3A_18 = arith.constant 0 : i32
    %dma_wait3A_19 = arith.constant 0 : i32
    %dma_wait3A_20 = tpu.memref_slice %arg9[%dma_wait3A_18, %dma_wait3A_19] : memref<100000x32xf32, #tpu.memory_space<hbm>> -> memref<100000x32xf32, #tpu.memory_space<hbm>>
    tpu.wait_indirect_dma semaphore(%arg25 : memref<!tpu.dma_semaphore, #tpu.memory_space<semaphore_mem>>) src(%dma_wait3A_20 : memref<100000x32xf32, #tpu.memory_space<hbm>>) dst(%dma_wait3A_15 : memref<32x32xf32, #tpu.memory_space<vmem>>)
    %dma_start3A_21 = arith.constant 0 : i32
    %dma_start3A_22 = arith.constant 0 : i32
    %dma_start3A_23 = tpu.memref_slice %arg22[%dma_start3A_21, %dma_start3A_22] : memref<960x32xf32, #tpu.memory_space<vmem>> -> memref<32x32xf32, #tpu.memory_space<vmem>>
    %dma_start3A_24 = arith.constant 0 : i32
    %dma_start3A_25 = tpu.memref_slice %arg12[%add3A_6, %dma_start3A_24] : memref<1024x32xf32, #tpu.memory_space<hbm>> -> memref<32x32xf32, #tpu.memory_space<hbm>>
    %dma_start3A_26 = arith.constant 0 : i32
    %dma_start3A_27 = tpu.memref_slice %arg12[%add3A_6, %dma_start3A_26] : memref<1024x32xf32, #tpu.memory_space<hbm>> -> memref<32x32xf32, #tpu.memory_space<hbm>>
    %dma_start3A_28 = arith.constant 0 : i32
    %dma_start3A_29 = arith.constant 0 : i32
    %dma_start3A_30 = tpu.memref_slice %arg22[%dma_start3A_28, %dma_start3A_29] : memref<960x32xf32, #tpu.memory_space<vmem>> -> memref<32x32xf32, #tpu.memory_space<vmem>>
    tpu.enqueue_dma source(%dma_start3A_30 : memref<32x32xf32, #tpu.memory_space<vmem>>) target(%dma_start3A_27 : memref<32x32xf32, #tpu.memory_space<hbm>>) target_semaphore(%arg26 : memref<!tpu.dma_semaphore, #tpu.memory_space<semaphore_mem>>)
    %dma_wait3A_31 = arith.constant 0 : i32
    %dma_wait3A_32 = arith.constant 0 : i32
    %dma_wait3A_33 = tpu.memref_slice %arg22[%dma_wait3A_31, %dma_wait3A_32] : memref<960x32xf32, #tpu.memory_space<vmem>> -> memref<32x32xf32, #tpu.memory_space<vmem>>
    %dma_wait3A_34 = arith.constant 0 : i32
    %dma_wait3A_35 = tpu.memref_slice %arg12[%add3A_6, %dma_wait3A_34] : memref<1024x32xf32, #tpu.memory_space<hbm>> -> memref<32x32xf32, #tpu.memory_space<hbm>>
    %dma_wait3A_36 = arith.constant 0 : i32
    %dma_wait3A_37 = tpu.memref_slice %arg12[%add3A_6, %dma_wait3A_36] : memref<1024x32xf32, #tpu.memory_space<hbm>> -> memref<32x32xf32, #tpu.memory_space<hbm>>
    %dma_wait3A_38 = arith.constant 0 : i32
    %dma_wait3A_39 = arith.constant 0 : i32
    %dma_wait3A_40 = tpu.memref_slice %arg22[%dma_wait3A_38, %dma_wait3A_39] : memref<960x32xf32, #tpu.memory_space<vmem>> -> memref<32x32xf32, #tpu.memory_space<vmem>>
    tpu.wait_dma2 semaphore(%arg26 : memref<!tpu.dma_semaphore, #tpu.memory_space<semaphore_mem>>) src(%dma_wait3A_40 : memref<32x32xf32, #tpu.memory_space<vmem>>) dst(%dma_wait3A_37 : memref<32x32xf32, #tpu.memory_space<hbm>>)
    %scan3A_41 = arith.constant 1 : i32
    %mul3A_42 = arith.constant 32 : i32
    %mul3A_43 = arith.muli %add3A, %mul3A_42 : i32
    "tpu.region"() ({
      %run_scoped3A = tpu.sem_alloc : memref<!tpu.dma_semaphore, #tpu.memory_space<semaphore_mem>>
      tpu.enqueue_dma source(%arg11 : memref<100xf32, #tpu.memory_space<hbm>>) target(%arg24 : memref<100xf32, #tpu.memory_space<vmem>>) target_semaphore(%run_scoped3A : memref<!tpu.dma_semaphore, #tpu.memory_space<semaphore_mem>>)
      tpu.wait_dma2 semaphore(%run_scoped3A : memref<!tpu.dma_semaphore, #tpu.memory_space<semaphore_mem>>) src(%arg11 : memref<100xf32, #tpu.memory_space<hbm>>) dst(%arg24 : memref<100xf32, #tpu.memory_space<vmem>>)
      tpu.yield
    }) : () -> ()
    %add3A_44 = arith.constant 0 : i32
    %add3A_45 = arith.addi %mul3A_43, %add3A_44 : i32
    %dma_start3A_46 = arith.constant 0 : i32
    %dma_start3A_47 = tpu.memref_slice %arg16[%add3A_45, %dma_start3A_46] : memref<1024x100xf32, #tpu.memory_space<hbm>> -> memref<1x100xf32, #tpu.memory_space<hbm>>
    %dma_start3A_48 = tpu.memref_squeeze %dma_start3A_47 : memref<1x100xf32, #tpu.memory_space<hbm>> -> memref<100xf32, #tpu.memory_space<hbm>>
    %dma_start3A_49 = arith.constant 0 : i32
    %dma_start3A_50 = tpu.memref_slice %arg16[%add3A_45, %dma_start3A_49] : memref<1024x100xf32, #tpu.memory_space<hbm>> -> memref<1x100xf32, #tpu.memory_space<hbm>>
    %dma_start3A_51 = tpu.memref_squeeze %dma_start3A_50 : memref<1x100xf32, #tpu.memory_space<hbm>> -> memref<100xf32, #tpu.memory_space<hbm>>
    tpu.enqueue_dma source(%arg24 : memref<100xf32, #tpu.memory_space<vmem>>) target(%dma_start3A_51 : memref<100xf32, #tpu.memory_space<hbm>>) target_semaphore(%arg26 : memref<!tpu.dma_semaphore, #tpu.memory_space<semaphore_mem>>)
    %add3A_52 = arith.constant 1 : i32
    %add3A_53 = arith.addi %mul3A_43, %add3A_52 : i32
    %dma_start3A_54 = arith.constant 0 : i32
    %dma_start3A_55 = tpu.memref_slice %arg16[%add3A_53, %dma_start3A_54] : memref<1024x100xf32, #tpu.memory_space<hbm>> -> memref<1x100xf32, #tpu.memory_space<hbm>>
    %dma_start3A_56 = tpu.memref_squeeze %dma_start3A_55 : memref<1x100xf32, #tpu.memory_space<hbm>> -> memref<100xf32, #tpu.memory_space<hbm>>
    %dma_start3A_57 = arith.constant 0 : i32
    %dma_start3A_58 = tpu.memref_slice %arg16[%add3A_53, %dma_start3A_57] : memref<1024x100xf32, #tpu.memory_space<hbm>> -> memref<1x100xf32, #tpu.memory_space<hbm>>
    %dma_start3A_59 = tpu.memref_squeeze %dma_start3A_58 : memref<1x100xf32, #tpu.memory_space<hbm>> -> memref<100xf32, #tpu.memory_space<hbm>>
    tpu.enqueue_dma source(%arg24 : memref<100xf32, #tpu.memory_space<vmem>>) target(%dma_start3A_59 : memref<100xf32, #tpu.memory_space<hbm>>) target_semaphore(%arg26 : memref<!tpu.dma_semaphore, #tpu.memory_space<semaphore_mem>>)
    %add3A_60 = arith.constant 2 : i32
    %add3A_61 = arith.addi %mul3A_43, %add3A_60 : i32
    %dma_start3A_62 = arith.constant 0 : i32
    %dma_start3A_63 = tpu.memref_slice %arg16[%add3A_61, %dma_start3A_62] : memref<1024x100xf32, #tpu.memory_space<hbm>> -> memref<1x100xf32, #tpu.memory_space<hbm>>
    %dma_start3A_64 = tpu.memref_squeeze %dma_start3A_63 : memref<1x100xf32, #tpu.memory_space<hbm>> -> memref<100xf32, #tpu.memory_space<hbm>>
    %dma_start3A_65 = arith.constant 0 : i32
    %dma_start3A_66 = tpu.memref_slice %arg16[%add3A_61, %dma_start3A_65] : memref<1024x100xf32, #tpu.memory_space<hbm>> -> memref<1x100xf32, #tpu.memory_space<hbm>>
    %dma_start3A_67 = tpu.memref_squeeze %dma_start3A_66 : memref<1x100xf32, #tpu.memory_space<hbm>> -> memref<100xf32, #tpu.memory_space<hbm>>
    tpu.enqueue_dma source(%arg24 : memref<100xf32, #tpu.memory_space<vmem>>) target(%dma_start3A_67 : memref<100xf32, #tpu.memory_space<hbm>>) target_semaphore(%arg26 : memref<!tpu.dma_semaphore, #tpu.memory_space<semaphore_mem>>)
    %add3A_68 = arith.constant 3 : i32
    %add3A_69 = arith.addi %mul3A_43, %add3A_68 : i32
    %dma_start3A_70 = arith.constant 0 : i32
    %dma_start3A_71 = tpu.memref_slice %arg16[%add3A_69, %dma_start3A_70] : memref<1024x100xf32, #tpu.memory_space<hbm>> -> memref<1x100xf32, #tpu.memory_space<hbm>>
    %dma_start3A_72 = tpu.memref_squeeze %dma_start3A_71 : memref<1x100xf32, #tpu.memory_space<hbm>> -> memref<100xf32, #tpu.memory_space<hbm>>
    %dma_start3A_73 = arith.constant 0 : i32
    %dma_start3A_74 = tpu.memref_slice %arg16[%add3A_69, %dma_start3A_73] : memref<1024x100xf32, #tpu.memory_space<hbm>> -> memref<1x100xf32, #tpu.memory_space<hbm>>
    %dma_start3A_75 = tpu.memref_squeeze %dma_start3A_74 : memref<1x100xf32, #tpu.memory_space<hbm>> -> memref<100xf32, #tpu.memory_space<hbm>>
    tpu.enqueue_dma source(%arg24 : memref<100xf32, #tpu.memory_space<vmem>>) target(%dma_start3A_75 : memref<100xf32, #tpu.memory_space<hbm>>) target_semaphore(%arg26 : memref<!tpu.dma_semaphore, #tpu.memory_space<semaphore_mem>>)
    %add3A_76 = arith.constant 4 : i32
    %add3A_77 = arith.addi %mul3A_43, %add3A_76 : i32
    %dma_start3A_78 = arith.constant 0 : i32
    %dma_start3A_79 = tpu.memref_slice %arg16[%add3A_77, %dma_start3A_78] : memref<1024x100xf32, #tpu.memory_space<hbm>> -> memref<1x100xf32, #tpu.memory_space<hbm>>
    %dma_start3A_80 = tpu.memref_squeeze %dma_start3A_79 : memref<1x100xf32, #tpu.memory_space<hbm>> -> memref<100xf32, #tpu.memory_space<hbm>>
    %dma_start3A_81 = arith.constant 0 : i32
    %dma_start3A_82 = tpu.memref_slice %arg16[%add3A_77, %dma_start3A_81] : memref<1024x100xf32, #tpu.memory_space<hbm>> -> memref<1x100xf32, #tpu.memory_space<hbm>>
    %dma_start3A_83 = tpu.memref_squeeze %dma_start3A_82 : memref<1x100xf32, #tpu.memory_space<hbm>> -> memref<100xf32, #tpu.memory_space<hbm>>
    tpu.enqueue_dma source(%arg24 : memref<100xf32, #tpu.memory_space<vmem>>) target(%dma_start3A_83 : memref<100xf32, #tpu.memory_space<hbm>>) target_semaphore(%arg26 : memref<!tpu.dma_semaphore, #tpu.memory_space<semaphore_mem>>)
    %add3A_84 = arith.constant 5 : i32
    %add3A_85 = arith.addi %mul3A_43, %add3A_84 : i32
    %dma_start3A_86 = arith.constant 0 : i32
    %dma_start3A_87 = tpu.memref_slice %arg16[%add3A_85, %dma_start3A_86] : memref<1024x100xf32, #tpu.memory_space<hbm>> -> memref<1x100xf32, #tpu.memory_space<hbm>>
    %dma_start3A_88 = tpu.memref_squeeze %dma_start3A_87 : memref<1x100xf32, #tpu.memory_space<hbm>> -> memref<100xf32, #tpu.memory_space<hbm>>
    %dma_start3A_89 = arith.constant 0 : i32
    %dma_start3A_90 = tpu.memref_slice %arg16[%add3A_85, %dma_start3A_89] : memref<1024x100xf32, #tpu.memory_space<hbm>> -> memref<1x100xf32, #tpu.memory_space<hbm>>
    %dma_start3A_91 = tpu.memref_squeeze %dma_start3A_90 : memref<1x100xf32, #tpu.memory_space<hbm>> -> memref<100xf32, #tpu.memory_space<hbm>>
    tpu.enqueue_dma source(%arg24 : memref<100xf32, #tpu.memory_space<vmem>>) target(%dma_start3A_91 : memref<100xf32, #tpu.memory_space<hbm>>) target_semaphore(%arg26 : memref<!tpu.dma_semaphore, #tpu.memory_space<semaphore_mem>>)
    %add3A_92 = arith.constant 6 : i32
    %add3A_93 = arith.addi %mul3A_43, %add3A_92 : i32
    %dma_start3A_94 = arith.constant 0 : i32
    %dma_start3A_95 = tpu.memref_slice %arg16[%add3A_93, %dma_start3A_94] : memref<1024x100xf32, #tpu.memory_space<hbm>> -> memref<1x100xf32, #tpu.memory_space<hbm>>
    %dma_start3A_96 = tpu.memref_squeeze %dma_start3A_95 : memref<1x100xf32, #tpu.memory_space<hbm>> -> memref<100xf32, #tpu.memory_space<hbm>>
    %dma_start3A_97 = arith.constant 0 : i32
    %dma_start3A_98 = tpu.memref_slice %arg16[%add3A_93, %dma_start3A_97] : memref<1024x100xf32, #tpu.memory_space<hbm>> -> memref<1x100xf32, #tpu.memory_space<hbm>>
    %dma_start3A_99 = tpu.memref_squeeze %dma_start3A_98 : memref<1x100xf32, #tpu.memory_space<hbm>> -> memref<100xf32, #tpu.memory_space<hbm>>
    tpu.enqueue_dma source(%arg24 : memref<100xf32, #tpu.memory_space<vmem>>) target(%dma_start3A_99 : memref<100xf32, #tpu.memory_space<hbm>>) target_semaphore(%arg26 : memref<!tpu.dma_semaphore, #tpu.memory_space<semaphore_mem>>)
    %add3A_100 = arith.constant 7 : i32
    %add3A_101 = arith.addi %mul3A_43, %add3A_100 : i32
    %dma_start3A_102 = arith.constant 0 : i32
    %dma_start3A_103 = tpu.memref_slice %arg16[%add3A_101, %dma_start3A_102] : memref<1024x100xf32, #tpu.memory_space<hbm>> -> memref<1x100xf32, #tpu.memory_space<hbm>>
    %dma_start3A_104 = tpu.memref_squeeze %dma_start3A_103 : memref<1x100xf32, #tpu.memory_space<hbm>> -> memref<100xf32, #tpu.memory_space<hbm>>
    %dma_start3A_105 = arith.constant 0 : i32
    %dma_start3A_106 = tpu.memref_slice %arg16[%add3A_101, %dma_start3A_105] : memref<1024x100xf32, #tpu.memory_space<hbm>> -> memref<1x100xf32, #tpu.memory_space<hbm>>
    %dma_start3A_107 = tpu.memref_squeeze %dma_start3A_106 : memref<1x100xf32, #tpu.memory_space<hbm>> -> memref<100xf32, #tpu.memory_space<hbm>>
    tpu.enqueue_dma source(%arg24 : memref<100xf32, #tpu.memory_space<vmem>>) target(%dma_start3A_107 : memref<100xf32, #tpu.memory_space<hbm>>) target_semaphore(%arg26 : memref<!tpu.dma_semaphore, #tpu.memory_space<semaphore_mem>>)
    %add3A_108 = arith.constant 8 : i32
    %add3A_109 = arith.addi %mul3A_43, %add3A_108 : i32
    %dma_start3A_110 = arith.constant 0 : i32
    %dma_start3A_111 = tpu.memref_slice %arg16[%add3A_109, %dma_start3A_110] : memref<1024x100xf32, #tpu.memory_space<hbm>> -> memref<1x100xf32, #tpu.memory_space<hbm>>
    %dma_start3A_112 = tpu.memref_squeeze %dma_start3A_111 : memref<1x100xf32, #tpu.memory_space<hbm>> -> memref<100xf32, #tpu.memory_space<hbm>>
    %dma_start3A_113 = arith.constant 0 : i32
    %dma_start3A_114 = tpu.memref_slice %arg16[%add3A_109, %dma_start3A_113] : memref<1024x100xf32, #tpu.memory_space<hbm>> -> memref<1x100xf32, #tpu.memory_space<hbm>>
    %dma_start3A_115 = tpu.memref_squeeze %dma_start3A_114 : memref<1x100xf32, #tpu.memory_space<hbm>> -> memref<100xf32, #tpu.memory_space<hbm>>
    tpu.enqueue_dma source(%arg24 : memref<100xf32, #tpu.memory_space<vmem>>) target(%dma_start3A_115 : memref<100xf32, #tpu.memory_space<hbm>>) target_semaphore(%arg26 : memref<!tpu.dma_semaphore, #tpu.memory_space<semaphore_mem>>)
    %add3A_116 = arith.constant 9 : i32
    %add3A_117 = arith.addi %mul3A_43, %add3A_116 : i32
    %dma_start3A_118 = arith.constant 0 : i32
    %dma_start3A_119 = tpu.memref_slice %arg16[%add3A_117, %dma_start3A_118] : memref<1024x100xf32, #tpu.memory_space<hbm>> -> memref<1x100xf32, #tpu.memory_space<hbm>>
    %dma_start3A_120 = tpu.memref_squeeze %dma_start3A_119 : memref<1x100xf32, #tpu.memory_space<hbm>> -> memref<100xf32, #tpu.memory_space<hbm>>
    %dma_start3A_121 = arith.constant 0 : i32
    %dma_start3A_122 = tpu.memref_slice %arg16[%add3A_117, %dma_start3A_121] : memref<1024x100xf32, #tpu.memory_space<hbm>> -> memref<1x100xf32, #tpu.memory_space<hbm>>
    %dma_start3A_123 = tpu.memref_squeeze %dma_start3A_122 : memref<1x100xf32, #tpu.memory_space<hbm>> -> memref<100xf32, #tpu.memory_space<hbm>>
    tpu.enqueue_dma source(%arg24 : memref<100xf32, #tpu.memory_space<vmem>>) target(%dma_start3A_123 : memref<100xf32, #tpu.memory_space<hbm>>) target_semaphore(%arg26 : memref<!tpu.dma_semaphore, #tpu.memory_space<semaphore_mem>>)
    %add3A_124 = arith.constant 10 : i32
    %add3A_125 = arith.addi %mul3A_43, %add3A_124 : i32
    %dma_start3A_126 = arith.constant 0 : i32
    %dma_start3A_127 = tpu.memref_slice %arg16[%add3A_125, %dma_start3A_126] : memref<1024x100xf32, #tpu.memory_space<hbm>> -> memref<1x100xf32, #tpu.memory_space<hbm>>
    %dma_start3A_128 = tpu.memref_squeeze %dma_start3A_127 : memref<1x100xf32, #tpu.memory_space<hbm>> -> memref<100xf32, #tpu.memory_space<hbm>>
    %dma_start3A_129 = arith.constant 0 : i32
    %dma_start3A_130 = tpu.memref_slice %arg16[%add3A_125, %dma_start3A_129] : memref<1024x100xf32, #tpu.memory_space<hbm>> -> memref<1x100xf32, #tpu.memory_space<hbm>>
    %dma_start3A_131 = tpu.memref_squeeze %dma_start3A_130 : memref<1x100xf32, #tpu.memory_space<hbm>> -> memref<100xf32, #tpu.memory_space<hbm>>
    tpu.enqueue_dma source(%arg24 : memref<100xf32, #tpu.memory_space<vmem>>) target(%dma_start3A_131 : memref<100xf32, #tpu.memory_space<hbm>>) target_semaphore(%arg26 : memref<!tpu.dma_semaphore, #tpu.memory_space<semaphore_mem>>)
    %add3A_132 = arith.constant 11 : i32
    %add3A_133 = arith.addi %mul3A_43, %add3A_132 : i32
    %dma_start3A_134 = arith.constant 0 : i32
    %dma_start3A_135 = tpu.memref_slice %arg16[%add3A_133, %dma_start3A_134] : memref<1024x100xf32, #tpu.memory_space<hbm>> -> memref<1x100xf32, #tpu.memory_space<hbm>>
    %dma_start3A_136 = tpu.memref_squeeze %dma_start3A_135 : memref<1x100xf32, #tpu.memory_space<hbm>> -> memref<100xf32, #tpu.memory_space<hbm>>
    %dma_start3A_137 = arith.constant 0 : i32
    %dma_start3A_138 = tpu.memref_slice %arg16[%add3A_133, %dma_start3A_137] : memref<1024x100xf32, #tpu.memory_space<hbm>> -> memref<1x100xf32, #tpu.memory_space<hbm>>
    %dma_start3A_139 = tpu.memref_squeeze %dma_start3A_138 : memref<1x100xf32, #tpu.memory_space<hbm>> -> memref<100xf32, #tpu.memory_space<hbm>>
    tpu.enqueue_dma source(%arg24 : memref<100xf32, #tpu.memory_space<vmem>>) target(%dma_start3A_139 : memref<100xf32, #tpu.memory_space<hbm>>) target_semaphore(%arg26 : memref<!tpu.dma_semaphore, #tpu.memory_space<semaphore_mem>>)
    %add3A_140 = arith.constant 12 : i32
    %add3A_141 = arith.addi %mul3A_43, %add3A_140 : i32
    %dma_start3A_142 = arith.constant 0 : i32
    %dma_start3A_143 = tpu.memref_slice %arg16[%add3A_141, %dma_start3A_142] : memref<1024x100xf32, #tpu.memory_space<hbm>> -> memref<1x100xf32, #tpu.memory_space<hbm>>
    %dma_start3A_144 = tpu.memref_squeeze %dma_start3A_143 : memref<1x100xf32, #tpu.memory_space<hbm>> -> memref<100xf32, #tpu.memory_space<hbm>>
    %dma_start3A_145 = arith.constant 0 : i32
    %dma_start3A_146 = tpu.memref_slice %arg16[%add3A_141, %dma_start3A_145] : memref<1024x100xf32, #tpu.memory_space<hbm>> -> memref<1x100xf32, #tpu.memory_space<hbm>>
    %dma_start3A_147 = tpu.memref_squeeze %dma_start3A_146 : memref<1x100xf32, #tpu.memory_space<hbm>> -> memref<100xf32, #tpu.memory_space<hbm>>
    tpu.enqueue_dma source(%arg24 : memref<100xf32, #tpu.memory_space<vmem>>) target(%dma_start3A_147 : memref<100xf32, #tpu.memory_space<hbm>>) target_semaphore(%arg26 : memref<!tpu.dma_semaphore, #tpu.memory_space<semaphore_mem>>)
    %add3A_148 = arith.constant 13 : i32
    %add3A_149 = arith.addi %mul3A_43, %add3A_148 : i32
    %dma_start3A_150 = arith.constant 0 : i32
    %dma_start3A_151 = tpu.memref_slice %arg16[%add3A_149, %dma_start3A_150] : memref<1024x100xf32, #tpu.memory_space<hbm>> -> memref<1x100xf32, #tpu.memory_space<hbm>>
    %dma_start3A_152 = tpu.memref_squeeze %dma_start3A_151 : memref<1x100xf32, #tpu.memory_space<hbm>> -> memref<100xf32, #tpu.memory_space<hbm>>
    %dma_start3A_153 = arith.constant 0 : i32
    %dma_start3A_154 = tpu.memref_slice %arg16[%add3A_149, %dma_start3A_153] : memref<1024x100xf32, #tpu.memory_space<hbm>> -> memref<1x100xf32, #tpu.memory_space<hbm>>
    %dma_start3A_155 = tpu.memref_squeeze %dma_start3A_154 : memref<1x100xf32, #tpu.memory_space<hbm>> -> memref<100xf32, #tpu.memory_space<hbm>>
    tpu.enqueue_dma source(%arg24 : memref<100xf32, #tpu.memory_space<vmem>>) target(%dma_start3A_155 : memref<100xf32, #tpu.memory_space<hbm>>) target_semaphore(%arg26 : memref<!tpu.dma_semaphore, #tpu.memory_space<semaphore_mem>>)
    %add3A_156 = arith.constant 14 : i32
    %add3A_157 = arith.addi %mul3A_43, %add3A_156 : i32
    %dma_start3A_158 = arith.constant 0 : i32
    %dma_start3A_159 = tpu.memref_slice %arg16[%add3A_157, %dma_start3A_158] : memref<1024x100xf32, #tpu.memory_space<hbm>> -> memref<1x100xf32, #tpu.memory_space<hbm>>
    %dma_start3A_160 = tpu.memref_squeeze %dma_start3A_159 : memref<1x100xf32, #tpu.memory_space<hbm>> -> memref<100xf32, #tpu.memory_space<hbm>>
    %dma_start3A_161 = arith.constant 0 : i32
    %dma_start3A_162 = tpu.memref_slice %arg16[%add3A_157, %dma_start3A_161] : memref<1024x100xf32, #tpu.memory_space<hbm>> -> memref<1x100xf32, #tpu.memory_space<hbm>>
    %dma_start3A_163 = tpu.memref_squeeze %dma_start3A_162 : memref<1x100xf32, #tpu.memory_space<hbm>> -> memref<100xf32, #tpu.memory_space<hbm>>
    tpu.enqueue_dma source(%arg24 : memref<100xf32, #tpu.memory_space<vmem>>) target(%dma_start3A_163 : memref<100xf32, #tpu.memory_space<hbm>>) target_semaphore(%arg26 : memref<!tpu.dma_semaphore, #tpu.memory_space<semaphore_mem>>)
    %add3A_164 = arith.constant 15 : i32
    %add3A_165 = arith.addi %mul3A_43, %add3A_164 : i32
    %dma_start3A_166 = arith.constant 0 : i32
    %dma_start3A_167 = tpu.memref_slice %arg16[%add3A_165, %dma_start3A_166] : memref<1024x100xf32, #tpu.memory_space<hbm>> -> memref<1x100xf32, #tpu.memory_space<hbm>>
    %dma_start3A_168 = tpu.memref_squeeze %dma_start3A_167 : memref<1x100xf32, #tpu.memory_space<hbm>> -> memref<100xf32, #tpu.memory_space<hbm>>
    %dma_start3A_169 = arith.constant 0 : i32
    %dma_start3A_170 = tpu.memref_slice %arg16[%add3A_165, %dma_start3A_169] : memref<1024x100xf32, #tpu.memory_space<hbm>> -> memref<1x100xf32, #tpu.memory_space<hbm>>
    %dma_start3A_171 = tpu.memref_squeeze %dma_start3A_170 : memref<1x100xf32, #tpu.memory_space<hbm>> -> memref<100xf32, #tpu.memory_space<hbm>>
    tpu.enqueue_dma source(%arg24 : memref<100xf32, #tpu.memory_space<vmem>>) target(%dma_start3A_171 : memref<100xf32, #tpu.memory_space<hbm>>) target_semaphore(%arg26 : memref<!tpu.dma_semaphore, #tpu.memory_space<semaphore_mem>>)
    %add3A_172 = arith.constant 16 : i32
    %add3A_173 = arith.addi %mul3A_43, %add3A_172 : i32
    %dma_start3A_174 = arith.constant 0 : i32
    %dma_start3A_175 = tpu.memref_slice %arg16[%add3A_173, %dma_start3A_174] : memref<1024x100xf32, #tpu.memory_space<hbm>> -> memref<1x100xf32, #tpu.memory_space<hbm>>
    %dma_start3A_176 = tpu.memref_squeeze %dma_start3A_175 : memref<1x100xf32, #tpu.memory_space<hbm>> -> memref<100xf32, #tpu.memory_space<hbm>>
    %dma_start3A_177 = arith.constant 0 : i32
    %dma_start3A_178 = tpu.memref_slice %arg16[%add3A_173, %dma_start3A_177] : memref<1024x100xf32, #tpu.memory_space<hbm>> -> memref<1x100xf32, #tpu.memory_space<hbm>>
    %dma_start3A_179 = tpu.memref_squeeze %dma_start3A_178 : memref<1x100xf32, #tpu.memory_space<hbm>> -> memref<100xf32, #tpu.memory_space<hbm>>
    tpu.enqueue_dma source(%arg24 : memref<100xf32, #tpu.memory_space<vmem>>) target(%dma_start3A_179 : memref<100xf32, #tpu.memory_space<hbm>>) target_semaphore(%arg26 : memref<!tpu.dma_semaphore, #tpu.memory_space<semaphore_mem>>)
    %add3A_180 = arith.constant 17 : i32
    %add3A_181 = arith.addi %mul3A_43, %add3A_180 : i32
    %dma_start3A_182 = arith.constant 0 : i32
    %dma_start3A_183 = tpu.memref_slice %arg16[%add3A_181, %dma_start3A_182] : memref<1024x100xf32, #tpu.memory_space<hbm>> -> memref<1x100xf32, #tpu.memory_space<hbm>>
    %dma_start3A_184 = tpu.memref_squeeze %dma_start3A_183 : memref<1x100xf32, #tpu.memory_space<hbm>> -> memref<100xf32, #tpu.memory_space<hbm>>
    %dma_start3A_185 = arith.constant 0 : i32
    %dma_start3A_186 = tpu.memref_slice %arg16[%add3A_181, %dma_start3A_185] : memref<1024x100xf32, #tpu.memory_space<hbm>> -> memref<1x100xf32, #tpu.memory_space<hbm>>
    %dma_start3A_187 = tpu.memref_squeeze %dma_start3A_186 : memref<1x100xf32, #tpu.memory_space<hbm>> -> memref<100xf32, #tpu.memory_space<hbm>>
    tpu.enqueue_dma source(%arg24 : memref<100xf32, #tpu.memory_space<vmem>>) target(%dma_start3A_187 : memref<100xf32, #tpu.memory_space<hbm>>) target_semaphore(%arg26 : memref<!tpu.dma_semaphore, #tpu.memory_space<semaphore_mem>>)
    %add3A_188 = arith.constant 18 : i32
    %add3A_189 = arith.addi %mul3A_43, %add3A_188 : i32
    %dma_start3A_190 = arith.constant 0 : i32
    %dma_start3A_191 = tpu.memref_slice %arg16[%add3A_189, %dma_start3A_190] : memref<1024x100xf32, #tpu.memory_space<hbm>> -> memref<1x100xf32, #tpu.memory_space<hbm>>
    %dma_start3A_192 = tpu.memref_squeeze %dma_start3A_191 : memref<1x100xf32, #tpu.memory_space<hbm>> -> memref<100xf32, #tpu.memory_space<hbm>>
    %dma_start3A_193 = arith.constant 0 : i32
    %dma_start3A_194 = tpu.memref_slice %arg16[%add3A_189, %dma_start3A_193] : memref<1024x100xf32, #tpu.memory_space<hbm>> -> memref<1x100xf32, #tpu.memory_space<hbm>>
    %dma_start3A_195 = tpu.memref_squeeze %dma_start3A_194 : memref<1x100xf32, #tpu.memory_space<hbm>> -> memref<100xf32, #tpu.memory_space<hbm>>
    tpu.enqueue_dma source(%arg24 : memref<100xf32, #tpu.memory_space<vmem>>) target(%dma_start3A_195 : memref<100xf32, #tpu.memory_space<hbm>>) target_semaphore(%arg26 : memref<!tpu.dma_semaphore, #tpu.memory_space<semaphore_mem>>)
    %add3A_196 = arith.constant 19 : i32
    %add3A_197 = arith.addi %mul3A_43, %add3A_196 : i32
    %dma_start3A_198 = arith.constant 0 : i32
    %dma_start3A_199 = tpu.memref_slice %arg16[%add3A_197, %dma_start3A_198] : memref<1024x100xf32, #tpu.memory_space<hbm>> -> memref<1x100xf32, #tpu.memory_space<hbm>>
    %dma_start3A_200 = tpu.memref_squeeze %dma_start3A_199 : memref<1x100xf32, #tpu.memory_space<hbm>> -> memref<100xf32, #tpu.memory_space<hbm>>
    %dma_start3A_201 = arith.constant 0 : i32
    %dma_start3A_202 = tpu.memref_slice %arg16[%add3A_197, %dma_start3A_201] : memref<1024x100xf32, #tpu.memory_space<hbm>> -> memref<1x100xf32, #tpu.memory_space<hbm>>
    %dma_start3A_203 = tpu.memref_squeeze %dma_start3A_202 : memref<1x100xf32, #tpu.memory_space<hbm>> -> memref<100xf32, #tpu.memory_space<hbm>>
    tpu.enqueue_dma source(%arg24 : memref<100xf32, #tpu.memory_space<vmem>>) target(%dma_start3A_203 : memref<100xf32, #tpu.memory_space<hbm>>) target_semaphore(%arg26 : memref<!tpu.dma_semaphore, #tpu.memory_space<semaphore_mem>>)
    %add3A_204 = arith.constant 20 : i32
    %add3A_205 = arith.addi %mul3A_43, %add3A_204 : i32
    %dma_start3A_206 = arith.constant 0 : i32
    %dma_start3A_207 = tpu.memref_slice %arg16[%add3A_205, %dma_start3A_206] : memref<1024x100xf32, #tpu.memory_space<hbm>> -> memref<1x100xf32, #tpu.memory_space<hbm>>
    %dma_start3A_208 = tpu.memref_squeeze %dma_start3A_207 : memref<1x100xf32, #tpu.memory_space<hbm>> -> memref<100xf32, #tpu.memory_space<hbm>>
    %dma_start3A_209 = arith.constant 0 : i32
    %dma_start3A_210 = tpu.memref_slice %arg16[%add3A_205, %dma_start3A_209] : memref<1024x100xf32, #tpu.memory_space<hbm>> -> memref<1x100xf32, #tpu.memory_space<hbm>>
    %dma_start3A_211 = tpu.memref_squeeze %dma_start3A_210 : memref<1x100xf32, #tpu.memory_space<hbm>> -> memref<100xf32, #tpu.memory_space<hbm>>
    tpu.enqueue_dma source(%arg24 : memref<100xf32, #tpu.memory_space<vmem>>) target(%dma_start3A_211 : memref<100xf32, #tpu.memory_space<hbm>>) target_semaphore(%arg26 : memref<!tpu.dma_semaphore, #tpu.memory_space<semaphore_mem>>)
    %add3A_212 = arith.constant 21 : i32
    %add3A_213 = arith.addi %mul3A_43, %add3A_212 : i32
    %dma_start3A_214 = arith.constant 0 : i32
    %dma_start3A_215 = tpu.memref_slice %arg16[%add3A_213, %dma_start3A_214] : memref<1024x100xf32, #tpu.memory_space<hbm>> -> memref<1x100xf32, #tpu.memory_space<hbm>>
    %dma_start3A_216 = tpu.memref_squeeze %dma_start3A_215 : memref<1x100xf32, #tpu.memory_space<hbm>> -> memref<100xf32, #tpu.memory_space<hbm>>
    %dma_start3A_217 = arith.constant 0 : i32
    %dma_start3A_218 = tpu.memref_slice %arg16[%add3A_213, %dma_start3A_217] : memref<1024x100xf32, #tpu.memory_space<hbm>> -> memref<1x100xf32, #tpu.memory_space<hbm>>
    %dma_start3A_219 = tpu.memref_squeeze %dma_start3A_218 : memref<1x100xf32, #tpu.memory_space<hbm>> -> memref<100xf32, #tpu.memory_space<hbm>>
    tpu.enqueue_dma source(%arg24 : memref<100xf32, #tpu.memory_space<vmem>>) target(%dma_start3A_219 : memref<100xf32, #tpu.memory_space<hbm>>) target_semaphore(%arg26 : memref<!tpu.dma_semaphore, #tpu.memory_space<semaphore_mem>>)
    %add3A_220 = arith.constant 22 : i32
    %add3A_221 = arith.addi %mul3A_43, %add3A_220 : i32
    %dma_start3A_222 = arith.constant 0 : i32
    %dma_start3A_223 = tpu.memref_slice %arg16[%add3A_221, %dma_start3A_222] : memref<1024x100xf32, #tpu.memory_space<hbm>> -> memref<1x100xf32, #tpu.memory_space<hbm>>
    %dma_start3A_224 = tpu.memref_squeeze %dma_start3A_223 : memref<1x100xf32, #tpu.memory_space<hbm>> -> memref<100xf32, #tpu.memory_space<hbm>>
    %dma_start3A_225 = arith.constant 0 : i32
    %dma_start3A_226 = tpu.memref_slice %arg16[%add3A_221, %dma_start3A_225] : memref<1024x100xf32, #tpu.memory_space<hbm>> -> memref<1x100xf32, #tpu.memory_space<hbm>>
    %dma_start3A_227 = tpu.memref_squeeze %dma_start3A_226 : memref<1x100xf32, #tpu.memory_space<hbm>> -> memref<100xf32, #tpu.memory_space<hbm>>
    tpu.enqueue_dma source(%arg24 : memref<100xf32, #tpu.memory_space<vmem>>) target(%dma_start3A_227 : memref<100xf32, #tpu.memory_space<hbm>>) target_semaphore(%arg26 : memref<!tpu.dma_semaphore, #tpu.memory_space<semaphore_mem>>)
    %add3A_228 = arith.constant 23 : i32
    %add3A_229 = arith.addi %mul3A_43, %add3A_228 : i32
    %dma_start3A_230 = arith.constant 0 : i32
    %dma_start3A_231 = tpu.memref_slice %arg16[%add3A_229, %dma_start3A_230] : memref<1024x100xf32, #tpu.memory_space<hbm>> -> memref<1x100xf32, #tpu.memory_space<hbm>>
    %dma_start3A_232 = tpu.memref_squeeze %dma_start3A_231 : memref<1x100xf32, #tpu.memory_space<hbm>> -> memref<100xf32, #tpu.memory_space<hbm>>
    %dma_start3A_233 = arith.constant 0 : i32
    %dma_start3A_234 = tpu.memref_slice %arg16[%add3A_229, %dma_start3A_233] : memref<1024x100xf32, #tpu.memory_space<hbm>> -> memref<1x100xf32, #tpu.memory_space<hbm>>
    %dma_start3A_235 = tpu.memref_squeeze %dma_start3A_234 : memref<1x100xf32, #tpu.memory_space<hbm>> -> memref<100xf32, #tpu.memory_space<hbm>>
    tpu.enqueue_dma source(%arg24 : memref<100xf32, #tpu.memory_space<vmem>>) target(%dma_start3A_235 : memref<100xf32, #tpu.memory_space<hbm>>) target_semaphore(%arg26 : memref<!tpu.dma_semaphore, #tpu.memory_space<semaphore_mem>>)
    %add3A_236 = arith.constant 24 : i32
    %add3A_237 = arith.addi %mul3A_43, %add3A_236 : i32
    %dma_start3A_238 = arith.constant 0 : i32
    %dma_start3A_239 = tpu.memref_slice %arg16[%add3A_237, %dma_start3A_238] : memref<1024x100xf32, #tpu.memory_space<hbm>> -> memref<1x100xf32, #tpu.memory_space<hbm>>
    %dma_start3A_240 = tpu.memref_squeeze %dma_start3A_239 : memref<1x100xf32, #tpu.memory_space<hbm>> -> memref<100xf32, #tpu.memory_space<hbm>>
    %dma_start3A_241 = arith.constant 0 : i32
    %dma_start3A_242 = tpu.memref_slice %arg16[%add3A_237, %dma_start3A_241] : memref<1024x100xf32, #tpu.memory_space<hbm>> -> memref<1x100xf32, #tpu.memory_space<hbm>>
    %dma_start3A_243 = tpu.memref_squeeze %dma_start3A_242 : memref<1x100xf32, #tpu.memory_space<hbm>> -> memref<100xf32, #tpu.memory_space<hbm>>
    tpu.enqueue_dma source(%arg24 : memref<100xf32, #tpu.memory_space<vmem>>) target(%dma_start3A_243 : memref<100xf32, #tpu.memory_space<hbm>>) target_semaphore(%arg26 : memref<!tpu.dma_semaphore, #tpu.memory_space<semaphore_mem>>)
    %add3A_244 = arith.constant 25 : i32
    %add3A_245 = arith.addi %mul3A_43, %add3A_244 : i32
    %dma_start3A_246 = arith.constant 0 : i32
    %dma_start3A_247 = tpu.memref_slice %arg16[%add3A_245, %dma_start3A_246] : memref<1024x100xf32, #tpu.memory_space<hbm>> -> memref<1x100xf32, #tpu.memory_space<hbm>>
    %dma_start3A_248 = tpu.memref_squeeze %dma_start3A_247 : memref<1x100xf32, #tpu.memory_space<hbm>> -> memref<100xf32, #tpu.memory_space<hbm>>
    %dma_start3A_249 = arith.constant 0 : i32
    %dma_start3A_250 = tpu.memref_slice %arg16[%add3A_245, %dma_start3A_249] : memref<1024x100xf32, #tpu.memory_space<hbm>> -> memref<1x100xf32, #tpu.memory_space<hbm>>
    %dma_start3A_251 = tpu.memref_squeeze %dma_start3A_250 : memref<1x100xf32, #tpu.memory_space<hbm>> -> memref<100xf32, #tpu.memory_space<hbm>>
    tpu.enqueue_dma source(%arg24 : memref<100xf32, #tpu.memory_space<vmem>>) target(%dma_start3A_251 : memref<100xf32, #tpu.memory_space<hbm>>) target_semaphore(%arg26 : memref<!tpu.dma_semaphore, #tpu.memory_space<semaphore_mem>>)
    %add3A_252 = arith.constant 26 : i32
    %add3A_253 = arith.addi %mul3A_43, %add3A_252 : i32
    %dma_start3A_254 = arith.constant 0 : i32
    %dma_start3A_255 = tpu.memref_slice %arg16[%add3A_253, %dma_start3A_254] : memref<1024x100xf32, #tpu.memory_space<hbm>> -> memref<1x100xf32, #tpu.memory_space<hbm>>
    %dma_start3A_256 = tpu.memref_squeeze %dma_start3A_255 : memref<1x100xf32, #tpu.memory_space<hbm>> -> memref<100xf32, #tpu.memory_space<hbm>>
    %dma_start3A_257 = arith.constant 0 : i32
    %dma_start3A_258 = tpu.memref_slice %arg16[%add3A_253, %dma_start3A_257] : memref<1024x100xf32, #tpu.memory_space<hbm>> -> memref<1x100xf32, #tpu.memory_space<hbm>>
    %dma_start3A_259 = tpu.memref_squeeze %dma_start3A_258 : memref<1x100xf32, #tpu.memory_space<hbm>> -> memref<100xf32, #tpu.memory_space<hbm>>
    tpu.enqueue_dma source(%arg24 : memref<100xf32, #tpu.memory_space<vmem>>) target(%dma_start3A_259 : memref<100xf32, #tpu.memory_space<hbm>>) target_semaphore(%arg26 : memref<!tpu.dma_semaphore, #tpu.memory_space<semaphore_mem>>)
    %add3A_260 = arith.constant 27 : i32
    %add3A_261 = arith.addi %mul3A_43, %add3A_260 : i32
    %dma_start3A_262 = arith.constant 0 : i32
    %dma_start3A_263 = tpu.memref_slice %arg16[%add3A_261, %dma_start3A_262] : memref<1024x100xf32, #tpu.memory_space<hbm>> -> memref<1x100xf32, #tpu.memory_space<hbm>>
    %dma_start3A_264 = tpu.memref_squeeze %dma_start3A_263 : memref<1x100xf32, #tpu.memory_space<hbm>> -> memref<100xf32, #tpu.memory_space<hbm>>
    %dma_start3A_265 = arith.constant 0 : i32
    %dma_start3A_266 = tpu.memref_slice %arg16[%add3A_261, %dma_start3A_265] : memref<1024x100xf32, #tpu.memory_space<hbm>> -> memref<1x100xf32, #tpu.memory_space<hbm>>
    %dma_start3A_267 = tpu.memref_squeeze %dma_start3A_266 : memref<1x100xf32, #tpu.memory_space<hbm>> -> memref<100xf32, #tpu.memory_space<hbm>>
    tpu.enqueue_dma source(%arg24 : memref<100xf32, #tpu.memory_space<vmem>>) target(%dma_start3A_267 : memref<100xf32, #tpu.memory_space<hbm>>) target_semaphore(%arg26 : memref<!tpu.dma_semaphore, #tpu.memory_space<semaphore_mem>>)
    %add3A_268 = arith.constant 28 : i32
    %add3A_269 = arith.addi %mul3A_43, %add3A_268 : i32
    %dma_start3A_270 = arith.constant 0 : i32
    %dma_start3A_271 = tpu.memref_slice %arg16[%add3A_269, %dma_start3A_270] : memref<1024x100xf32, #tpu.memory_space<hbm>> -> memref<1x100xf32, #tpu.memory_space<hbm>>
    %dma_start3A_272 = tpu.memref_squeeze %dma_start3A_271 : memref<1x100xf32, #tpu.memory_space<hbm>> -> memref<100xf32, #tpu.memory_space<hbm>>
    %dma_start3A_273 = arith.constant 0 : i32
    %dma_start3A_274 = tpu.memref_slice %arg16[%add3A_269, %dma_start3A_273] : memref<1024x100xf32, #tpu.memory_space<hbm>> -> memref<1x100xf32, #tpu.memory_space<hbm>>
    %dma_start3A_275 = tpu.memref_squeeze %dma_start3A_274 : memref<1x100xf32, #tpu.memory_space<hbm>> -> memref<100xf32, #tpu.memory_space<hbm>>
    tpu.enqueue_dma source(%arg24 : memref<100xf32, #tpu.memory_space<vmem>>) target(%dma_start3A_275 : memref<100xf32, #tpu.memory_space<hbm>>) target_semaphore(%arg26 : memref<!tpu.dma_semaphore, #tpu.memory_space<semaphore_mem>>)
    %add3A_276 = arith.constant 29 : i32
    %add3A_277 = arith.addi %mul3A_43, %add3A_276 : i32
    %dma_start3A_278 = arith.constant 0 : i32
    %dma_start3A_279 = tpu.memref_slice %arg16[%add3A_277, %dma_start3A_278] : memref<1024x100xf32, #tpu.memory_space<hbm>> -> memref<1x100xf32, #tpu.memory_space<hbm>>
    %dma_start3A_280 = tpu.memref_squeeze %dma_start3A_279 : memref<1x100xf32, #tpu.memory_space<hbm>> -> memref<100xf32, #tpu.memory_space<hbm>>
    %dma_start3A_281 = arith.constant 0 : i32
    %dma_start3A_282 = tpu.memref_slice %arg16[%add3A_277, %dma_start3A_281] : memref<1024x100xf32, #tpu.memory_space<hbm>> -> memref<1x100xf32, #tpu.memory_space<hbm>>
    %dma_start3A_283 = tpu.memref_squeeze %dma_start3A_282 : memref<1x100xf32, #tpu.memory_space<hbm>> -> memref<100xf32, #tpu.memory_space<hbm>>
    tpu.enqueue_dma source(%arg24 : memref<100xf32, #tpu.memory_space<vmem>>) target(%dma_start3A_283 : memref<100xf32, #tpu.memory_space<hbm>>) target_semaphore(%arg26 : memref<!tpu.dma_semaphore, #tpu.memory_space<semaphore_mem>>)
    %add3A_284 = arith.constant 30 : i32
    %add3A_285 = arith.addi %mul3A_43, %add3A_284 : i32
    %dma_start3A_286 = arith.constant 0 : i32
    %dma_start3A_287 = tpu.memref_slice %arg16[%add3A_285, %dma_start3A_286] : memref<1024x100xf32, #tpu.memory_space<hbm>> -> memref<1x100xf32, #tpu.memory_space<hbm>>
    %dma_start3A_288 = tpu.memref_squeeze %dma_start3A_287 : memref<1x100xf32, #tpu.memory_space<hbm>> -> memref<100xf32, #tpu.memory_space<hbm>>
    %dma_start3A_289 = arith.constant 0 : i32
    %dma_start3A_290 = tpu.memref_slice %arg16[%add3A_285, %dma_start3A_289] : memref<1024x100xf32, #tpu.memory_space<hbm>> -> memref<1x100xf32, #tpu.memory_space<hbm>>
    %dma_start3A_291 = tpu.memref_squeeze %dma_start3A_290 : memref<1x100xf32, #tpu.memory_space<hbm>> -> memref<100xf32, #tpu.memory_space<hbm>>
    tpu.enqueue_dma source(%arg24 : memref<100xf32, #tpu.memory_space<vmem>>) target(%dma_start3A_291 : memref<100xf32, #tpu.memory_space<hbm>>) target_semaphore(%arg26 : memref<!tpu.dma_semaphore, #tpu.memory_space<semaphore_mem>>)
    %add3A_292 = arith.constant 31 : i32
    %add3A_293 = arith.addi %mul3A_43, %add3A_292 : i32
    %dma_start3A_294 = arith.constant 0 : i32
    %dma_start3A_295 = tpu.memref_slice %arg16[%add3A_293, %dma_start3A_294] : memref<1024x100xf32, #tpu.memory_space<hbm>> -> memref<1x100xf32, #tpu.memory_space<hbm>>
    %dma_start3A_296 = tpu.memref_squeeze %dma_start3A_295 : memref<1x100xf32, #tpu.memory_space<hbm>> -> memref<100xf32, #tpu.memory_space<hbm>>
    %dma_start3A_297 = arith.constant 0 : i32
    %dma_start3A_298 = tpu.memref_slice %arg16[%add3A_293, %dma_start3A_297] : memref<1024x100xf32, #tpu.memory_space<hbm>> -> memref<1x100xf32, #tpu.memory_space<hbm>>
    %dma_start3A_299 = tpu.memref_squeeze %dma_start3A_298 : memref<1x100xf32, #tpu.memory_space<hbm>> -> memref<100xf32, #tpu.memory_space<hbm>>
    tpu.enqueue_dma source(%arg24 : memref<100xf32, #tpu.memory_space<vmem>>) target(%dma_start3A_299 : memref<100xf32, #tpu.memory_space<hbm>>) target_semaphore(%arg26 : memref<!tpu.dma_semaphore, #tpu.memory_space<semaphore_mem>>)
    %dma_wait3A_300 = arith.constant 0 : i32
    %dma_wait3A_301 = tpu.memref_slice %arg16[%add3A_45, %dma_wait3A_300] : memref<1024x100xf32, #tpu.memory_space<hbm>> -> memref<1x100xf32, #tpu.memory_space<hbm>>
    %dma_wait3A_302 = tpu.memref_squeeze %dma_wait3A_301 : memref<1x100xf32, #tpu.memory_space<hbm>> -> memref<100xf32, #tpu.memory_space<hbm>>
    %dma_wait3A_303 = arith.constant 0 : i32
    %dma_wait3A_304 = tpu.memref_slice %arg16[%add3A_45, %dma_wait3A_303] : memref<1024x100xf32, #tpu.memory_space<hbm>> -> memref<1x100xf32, #tpu.memory_space<hbm>>
    %dma_wait3A_305 = tpu.memref_squeeze %dma_wait3A_304 : memref<1x100xf32, #tpu.memory_space<hbm>> -> memref<100xf32, #tpu.memory_space<hbm>>
    tpu.wait_dma2 semaphore(%arg26 : memref<!tpu.dma_semaphore, #tpu.memory_space<semaphore_mem>>) src(%arg24 : memref<100xf32, #tpu.memory_space<vmem>>) dst(%dma_wait3A_305 : memref<100xf32, #tpu.memory_space<hbm>>)
    %dma_wait3A_306 = arith.constant 0 : i32
    %dma_wait3A_307 = tpu.memref_slice %arg16[%add3A_53, %dma_wait3A_306] : memref<1024x100xf32, #tpu.memory_space<hbm>> -> memref<1x100xf32, #tpu.memory_space<hbm>>
    %dma_wait3A_308 = tpu.memref_squeeze %dma_wait3A_307 : memref<1x100xf32, #tpu.memory_space<hbm>> -> memref<100xf32, #tpu.memory_space<hbm>>
    %dma_wait3A_309 = arith.constant 0 : i32
    %dma_wait3A_310 = tpu.memref_slice %arg16[%add3A_53, %dma_wait3A_309] : memref<1024x100xf32, #tpu.memory_space<hbm>> -> memref<1x100xf32, #tpu.memory_space<hbm>>
    %dma_wait3A_311 = tpu.memref_squeeze %dma_wait3A_310 : memref<1x100xf32, #tpu.memory_space<hbm>> -> memref<100xf32, #tpu.memory_space<hbm>>
    tpu.wait_dma2 semaphore(%arg26 : memref<!tpu.dma_semaphore, #tpu.memory_space<semaphore_mem>>) src(%arg24 : memref<100xf32, #tpu.memory_space<vmem>>) dst(%dma_wait3A_311 : memref<100xf32, #tpu.memory_space<hbm>>)
    %dma_wait3A_312 = arith.constant 0 : i32
    %dma_wait3A_313 = tpu.memref_slice %arg16[%add3A_61, %dma_wait3A_312] : memref<1024x100xf32, #tpu.memory_space<hbm>> -> memref<1x100xf32, #tpu.memory_space<hbm>>
    %dma_wait3A_314 = tpu.memref_squeeze %dma_wait3A_313 : memref<1x100xf32, #tpu.memory_space<hbm>> -> memref<100xf32, #tpu.memory_space<hbm>>
    %dma_wait3A_315 = arith.constant 0 : i32
    %dma_wait3A_316 = tpu.memref_slice %arg16[%add3A_61, %dma_wait3A_315] : memref<1024x100xf32, #tpu.memory_space<hbm>> -> memref<1x100xf32, #tpu.memory_space<hbm>>
    %dma_wait3A_317 = tpu.memref_squeeze %dma_wait3A_316 : memref<1x100xf32, #tpu.memory_space<hbm>> -> memref<100xf32, #tpu.memory_space<hbm>>
    tpu.wait_dma2 semaphore(%arg26 : memref<!tpu.dma_semaphore, #tpu.memory_space<semaphore_mem>>) src(%arg24 : memref<100xf32, #tpu.memory_space<vmem>>) dst(%dma_wait3A_317 : memref<100xf32, #tpu.memory_space<hbm>>)
    %dma_wait3A_318 = arith.constant 0 : i32
    %dma_wait3A_319 = tpu.memref_slice %arg16[%add3A_69, %dma_wait3A_318] : memref<1024x100xf32, #tpu.memory_space<hbm>> -> memref<1x100xf32, #tpu.memory_space<hbm>>
    %dma_wait3A_320 = tpu.memref_squeeze %dma_wait3A_319 : memref<1x100xf32, #tpu.memory_space<hbm>> -> memref<100xf32, #tpu.memory_space<hbm>>
    %dma_wait3A_321 = arith.constant 0 : i32
    %dma_wait3A_322 = tpu.memref_slice %arg16[%add3A_69, %dma_wait3A_321] : memref<1024x100xf32, #tpu.memory_space<hbm>> -> memref<1x100xf32, #tpu.memory_space<hbm>>
    %dma_wait3A_323 = tpu.memref_squeeze %dma_wait3A_322 : memref<1x100xf32, #tpu.memory_space<hbm>> -> memref<100xf32, #tpu.memory_space<hbm>>
    tpu.wait_dma2 semaphore(%arg26 : memref<!tpu.dma_semaphore, #tpu.memory_space<semaphore_mem>>) src(%arg24 : memref<100xf32, #tpu.memory_space<vmem>>) dst(%dma_wait3A_323 : memref<100xf32, #tpu.memory_space<hbm>>)
    %dma_wait3A_324 = arith.constant 0 : i32
    %dma_wait3A_325 = tpu.memref_slice %arg16[%add3A_77, %dma_wait3A_324] : memref<1024x100xf32, #tpu.memory_space<hbm>> -> memref<1x100xf32, #tpu.memory_space<hbm>>
    %dma_wait3A_326 = tpu.memref_squeeze %dma_wait3A_325 : memref<1x100xf32, #tpu.memory_space<hbm>> -> memref<100xf32, #tpu.memory_space<hbm>>
    %dma_wait3A_327 = arith.constant 0 : i32
    %dma_wait3A_328 = tpu.memref_slice %arg16[%add3A_77, %dma_wait3A_327] : memref<1024x100xf32, #tpu.memory_space<hbm>> -> memref<1x100xf32, #tpu.memory_space<hbm>>
    %dma_wait3A_329 = tpu.memref_squeeze %dma_wait3A_328 : memref<1x100xf32, #tpu.memory_space<hbm>> -> memref<100xf32, #tpu.memory_space<hbm>>
    tpu.wait_dma2 semaphore(%arg26 : memref<!tpu.dma_semaphore, #tpu.memory_space<semaphore_mem>>) src(%arg24 : memref<100xf32, #tpu.memory_space<vmem>>) dst(%dma_wait3A_329 : memref<100xf32, #tpu.memory_space<hbm>>)
    %dma_wait3A_330 = arith.constant 0 : i32
    %dma_wait3A_331 = tpu.memref_slice %arg16[%add3A_85, %dma_wait3A_330] : memref<1024x100xf32, #tpu.memory_space<hbm>> -> memref<1x100xf32, #tpu.memory_space<hbm>>
    %dma_wait3A_332 = tpu.memref_squeeze %dma_wait3A_331 : memref<1x100xf32, #tpu.memory_space<hbm>> -> memref<100xf32, #tpu.memory_space<hbm>>
    %dma_wait3A_333 = arith.constant 0 : i32
    %dma_wait3A_334 = tpu.memref_slice %arg16[%add3A_85, %dma_wait3A_333] : memref<1024x100xf32, #tpu.memory_space<hbm>> -> memref<1x100xf32, #tpu.memory_space<hbm>>
    %dma_wait3A_335 = tpu.memref_squeeze %dma_wait3A_334 : memref<1x100xf32, #tpu.memory_space<hbm>> -> memref<100xf32, #tpu.memory_space<hbm>>
    tpu.wait_dma2 semaphore(%arg26 : memref<!tpu.dma_semaphore, #tpu.memory_space<semaphore_mem>>) src(%arg24 : memref<100xf32, #tpu.memory_space<vmem>>) dst(%dma_wait3A_335 : memref<100xf32, #tpu.memory_space<hbm>>)
    %dma_wait3A_336 = arith.constant 0 : i32
    %dma_wait3A_337 = tpu.memref_slice %arg16[%add3A_93, %dma_wait3A_336] : memref<1024x100xf32, #tpu.memory_space<hbm>> -> memref<1x100xf32, #tpu.memory_space<hbm>>
    %dma_wait3A_338 = tpu.memref_squeeze %dma_wait3A_337 : memref<1x100xf32, #tpu.memory_space<hbm>> -> memref<100xf32, #tpu.memory_space<hbm>>
    %dma_wait3A_339 = arith.constant 0 : i32
    %dma_wait3A_340 = tpu.memref_slice %arg16[%add3A_93, %dma_wait3A_339] : memref<1024x100xf32, #tpu.memory_space<hbm>> -> memref<1x100xf32, #tpu.memory_space<hbm>>
    %dma_wait3A_341 = tpu.memref_squeeze %dma_wait3A_340 : memref<1x100xf32, #tpu.memory_space<hbm>> -> memref<100xf32, #tpu.memory_space<hbm>>
    tpu.wait_dma2 semaphore(%arg26 : memref<!tpu.dma_semaphore, #tpu.memory_space<semaphore_mem>>) src(%arg24 : memref<100xf32, #tpu.memory_space<vmem>>) dst(%dma_wait3A_341 : memref<100xf32, #tpu.memory_space<hbm>>)
    %dma_wait3A_342 = arith.constant 0 : i32
    %dma_wait3A_343 = tpu.memref_slice %arg16[%add3A_101, %dma_wait3A_342] : memref<1024x100xf32, #tpu.memory_space<hbm>> -> memref<1x100xf32, #tpu.memory_space<hbm>>
    %dma_wait3A_344 = tpu.memref_squeeze %dma_wait3A_343 : memref<1x100xf32, #tpu.memory_space<hbm>> -> memref<100xf32, #tpu.memory_space<hbm>>
    %dma_wait3A_345 = arith.constant 0 : i32
    %dma_wait3A_346 = tpu.memref_slice %arg16[%add3A_101, %dma_wait3A_345] : memref<1024x100xf32, #tpu.memory_space<hbm>> -> memref<1x100xf32, #tpu.memory_space<hbm>>
    %dma_wait3A_347 = tpu.memref_squeeze %dma_wait3A_346 : memref<1x100xf32, #tpu.memory_space<hbm>> -> memref<100xf32, #tpu.memory_space<hbm>>
    tpu.wait_dma2 semaphore(%arg26 : memref<!tpu.dma_semaphore, #tpu.memory_space<semaphore_mem>>) src(%arg24 : memref<100xf32, #tpu.memory_space<vmem>>) dst(%dma_wait3A_347 : memref<100xf32, #tpu.memory_space<hbm>>)
    %dma_wait3A_348 = arith.constant 0 : i32
    %dma_wait3A_349 = tpu.memref_slice %arg16[%add3A_109, %dma_wait3A_348] : memref<1024x100xf32, #tpu.memory_space<hbm>> -> memref<1x100xf32, #tpu.memory_space<hbm>>
    %dma_wait3A_350 = tpu.memref_squeeze %dma_wait3A_349 : memref<1x100xf32, #tpu.memory_space<hbm>> -> memref<100xf32, #tpu.memory_space<hbm>>
    %dma_wait3A_351 = arith.constant 0 : i32
    %dma_wait3A_352 = tpu.memref_slice %arg16[%add3A_109, %dma_wait3A_351] : memref<1024x100xf32, #tpu.memory_space<hbm>> -> memref<1x100xf32, #tpu.memory_space<hbm>>
    %dma_wait3A_353 = tpu.memref_squeeze %dma_wait3A_352 : memref<1x100xf32, #tpu.memory_space<hbm>> -> memref<100xf32, #tpu.memory_space<hbm>>
    tpu.wait_dma2 semaphore(%arg26 : memref<!tpu.dma_semaphore, #tpu.memory_space<semaphore_mem>>) src(%arg24 : memref<100xf32, #tpu.memory_space<vmem>>) dst(%dma_wait3A_353 : memref<100xf32, #tpu.memory_space<hbm>>)
    %dma_wait3A_354 = arith.constant 0 : i32
    %dma_wait3A_355 = tpu.memref_slice %arg16[%add3A_117, %dma_wait3A_354] : memref<1024x100xf32, #tpu.memory_space<hbm>> -> memref<1x100xf32, #tpu.memory_space<hbm>>
    %dma_wait3A_356 = tpu.memref_squeeze %dma_wait3A_355 : memref<1x100xf32, #tpu.memory_space<hbm>> -> memref<100xf32, #tpu.memory_space<hbm>>
    %dma_wait3A_357 = arith.constant 0 : i32
    %dma_wait3A_358 = tpu.memref_slice %arg16[%add3A_117, %dma_wait3A_357] : memref<1024x100xf32, #tpu.memory_space<hbm>> -> memref<1x100xf32, #tpu.memory_space<hbm>>
    %dma_wait3A_359 = tpu.memref_squeeze %dma_wait3A_358 : memref<1x100xf32, #tpu.memory_space<hbm>> -> memref<100xf32, #tpu.memory_space<hbm>>
    tpu.wait_dma2 semaphore(%arg26 : memref<!tpu.dma_semaphore, #tpu.memory_space<semaphore_mem>>) src(%arg24 : memref<100xf32, #tpu.memory_space<vmem>>) dst(%dma_wait3A_359 : memref<100xf32, #tpu.memory_space<hbm>>)
    %dma_wait3A_360 = arith.constant 0 : i32
    %dma_wait3A_361 = tpu.memref_slice %arg16[%add3A_125, %dma_wait3A_360] : memref<1024x100xf32, #tpu.memory_space<hbm>> -> memref<1x100xf32, #tpu.memory_space<hbm>>
    %dma_wait3A_362 = tpu.memref_squeeze %dma_wait3A_361 : memref<1x100xf32, #tpu.memory_space<hbm>> -> memref<100xf32, #tpu.memory_space<hbm>>
    %dma_wait3A_363 = arith.constant 0 : i32
    %dma_wait3A_364 = tpu.memref_slice %arg16[%add3A_125, %dma_wait3A_363] : memref<1024x100xf32, #tpu.memory_space<hbm>> -> memref<1x100xf32, #tpu.memory_space<hbm>>
    %dma_wait3A_365 = tpu.memref_squeeze %dma_wait3A_364 : memref<1x100xf32, #tpu.memory_space<hbm>> -> memref<100xf32, #tpu.memory_space<hbm>>
    tpu.wait_dma2 semaphore(%arg26 : memref<!tpu.dma_semaphore, #tpu.memory_space<semaphore_mem>>) src(%arg24 : memref<100xf32, #tpu.memory_space<vmem>>) dst(%dma_wait3A_365 : memref<100xf32, #tpu.memory_space<hbm>>)
    %dma_wait3A_366 = arith.constant 0 : i32
    %dma_wait3A_367 = tpu.memref_slice %arg16[%add3A_133, %dma_wait3A_366] : memref<1024x100xf32, #tpu.memory_space<hbm>> -> memref<1x100xf32, #tpu.memory_space<hbm>>
    %dma_wait3A_368 = tpu.memref_squeeze %dma_wait3A_367 : memref<1x100xf32, #tpu.memory_space<hbm>> -> memref<100xf32, #tpu.memory_space<hbm>>
    %dma_wait3A_369 = arith.constant 0 : i32
    %dma_wait3A_370 = tpu.memref_slice %arg16[%add3A_133, %dma_wait3A_369] : memref<1024x100xf32, #tpu.memory_space<hbm>> -> memref<1x100xf32, #tpu.memory_space<hbm>>
    %dma_wait3A_371 = tpu.memref_squeeze %dma_wait3A_370 : memref<1x100xf32, #tpu.memory_space<hbm>> -> memref<100xf32, #tpu.memory_space<hbm>>
    tpu.wait_dma2 semaphore(%arg26 : memref<!tpu.dma_semaphore, #tpu.memory_space<semaphore_mem>>) src(%arg24 : memref<100xf32, #tpu.memory_space<vmem>>) dst(%dma_wait3A_371 : memref<100xf32, #tpu.memory_space<hbm>>)
    %dma_wait3A_372 = arith.constant 0 : i32
    %dma_wait3A_373 = tpu.memref_slice %arg16[%add3A_141, %dma_wait3A_372] : memref<1024x100xf32, #tpu.memory_space<hbm>> -> memref<1x100xf32, #tpu.memory_space<hbm>>
    %dma_wait3A_374 = tpu.memref_squeeze %dma_wait3A_373 : memref<1x100xf32, #tpu.memory_space<hbm>> -> memref<100xf32, #tpu.memory_space<hbm>>
    %dma_wait3A_375 = arith.constant 0 : i32
    %dma_wait3A_376 = tpu.memref_slice %arg16[%add3A_141, %dma_wait3A_375] : memref<1024x100xf32, #tpu.memory_space<hbm>> -> memref<1x100xf32, #tpu.memory_space<hbm>>
    %dma_wait3A_377 = tpu.memref_squeeze %dma_wait3A_376 : memref<1x100xf32, #tpu.memory_space<hbm>> -> memref<100xf32, #tpu.memory_space<hbm>>
    tpu.wait_dma2 semaphore(%arg26 : memref<!tpu.dma_semaphore, #tpu.memory_space<semaphore_mem>>) src(%arg24 : memref<100xf32, #tpu.memory_space<vmem>>) dst(%dma_wait3A_377 : memref<100xf32, #tpu.memory_space<hbm>>)
    %dma_wait3A_378 = arith.constant 0 : i32
    %dma_wait3A_379 = tpu.memref_slice %arg16[%add3A_149, %dma_wait3A_378] : memref<1024x100xf32, #tpu.memory_space<hbm>> -> memref<1x100xf32, #tpu.memory_space<hbm>>
    %dma_wait3A_380 = tpu.memref_squeeze %dma_wait3A_379 : memref<1x100xf32, #tpu.memory_space<hbm>> -> memref<100xf32, #tpu.memory_space<hbm>>
    %dma_wait3A_381 = arith.constant 0 : i32
    %dma_wait3A_382 = tpu.memref_slice %arg16[%add3A_149, %dma_wait3A_381] : memref<1024x100xf32, #tpu.memory_space<hbm>> -> memref<1x100xf32, #tpu.memory_space<hbm>>
    %dma_wait3A_383 = tpu.memref_squeeze %dma_wait3A_382 : memref<1x100xf32, #tpu.memory_space<hbm>> -> memref<100xf32, #tpu.memory_space<hbm>>
    tpu.wait_dma2 semaphore(%arg26 : memref<!tpu.dma_semaphore, #tpu.memory_space<semaphore_mem>>) src(%arg24 : memref<100xf32, #tpu.memory_space<vmem>>) dst(%dma_wait3A_383 : memref<100xf32, #tpu.memory_space<hbm>>)
    %dma_wait3A_384 = arith.constant 0 : i32
    %dma_wait3A_385 = tpu.memref_slice %arg16[%add3A_157, %dma_wait3A_384] : memref<1024x100xf32, #tpu.memory_space<hbm>> -> memref<1x100xf32, #tpu.memory_space<hbm>>
    %dma_wait3A_386 = tpu.memref_squeeze %dma_wait3A_385 : memref<1x100xf32, #tpu.memory_space<hbm>> -> memref<100xf32, #tpu.memory_space<hbm>>
    %dma_wait3A_387 = arith.constant 0 : i32
    %dma_wait3A_388 = tpu.memref_slice %arg16[%add3A_157, %dma_wait3A_387] : memref<1024x100xf32, #tpu.memory_space<hbm>> -> memref<1x100xf32, #tpu.memory_space<hbm>>
    %dma_wait3A_389 = tpu.memref_squeeze %dma_wait3A_388 : memref<1x100xf32, #tpu.memory_space<hbm>> -> memref<100xf32, #tpu.memory_space<hbm>>
    tpu.wait_dma2 semaphore(%arg26 : memref<!tpu.dma_semaphore, #tpu.memory_space<semaphore_mem>>) src(%arg24 : memref<100xf32, #tpu.memory_space<vmem>>) dst(%dma_wait3A_389 : memref<100xf32, #tpu.memory_space<hbm>>)
    %dma_wait3A_390 = arith.constant 0 : i32
    %dma_wait3A_391 = tpu.memref_slice %arg16[%add3A_165, %dma_wait3A_390] : memref<1024x100xf32, #tpu.memory_space<hbm>> -> memref<1x100xf32, #tpu.memory_space<hbm>>
    %dma_wait3A_392 = tpu.memref_squeeze %dma_wait3A_391 : memref<1x100xf32, #tpu.memory_space<hbm>> -> memref<100xf32, #tpu.memory_space<hbm>>
    %dma_wait3A_393 = arith.constant 0 : i32
    %dma_wait3A_394 = tpu.memref_slice %arg16[%add3A_165, %dma_wait3A_393] : memref<1024x100xf32, #tpu.memory_space<hbm>> -> memref<1x100xf32, #tpu.memory_space<hbm>>
    %dma_wait3A_395 = tpu.memref_squeeze %dma_wait3A_394 : memref<1x100xf32, #tpu.memory_space<hbm>> -> memref<100xf32, #tpu.memory_space<hbm>>
    tpu.wait_dma2 semaphore(%arg26 : memref<!tpu.dma_semaphore, #tpu.memory_space<semaphore_mem>>) src(%arg24 : memref<100xf32, #tpu.memory_space<vmem>>) dst(%dma_wait3A_395 : memref<100xf32, #tpu.memory_space<hbm>>)
    %dma_wait3A_396 = arith.constant 0 : i32
    %dma_wait3A_397 = tpu.memref_slice %arg16[%add3A_173, %dma_wait3A_396] : memref<1024x100xf32, #tpu.memory_space<hbm>> -> memref<1x100xf32, #tpu.memory_space<hbm>>
    %dma_wait3A_398 = tpu.memref_squeeze %dma_wait3A_397 : memref<1x100xf32, #tpu.memory_space<hbm>> -> memref<100xf32, #tpu.memory_space<hbm>>
    %dma_wait3A_399 = arith.constant 0 : i32
    %dma_wait3A_400 = tpu.memref_slice %arg16[%add3A_173, %dma_wait3A_399] : memref<1024x100xf32, #tpu.memory_space<hbm>> -> memref<1x100xf32, #tpu.memory_space<hbm>>
    %dma_wait3A_401 = tpu.memref_squeeze %dma_wait3A_400 : memref<1x100xf32, #tpu.memory_space<hbm>> -> memref<100xf32, #tpu.memory_space<hbm>>
    tpu.wait_dma2 semaphore(%arg26 : memref<!tpu.dma_semaphore, #tpu.memory_space<semaphore_mem>>) src(%arg24 : memref<100xf32, #tpu.memory_space<vmem>>) dst(%dma_wait3A_401 : memref<100xf32, #tpu.memory_space<hbm>>)
    %dma_wait3A_402 = arith.constant 0 : i32
    %dma_wait3A_403 = tpu.memref_slice %arg16[%add3A_181, %dma_wait3A_402] : memref<1024x100xf32, #tpu.memory_space<hbm>> -> memref<1x100xf32, #tpu.memory_space<hbm>>
    %dma_wait3A_404 = tpu.memref_squeeze %dma_wait3A_403 : memref<1x100xf32, #tpu.memory_space<hbm>> -> memref<100xf32, #tpu.memory_space<hbm>>
    %dma_wait3A_405 = arith.constant 0 : i32
    %dma_wait3A_406 = tpu.memref_slice %arg16[%add3A_181, %dma_wait3A_405] : memref<1024x100xf32, #tpu.memory_space<hbm>> -> memref<1x100xf32, #tpu.memory_space<hbm>>
    %dma_wait3A_407 = tpu.memref_squeeze %dma_wait3A_406 : memref<1x100xf32, #tpu.memory_space<hbm>> -> memref<100xf32, #tpu.memory_space<hbm>>
    tpu.wait_dma2 semaphore(%arg26 : memref<!tpu.dma_semaphore, #tpu.memory_space<semaphore_mem>>) src(%arg24 : memref<100xf32, #tpu.memory_space<vmem>>) dst(%dma_wait3A_407 : memref<100xf32, #tpu.memory_space<hbm>>)
    %dma_wait3A_408 = arith.constant 0 : i32
    %dma_wait3A_409 = tpu.memref_slice %arg16[%add3A_189, %dma_wait3A_408] : memref<1024x100xf32, #tpu.memory_space<hbm>> -> memref<1x100xf32, #tpu.memory_space<hbm>>
    %dma_wait3A_410 = tpu.memref_squeeze %dma_wait3A_409 : memref<1x100xf32, #tpu.memory_space<hbm>> -> memref<100xf32, #tpu.memory_space<hbm>>
    %dma_wait3A_411 = arith.constant 0 : i32
    %dma_wait3A_412 = tpu.memref_slice %arg16[%add3A_189, %dma_wait3A_411] : memref<1024x100xf32, #tpu.memory_space<hbm>> -> memref<1x100xf32, #tpu.memory_space<hbm>>
    %dma_wait3A_413 = tpu.memref_squeeze %dma_wait3A_412 : memref<1x100xf32, #tpu.memory_space<hbm>> -> memref<100xf32, #tpu.memory_space<hbm>>
    tpu.wait_dma2 semaphore(%arg26 : memref<!tpu.dma_semaphore, #tpu.memory_space<semaphore_mem>>) src(%arg24 : memref<100xf32, #tpu.memory_space<vmem>>) dst(%dma_wait3A_413 : memref<100xf32, #tpu.memory_space<hbm>>)
    %dma_wait3A_414 = arith.constant 0 : i32
    %dma_wait3A_415 = tpu.memref_slice %arg16[%add3A_197, %dma_wait3A_414] : memref<1024x100xf32, #tpu.memory_space<hbm>> -> memref<1x100xf32, #tpu.memory_space<hbm>>
    %dma_wait3A_416 = tpu.memref_squeeze %dma_wait3A_415 : memref<1x100xf32, #tpu.memory_space<hbm>> -> memref<100xf32, #tpu.memory_space<hbm>>
    %dma_wait3A_417 = arith.constant 0 : i32
    %dma_wait3A_418 = tpu.memref_slice %arg16[%add3A_197, %dma_wait3A_417] : memref<1024x100xf32, #tpu.memory_space<hbm>> -> memref<1x100xf32, #tpu.memory_space<hbm>>
    %dma_wait3A_419 = tpu.memref_squeeze %dma_wait3A_418 : memref<1x100xf32, #tpu.memory_space<hbm>> -> memref<100xf32, #tpu.memory_space<hbm>>
    tpu.wait_dma2 semaphore(%arg26 : memref<!tpu.dma_semaphore, #tpu.memory_space<semaphore_mem>>) src(%arg24 : memref<100xf32, #tpu.memory_space<vmem>>) dst(%dma_wait3A_419 : memref<100xf32, #tpu.memory_space<hbm>>)
    %dma_wait3A_420 = arith.constant 0 : i32
    %dma_wait3A_421 = tpu.memref_slice %arg16[%add3A_205, %dma_wait3A_420] : memref<1024x100xf32, #tpu.memory_space<hbm>> -> memref<1x100xf32, #tpu.memory_space<hbm>>
    %dma_wait3A_422 = tpu.memref_squeeze %dma_wait3A_421 : memref<1x100xf32, #tpu.memory_space<hbm>> -> memref<100xf32, #tpu.memory_space<hbm>>
    %dma_wait3A_423 = arith.constant 0 : i32
    %dma_wait3A_424 = tpu.memref_slice %arg16[%add3A_205, %dma_wait3A_423] : memref<1024x100xf32, #tpu.memory_space<hbm>> -> memref<1x100xf32, #tpu.memory_space<hbm>>
    %dma_wait3A_425 = tpu.memref_squeeze %dma_wait3A_424 : memref<1x100xf32, #tpu.memory_space<hbm>> -> memref<100xf32, #tpu.memory_space<hbm>>
    tpu.wait_dma2 semaphore(%arg26 : memref<!tpu.dma_semaphore, #tpu.memory_space<semaphore_mem>>) src(%arg24 : memref<100xf32, #tpu.memory_space<vmem>>) dst(%dma_wait3A_425 : memref<100xf32, #tpu.memory_space<hbm>>)
    %dma_wait3A_426 = arith.constant 0 : i32
    %dma_wait3A_427 = tpu.memref_slice %arg16[%add3A_213, %dma_wait3A_426] : memref<1024x100xf32, #tpu.memory_space<hbm>> -> memref<1x100xf32, #tpu.memory_space<hbm>>
    %dma_wait3A_428 = tpu.memref_squeeze %dma_wait3A_427 : memref<1x100xf32, #tpu.memory_space<hbm>> -> memref<100xf32, #tpu.memory_space<hbm>>
    %dma_wait3A_429 = arith.constant 0 : i32
    %dma_wait3A_430 = tpu.memref_slice %arg16[%add3A_213, %dma_wait3A_429] : memref<1024x100xf32, #tpu.memory_space<hbm>> -> memref<1x100xf32, #tpu.memory_space<hbm>>
    %dma_wait3A_431 = tpu.memref_squeeze %dma_wait3A_430 : memref<1x100xf32, #tpu.memory_space<hbm>> -> memref<100xf32, #tpu.memory_space<hbm>>
    tpu.wait_dma2 semaphore(%arg26 : memref<!tpu.dma_semaphore, #tpu.memory_space<semaphore_mem>>) src(%arg24 : memref<100xf32, #tpu.memory_space<vmem>>) dst(%dma_wait3A_431 : memref<100xf32, #tpu.memory_space<hbm>>)
    %dma_wait3A_432 = arith.constant 0 : i32
    %dma_wait3A_433 = tpu.memref_slice %arg16[%add3A_221, %dma_wait3A_432] : memref<1024x100xf32, #tpu.memory_space<hbm>> -> memref<1x100xf32, #tpu.memory_space<hbm>>
    %dma_wait3A_434 = tpu.memref_squeeze %dma_wait3A_433 : memref<1x100xf32, #tpu.memory_space<hbm>> -> memref<100xf32, #tpu.memory_space<hbm>>
    %dma_wait3A_435 = arith.constant 0 : i32
    %dma_wait3A_436 = tpu.memref_slice %arg16[%add3A_221, %dma_wait3A_435] : memref<1024x100xf32, #tpu.memory_space<hbm>> -> memref<1x100xf32, #tpu.memory_space<hbm>>
    %dma_wait3A_437 = tpu.memref_squeeze %dma_wait3A_436 : memref<1x100xf32, #tpu.memory_space<hbm>> -> memref<100xf32, #tpu.memory_space<hbm>>
    tpu.wait_dma2 semaphore(%arg26 : memref<!tpu.dma_semaphore, #tpu.memory_space<semaphore_mem>>) src(%arg24 : memref<100xf32, #tpu.memory_space<vmem>>) dst(%dma_wait3A_437 : memref<100xf32, #tpu.memory_space<hbm>>)
    %dma_wait3A_438 = arith.constant 0 : i32
    %dma_wait3A_439 = tpu.memref_slice %arg16[%add3A_229, %dma_wait3A_438] : memref<1024x100xf32, #tpu.memory_space<hbm>> -> memref<1x100xf32, #tpu.memory_space<hbm>>
    %dma_wait3A_440 = tpu.memref_squeeze %dma_wait3A_439 : memref<1x100xf32, #tpu.memory_space<hbm>> -> memref<100xf32, #tpu.memory_space<hbm>>
    %dma_wait3A_441 = arith.constant 0 : i32
    %dma_wait3A_442 = tpu.memref_slice %arg16[%add3A_229, %dma_wait3A_441] : memref<1024x100xf32, #tpu.memory_space<hbm>> -> memref<1x100xf32, #tpu.memory_space<hbm>>
    %dma_wait3A_443 = tpu.memref_squeeze %dma_wait3A_442 : memref<1x100xf32, #tpu.memory_space<hbm>> -> memref<100xf32, #tpu.memory_space<hbm>>
    tpu.wait_dma2 semaphore(%arg26 : memref<!tpu.dma_semaphore, #tpu.memory_space<semaphore_mem>>) src(%arg24 : memref<100xf32, #tpu.memory_space<vmem>>) dst(%dma_wait3A_443 : memref<100xf32, #tpu.memory_space<hbm>>)
    %dma_wait3A_444 = arith.constant 0 : i32
    %dma_wait3A_445 = tpu.memref_slice %arg16[%add3A_237, %dma_wait3A_444] : memref<1024x100xf32, #tpu.memory_space<hbm>> -> memref<1x100xf32, #tpu.memory_space<hbm>>
    %dma_wait3A_446 = tpu.memref_squeeze %dma_wait3A_445 : memref<1x100xf32, #tpu.memory_space<hbm>> -> memref<100xf32, #tpu.memory_space<hbm>>
    %dma_wait3A_447 = arith.constant 0 : i32
    %dma_wait3A_448 = tpu.memref_slice %arg16[%add3A_237, %dma_wait3A_447] : memref<1024x100xf32, #tpu.memory_space<hbm>> -> memref<1x100xf32, #tpu.memory_space<hbm>>
    %dma_wait3A_449 = tpu.memref_squeeze %dma_wait3A_448 : memref<1x100xf32, #tpu.memory_space<hbm>> -> memref<100xf32, #tpu.memory_space<hbm>>
    tpu.wait_dma2 semaphore(%arg26 : memref<!tpu.dma_semaphore, #tpu.memory_space<semaphore_mem>>) src(%arg24 : memref<100xf32, #tpu.memory_space<vmem>>) dst(%dma_wait3A_449 : memref<100xf32, #tpu.memory_space<hbm>>)
    %dma_wait3A_450 = arith.constant 0 : i32
    %dma_wait3A_451 = tpu.memref_slice %arg16[%add3A_245, %dma_wait3A_450] : memref<1024x100xf32, #tpu.memory_space<hbm>> -> memref<1x100xf32, #tpu.memory_space<hbm>>
    %dma_wait3A_452 = tpu.memref_squeeze %dma_wait3A_451 : memref<1x100xf32, #tpu.memory_space<hbm>> -> memref<100xf32, #tpu.memory_space<hbm>>
    %dma_wait3A_453 = arith.constant 0 : i32
    %dma_wait3A_454 = tpu.memref_slice %arg16[%add3A_245, %dma_wait3A_453] : memref<1024x100xf32, #tpu.memory_space<hbm>> -> memref<1x100xf32, #tpu.memory_space<hbm>>
    %dma_wait3A_455 = tpu.memref_squeeze %dma_wait3A_454 : memref<1x100xf32, #tpu.memory_space<hbm>> -> memref<100xf32, #tpu.memory_space<hbm>>
    tpu.wait_dma2 semaphore(%arg26 : memref<!tpu.dma_semaphore, #tpu.memory_space<semaphore_mem>>) src(%arg24 : memref<100xf32, #tpu.memory_space<vmem>>) dst(%dma_wait3A_455 : memref<100xf32, #tpu.memory_space<hbm>>)
    %dma_wait3A_456 = arith.constant 0 : i32
    %dma_wait3A_457 = tpu.memref_slice %arg16[%add3A_253, %dma_wait3A_456] : memref<1024x100xf32, #tpu.memory_space<hbm>> -> memref<1x100xf32, #tpu.memory_space<hbm>>
    %dma_wait3A_458 = tpu.memref_squeeze %dma_wait3A_457 : memref<1x100xf32, #tpu.memory_space<hbm>> -> memref<100xf32, #tpu.memory_space<hbm>>
    %dma_wait3A_459 = arith.constant 0 : i32
    %dma_wait3A_460 = tpu.memref_slice %arg16[%add3A_253, %dma_wait3A_459] : memref<1024x100xf32, #tpu.memory_space<hbm>> -> memref<1x100xf32, #tpu.memory_space<hbm>>
    %dma_wait3A_461 = tpu.memref_squeeze %dma_wait3A_460 : memref<1x100xf32, #tpu.memory_space<hbm>> -> memref<100xf32, #tpu.memory_space<hbm>>
    tpu.wait_dma2 semaphore(%arg26 : memref<!tpu.dma_semaphore, #tpu.memory_space<semaphore_mem>>) src(%arg24 : memref<100xf32, #tpu.memory_space<vmem>>) dst(%dma_wait3A_461 : memref<100xf32, #tpu.memory_space<hbm>>)
    %dma_wait3A_462 = arith.constant 0 : i32
    %dma_wait3A_463 = tpu.memref_slice %arg16[%add3A_261, %dma_wait3A_462] : memref<1024x100xf32, #tpu.memory_space<hbm>> -> memref<1x100xf32, #tpu.memory_space<hbm>>
    %dma_wait3A_464 = tpu.memref_squeeze %dma_wait3A_463 : memref<1x100xf32, #tpu.memory_space<hbm>> -> memref<100xf32, #tpu.memory_space<hbm>>
    %dma_wait3A_465 = arith.constant 0 : i32
    %dma_wait3A_466 = tpu.memref_slice %arg16[%add3A_261, %dma_wait3A_465] : memref<1024x100xf32, #tpu.memory_space<hbm>> -> memref<1x100xf32, #tpu.memory_space<hbm>>
    %dma_wait3A_467 = tpu.memref_squeeze %dma_wait3A_466 : memref<1x100xf32, #tpu.memory_space<hbm>> -> memref<100xf32, #tpu.memory_space<hbm>>
    tpu.wait_dma2 semaphore(%arg26 : memref<!tpu.dma_semaphore, #tpu.memory_space<semaphore_mem>>) src(%arg24 : memref<100xf32, #tpu.memory_space<vmem>>) dst(%dma_wait3A_467 : memref<100xf32, #tpu.memory_space<hbm>>)
    %dma_wait3A_468 = arith.constant 0 : i32
    %dma_wait3A_469 = tpu.memref_slice %arg16[%add3A_269, %dma_wait3A_468] : memref<1024x100xf32, #tpu.memory_space<hbm>> -> memref<1x100xf32, #tpu.memory_space<hbm>>
    %dma_wait3A_470 = tpu.memref_squeeze %dma_wait3A_469 : memref<1x100xf32, #tpu.memory_space<hbm>> -> memref<100xf32, #tpu.memory_space<hbm>>
    %dma_wait3A_471 = arith.constant 0 : i32
    %dma_wait3A_472 = tpu.memref_slice %arg16[%add3A_269, %dma_wait3A_471] : memref<1024x100xf32, #tpu.memory_space<hbm>> -> memref<1x100xf32, #tpu.memory_space<hbm>>
    %dma_wait3A_473 = tpu.memref_squeeze %dma_wait3A_472 : memref<1x100xf32, #tpu.memory_space<hbm>> -> memref<100xf32, #tpu.memory_space<hbm>>
    tpu.wait_dma2 semaphore(%arg26 : memref<!tpu.dma_semaphore, #tpu.memory_space<semaphore_mem>>) src(%arg24 : memref<100xf32, #tpu.memory_space<vmem>>) dst(%dma_wait3A_473 : memref<100xf32, #tpu.memory_space<hbm>>)
    %dma_wait3A_474 = arith.constant 0 : i32
    %dma_wait3A_475 = tpu.memref_slice %arg16[%add3A_277, %dma_wait3A_474] : memref<1024x100xf32, #tpu.memory_space<hbm>> -> memref<1x100xf32, #tpu.memory_space<hbm>>
    %dma_wait3A_476 = tpu.memref_squeeze %dma_wait3A_475 : memref<1x100xf32, #tpu.memory_space<hbm>> -> memref<100xf32, #tpu.memory_space<hbm>>
    %dma_wait3A_477 = arith.constant 0 : i32
    %dma_wait3A_478 = tpu.memref_slice %arg16[%add3A_277, %dma_wait3A_477] : memref<1024x100xf32, #tpu.memory_space<hbm>> -> memref<1x100xf32, #tpu.memory_space<hbm>>
    %dma_wait3A_479 = tpu.memref_squeeze %dma_wait3A_478 : memref<1x100xf32, #tpu.memory_space<hbm>> -> memref<100xf32, #tpu.memory_space<hbm>>
    tpu.wait_dma2 semaphore(%arg26 : memref<!tpu.dma_semaphore, #tpu.memory_space<semaphore_mem>>) src(%arg24 : memref<100xf32, #tpu.memory_space<vmem>>) dst(%dma_wait3A_479 : memref<100xf32, #tpu.memory_space<hbm>>)
    %dma_wait3A_480 = arith.constant 0 : i32
    %dma_wait3A_481 = tpu.memref_slice %arg16[%add3A_285, %dma_wait3A_480] : memref<1024x100xf32, #tpu.memory_space<hbm>> -> memref<1x100xf32, #tpu.memory_space<hbm>>
    %dma_wait3A_482 = tpu.memref_squeeze %dma_wait3A_481 : memref<1x100xf32, #tpu.memory_space<hbm>> -> memref<100xf32, #tpu.memory_space<hbm>>
    %dma_wait3A_483 = arith.constant 0 : i32
    %dma_wait3A_484 = tpu.memref_slice %arg16[%add3A_285, %dma_wait3A_483] : memref<1024x100xf32, #tpu.memory_space<hbm>> -> memref<1x100xf32, #tpu.memory_space<hbm>>
    %dma_wait3A_485 = tpu.memref_squeeze %dma_wait3A_484 : memref<1x100xf32, #tpu.memory_space<hbm>> -> memref<100xf32, #tpu.memory_space<hbm>>
    tpu.wait_dma2 semaphore(%arg26 : memref<!tpu.dma_semaphore, #tpu.memory_space<semaphore_mem>>) src(%arg24 : memref<100xf32, #tpu.memory_space<vmem>>) dst(%dma_wait3A_485 : memref<100xf32, #tpu.memory_space<hbm>>)
    %dma_wait3A_486 = arith.constant 0 : i32
    %dma_wait3A_487 = tpu.memref_slice %arg16[%add3A_293, %dma_wait3A_486] : memref<1024x100xf32, #tpu.memory_space<hbm>> -> memref<1x100xf32, #tpu.memory_space<hbm>>
    %dma_wait3A_488 = tpu.memref_squeeze %dma_wait3A_487 : memref<1x100xf32, #tpu.memory_space<hbm>> -> memref<100xf32, #tpu.memory_space<hbm>>
    %dma_wait3A_489 = arith.constant 0 : i32
    %dma_wait3A_490 = tpu.memref_slice %arg16[%add3A_293, %dma_wait3A_489] : memref<1024x100xf32, #tpu.memory_space<hbm>> -> memref<1x100xf32, #tpu.memory_space<hbm>>
    %dma_wait3A_491 = tpu.memref_squeeze %dma_wait3A_490 : memref<1x100xf32, #tpu.memory_space<hbm>> -> memref<100xf32, #tpu.memory_space<hbm>>
    tpu.wait_dma2 semaphore(%arg26 : memref<!tpu.dma_semaphore, #tpu.memory_space<semaphore_mem>>) src(%arg24 : memref<100xf32, #tpu.memory_space<vmem>>) dst(%dma_wait3A_491 : memref<100xf32, #tpu.memory_space<hbm>>)
    %mul3A_492 = arith.constant 64 : i32
    %mul3A_493 = arith.muli %add3A, %mul3A_492 : i32
    %scan3A_494 = arith.constant 0 : i32
    %scan3A_495 = arith.constant 0 : i32
    %mul3A_496 = arith.constant 64 : i32
    %mul3A_497 = arith.muli %scan3A_495, %mul3A_496 : i32
    %add3A_498 = arith.addi %mul3A_493, %mul3A_497 : i32
    "tpu.region"() ({
      %run_scoped3A = tpu.sem_alloc : memref<!tpu.dma_semaphore, #tpu.memory_space<semaphore_mem>>
      %dma_start3A_778 = arith.constant 0 : i32
      %dma_start3A_779 = tpu.memref_slice %arg21[%dma_start3A_778] : memref<960xi32, #tpu.memory_space<vmem>> -> memref<64xi32, #tpu.memory_space<vmem>>
      %dma_start3A_780 = tpu.memref_slice %arg3[%add3A_498] : memref<2048xi32, #tpu.memory_space<hbm>> -> memref<64xi32, #tpu.memory_space<hbm>>
      %dma_start3A_781 = arith.constant 0 : i32
      %dma_start3A_782 = tpu.memref_slice %arg21[%dma_start3A_781] : memref<960xi32, #tpu.memory_space<vmem>> -> memref<64xi32, #tpu.memory_space<vmem>>
      %dma_start3A_783 = tpu.memref_slice %arg3[%add3A_498] : memref<2048xi32, #tpu.memory_space<hbm>> -> memref<64xi32, #tpu.memory_space<hbm>>
      tpu.enqueue_dma source(%dma_start3A_783 : memref<64xi32, #tpu.memory_space<hbm>>) target(%dma_start3A_782 : memref<64xi32, #tpu.memory_space<vmem>>) target_semaphore(%run_scoped3A : memref<!tpu.dma_semaphore, #tpu.memory_space<semaphore_mem>>)
      %dma_wait3A_784 = arith.constant 0 : i32
      %dma_wait3A_785 = tpu.memref_slice %arg21[%dma_wait3A_784] : memref<960xi32, #tpu.memory_space<vmem>> -> memref<64xi32, #tpu.memory_space<vmem>>
      %dma_wait3A_786 = tpu.memref_slice %arg3[%add3A_498] : memref<2048xi32, #tpu.memory_space<hbm>> -> memref<64xi32, #tpu.memory_space<hbm>>
      %dma_wait3A_787 = arith.constant 0 : i32
      %dma_wait3A_788 = tpu.memref_slice %arg21[%dma_wait3A_787] : memref<960xi32, #tpu.memory_space<vmem>> -> memref<64xi32, #tpu.memory_space<vmem>>
      %dma_wait3A_789 = tpu.memref_slice %arg3[%add3A_498] : memref<2048xi32, #tpu.memory_space<hbm>> -> memref<64xi32, #tpu.memory_space<hbm>>
      tpu.wait_dma2 semaphore(%run_scoped3A : memref<!tpu.dma_semaphore, #tpu.memory_space<semaphore_mem>>) src(%dma_wait3A_789 : memref<64xi32, #tpu.memory_space<hbm>>) dst(%dma_wait3A_788 : memref<64xi32, #tpu.memory_space<vmem>>)
      tpu.yield
    }) : () -> ()
    %dma_start3A_499 = arith.constant 0 : i32
    %dma_start3A_500 = arith.constant 0 : i32
    %dma_start3A_501 = tpu.memref_slice %arg22[%dma_start3A_499, %dma_start3A_500] : memref<960x32xf32, #tpu.memory_space<vmem>> -> memref<64x32xf32, #tpu.memory_space<vmem>>
    %dma_start3A_502 = arith.constant 0 : i32
    %dma_start3A_503 = tpu.memref_slice %arg21[%dma_start3A_502] : memref<960xi32, #tpu.memory_space<vmem>> -> memref<64xi32, #tpu.memory_space<vmem>>
    %dma_start3A_504 = arith.constant 0 : i32
    %dma_start3A_505 = arith.constant 0 : i32
    %dma_start3A_506 = tpu.memref_slice %arg10[%dma_start3A_504, %dma_start3A_505] : memref<1001000x32xf32, #tpu.memory_space<hbm>> -> memref<1001000x32xf32, #tpu.memory_space<hbm>>
    tpu.enqueue_indirect_dma source(%dma_start3A_506 : memref<1001000x32xf32, #tpu.memory_space<hbm>>) target(%dma_start3A_501 : memref<64x32xf32, #tpu.memory_space<vmem>>) offsets(%dma_start3A_503 : memref<64xi32, #tpu.memory_space<vmem>>) semaphore(%arg25 : memref<!tpu.dma_semaphore, #tpu.memory_space<semaphore_mem>>)
    %dma_wait3A_507 = arith.constant 0 : i32
    %dma_wait3A_508 = arith.constant 0 : i32
    %dma_wait3A_509 = tpu.memref_slice %arg22[%dma_wait3A_507, %dma_wait3A_508] : memref<960x32xf32, #tpu.memory_space<vmem>> -> memref<64x32xf32, #tpu.memory_space<vmem>>
    %dma_wait3A_510 = arith.constant 0 : i32
    %dma_wait3A_511 = tpu.memref_slice %arg21[%dma_wait3A_510] : memref<960xi32, #tpu.memory_space<vmem>> -> memref<64xi32, #tpu.memory_space<vmem>>
    %dma_wait3A_512 = arith.constant 0 : i32
    %dma_wait3A_513 = arith.constant 0 : i32
    %dma_wait3A_514 = tpu.memref_slice %arg10[%dma_wait3A_512, %dma_wait3A_513] : memref<1001000x32xf32, #tpu.memory_space<hbm>> -> memref<1001000x32xf32, #tpu.memory_space<hbm>>
    tpu.wait_indirect_dma semaphore(%arg25 : memref<!tpu.dma_semaphore, #tpu.memory_space<semaphore_mem>>) src(%dma_wait3A_514 : memref<1001000x32xf32, #tpu.memory_space<hbm>>) dst(%dma_wait3A_509 : memref<64x32xf32, #tpu.memory_space<vmem>>)
    %dma_start3A_515 = arith.constant 0 : i32
    %dma_start3A_516 = arith.constant 0 : i32
    %dma_start3A_517 = tpu.memref_slice %arg22[%dma_start3A_515, %dma_start3A_516] : memref<960x32xf32, #tpu.memory_space<vmem>> -> memref<64x32xf32, #tpu.memory_space<vmem>>
    %dma_start3A_518 = arith.constant 0 : i32
    %dma_start3A_519 = tpu.memref_slice %arg13[%add3A_498, %dma_start3A_518] : memref<2048x32xf32, #tpu.memory_space<hbm>> -> memref<64x32xf32, #tpu.memory_space<hbm>>
    %dma_start3A_520 = arith.constant 0 : i32
    %dma_start3A_521 = tpu.memref_slice %arg13[%add3A_498, %dma_start3A_520] : memref<2048x32xf32, #tpu.memory_space<hbm>> -> memref<64x32xf32, #tpu.memory_space<hbm>>
    %dma_start3A_522 = arith.constant 0 : i32
    %dma_start3A_523 = arith.constant 0 : i32
    %dma_start3A_524 = tpu.memref_slice %arg22[%dma_start3A_522, %dma_start3A_523] : memref<960x32xf32, #tpu.memory_space<vmem>> -> memref<64x32xf32, #tpu.memory_space<vmem>>
    tpu.enqueue_dma source(%dma_start3A_524 : memref<64x32xf32, #tpu.memory_space<vmem>>) target(%dma_start3A_521 : memref<64x32xf32, #tpu.memory_space<hbm>>) target_semaphore(%arg26 : memref<!tpu.dma_semaphore, #tpu.memory_space<semaphore_mem>>)
    %dma_wait3A_525 = arith.constant 0 : i32
    %dma_wait3A_526 = arith.constant 0 : i32
    %dma_wait3A_527 = tpu.memref_slice %arg22[%dma_wait3A_525, %dma_wait3A_526] : memref<960x32xf32, #tpu.memory_space<vmem>> -> memref<64x32xf32, #tpu.memory_space<vmem>>
    %dma_wait3A_528 = arith.constant 0 : i32
    %dma_wait3A_529 = tpu.memref_slice %arg13[%add3A_498, %dma_wait3A_528] : memref<2048x32xf32, #tpu.memory_space<hbm>> -> memref<64x32xf32, #tpu.memory_space<hbm>>
    %dma_wait3A_530 = arith.constant 0 : i32
    %dma_wait3A_531 = tpu.memref_slice %arg13[%add3A_498, %dma_wait3A_530] : memref<2048x32xf32, #tpu.memory_space<hbm>> -> memref<64x32xf32, #tpu.memory_space<hbm>>
    %dma_wait3A_532 = arith.constant 0 : i32
    %dma_wait3A_533 = arith.constant 0 : i32
    %dma_wait3A_534 = tpu.memref_slice %arg22[%dma_wait3A_532, %dma_wait3A_533] : memref<960x32xf32, #tpu.memory_space<vmem>> -> memref<64x32xf32, #tpu.memory_space<vmem>>
    tpu.wait_dma2 semaphore(%arg26 : memref<!tpu.dma_semaphore, #tpu.memory_space<semaphore_mem>>) src(%dma_wait3A_534 : memref<64x32xf32, #tpu.memory_space<vmem>>) dst(%dma_wait3A_531 : memref<64x32xf32, #tpu.memory_space<hbm>>)
    %scan3A_535 = arith.constant 1 : i32
    %mul3A_536 = arith.constant 3200 : i32
    %mul3A_537 = arith.muli %add3A, %mul3A_536 : i32
    %scan3A_538 = arith.constant 0 : i32
    %scan3A_539 = arith.constant 0 : i32
    %scan3A_540 = arith.constant 4 : i32
    %scan3A_541 = arith.addi %scan3A_539, %scan3A_540 : i32
    %scan3A_542 = arith.constant 1 : i32
    scf.for %scan3A_778 = %scan3A_539 to %scan3A_541 step %scan3A_542  : i32 {
      %mul3A_779 = arith.constant 800 : i32
      %mul3A_780 = arith.muli %scan3A_778, %mul3A_779 : i32
      %add3A_781 = arith.addi %mul3A_537, %mul3A_780 : i32
      "tpu.region"() ({
        %run_scoped3A = tpu.sem_alloc : memref<!tpu.dma_semaphore, #tpu.memory_space<semaphore_mem>>
        %dma_start3A_920 = arith.constant 0 : i32
        %dma_start3A_921 = tpu.memref_slice %arg21[%dma_start3A_920] : memref<960xi32, #tpu.memory_space<vmem>> -> memref<800xi32, #tpu.memory_space<vmem>>
        %dma_start3A_922 = tpu.memref_slice %arg4[%add3A_781] : memref<102400xi32, #tpu.memory_space<hbm>> -> memref<800xi32, #tpu.memory_space<hbm>>
        %dma_start3A_923 = arith.constant 0 : i32
        %dma_start3A_924 = tpu.memref_slice %arg21[%dma_start3A_923] : memref<960xi32, #tpu.memory_space<vmem>> -> memref<800xi32, #tpu.memory_space<vmem>>
        %dma_start3A_925 = tpu.memref_slice %arg4[%add3A_781] : memref<102400xi32, #tpu.memory_space<hbm>> -> memref<800xi32, #tpu.memory_space<hbm>>
        tpu.enqueue_dma source(%dma_start3A_925 : memref<800xi32, #tpu.memory_space<hbm>>) target(%dma_start3A_924 : memref<800xi32, #tpu.memory_space<vmem>>) target_semaphore(%run_scoped3A : memref<!tpu.dma_semaphore, #tpu.memory_space<semaphore_mem>>)
        %dma_wait3A_926 = arith.constant 0 : i32
        %dma_wait3A_927 = tpu.memref_slice %arg21[%dma_wait3A_926] : memref<960xi32, #tpu.memory_space<vmem>> -> memref<800xi32, #tpu.memory_space<vmem>>
        %dma_wait3A_928 = tpu.memref_slice %arg4[%add3A_781] : memref<102400xi32, #tpu.memory_space<hbm>> -> memref<800xi32, #tpu.memory_space<hbm>>
        %dma_wait3A_929 = arith.constant 0 : i32
        %dma_wait3A_930 = tpu.memref_slice %arg21[%dma_wait3A_929] : memref<960xi32, #tpu.memory_space<vmem>> -> memref<800xi32, #tpu.memory_space<vmem>>
        %dma_wait3A_931 = tpu.memref_slice %arg4[%add3A_781] : memref<102400xi32, #tpu.memory_space<hbm>> -> memref<800xi32, #tpu.memory_space<hbm>>
        tpu.wait_dma2 semaphore(%run_scoped3A : memref<!tpu.dma_semaphore, #tpu.memory_space<semaphore_mem>>) src(%dma_wait3A_931 : memref<800xi32, #tpu.memory_space<hbm>>) dst(%dma_wait3A_930 : memref<800xi32, #tpu.memory_space<vmem>>)
        tpu.yield
      }) : () -> ()
      %dma_start3A_782 = arith.constant 0 : i32
      %dma_start3A_783 = arith.constant 0 : i32
      %dma_start3A_784 = tpu.memref_slice %arg22[%dma_start3A_782, %dma_start3A_783] : memref<960x32xf32, #tpu.memory_space<vmem>> -> memref<128x32xf32, #tpu.memory_space<vmem>>
      %dma_start3A_785 = arith.constant 0 : i32
      %dma_start3A_786 = tpu.memref_slice %arg21[%dma_start3A_785] : memref<960xi32, #tpu.memory_space<vmem>> -> memref<128xi32, #tpu.memory_space<vmem>>
      %dma_start3A_787 = arith.constant 0 : i32
      %dma_start3A_788 = arith.constant 0 : i32
      %dma_start3A_789 = tpu.memref_slice %arg10[%dma_start3A_787, %dma_start3A_788] : memref<1001000x32xf32, #tpu.memory_space<hbm>> -> memref<1001000x32xf32, #tpu.memory_space<hbm>>
      tpu.enqueue_indirect_dma source(%dma_start3A_789 : memref<1001000x32xf32, #tpu.memory_space<hbm>>) target(%dma_start3A_784 : memref<128x32xf32, #tpu.memory_space<vmem>>) offsets(%dma_start3A_786 : memref<128xi32, #tpu.memory_space<vmem>>) semaphore(%arg25 : memref<!tpu.dma_semaphore, #tpu.memory_space<semaphore_mem>>)
      %dma_start3A_790 = arith.constant 128 : i32
      %dma_start3A_791 = arith.constant 0 : i32
      %dma_start3A_792 = tpu.memref_slice %arg22[%dma_start3A_790, %dma_start3A_791] : memref<960x32xf32, #tpu.memory_space<vmem>> -> memref<128x32xf32, #tpu.memory_space<vmem>>
      %dma_start3A_793 = arith.constant 128 : i32
      %dma_start3A_794 = tpu.memref_slice %arg21[%dma_start3A_793] : memref<960xi32, #tpu.memory_space<vmem>> -> memref<128xi32, #tpu.memory_space<vmem>>
      %dma_start3A_795 = arith.constant 0 : i32
      %dma_start3A_796 = arith.constant 0 : i32
      %dma_start3A_797 = tpu.memref_slice %arg10[%dma_start3A_795, %dma_start3A_796] : memref<1001000x32xf32, #tpu.memory_space<hbm>> -> memref<1001000x32xf32, #tpu.memory_space<hbm>>
      tpu.enqueue_indirect_dma source(%dma_start3A_797 : memref<1001000x32xf32, #tpu.memory_space<hbm>>) target(%dma_start3A_792 : memref<128x32xf32, #tpu.memory_space<vmem>>) offsets(%dma_start3A_794 : memref<128xi32, #tpu.memory_space<vmem>>) semaphore(%arg25 : memref<!tpu.dma_semaphore, #tpu.memory_space<semaphore_mem>>)
      %dma_start3A_798 = arith.constant 256 : i32
      %dma_start3A_799 = arith.constant 0 : i32
      %dma_start3A_800 = tpu.memref_slice %arg22[%dma_start3A_798, %dma_start3A_799] : memref<960x32xf32, #tpu.memory_space<vmem>> -> memref<128x32xf32, #tpu.memory_space<vmem>>
      %dma_start3A_801 = arith.constant 256 : i32
      %dma_start3A_802 = tpu.memref_slice %arg21[%dma_start3A_801] : memref<960xi32, #tpu.memory_space<vmem>> -> memref<128xi32, #tpu.memory_space<vmem>>
      %dma_start3A_803 = arith.constant 0 : i32
      %dma_start3A_804 = arith.constant 0 : i32
      %dma_start3A_805 = tpu.memref_slice %arg10[%dma_start3A_803, %dma_start3A_804] : memref<1001000x32xf32, #tpu.memory_space<hbm>> -> memref<1001000x32xf32, #tpu.memory_space<hbm>>
      tpu.enqueue_indirect_dma source(%dma_start3A_805 : memref<1001000x32xf32, #tpu.memory_space<hbm>>) target(%dma_start3A_800 : memref<128x32xf32, #tpu.memory_space<vmem>>) offsets(%dma_start3A_802 : memref<128xi32, #tpu.memory_space<vmem>>) semaphore(%arg25 : memref<!tpu.dma_semaphore, #tpu.memory_space<semaphore_mem>>)
      %dma_start3A_806 = arith.constant 384 : i32
      %dma_start3A_807 = arith.constant 0 : i32
      %dma_start3A_808 = tpu.memref_slice %arg22[%dma_start3A_806, %dma_start3A_807] : memref<960x32xf32, #tpu.memory_space<vmem>> -> memref<128x32xf32, #tpu.memory_space<vmem>>
      %dma_start3A_809 = arith.constant 384 : i32
      %dma_start3A_810 = tpu.memref_slice %arg21[%dma_start3A_809] : memref<960xi32, #tpu.memory_space<vmem>> -> memref<128xi32, #tpu.memory_space<vmem>>
      %dma_start3A_811 = arith.constant 0 : i32
      %dma_start3A_812 = arith.constant 0 : i32
      %dma_start3A_813 = tpu.memref_slice %arg10[%dma_start3A_811, %dma_start3A_812] : memref<1001000x32xf32, #tpu.memory_space<hbm>> -> memref<1001000x32xf32, #tpu.memory_space<hbm>>
      tpu.enqueue_indirect_dma source(%dma_start3A_813 : memref<1001000x32xf32, #tpu.memory_space<hbm>>) target(%dma_start3A_808 : memref<128x32xf32, #tpu.memory_space<vmem>>) offsets(%dma_start3A_810 : memref<128xi32, #tpu.memory_space<vmem>>) semaphore(%arg25 : memref<!tpu.dma_semaphore, #tpu.memory_space<semaphore_mem>>)
      %dma_start3A_814 = arith.constant 512 : i32
      %dma_start3A_815 = arith.constant 0 : i32
      %dma_start3A_816 = tpu.memref_slice %arg22[%dma_start3A_814, %dma_start3A_815] : memref<960x32xf32, #tpu.memory_space<vmem>> -> memref<128x32xf32, #tpu.memory_space<vmem>>
      %dma_start3A_817 = arith.constant 512 : i32
      %dma_start3A_818 = tpu.memref_slice %arg21[%dma_start3A_817] : memref<960xi32, #tpu.memory_space<vmem>> -> memref<128xi32, #tpu.memory_space<vmem>>
      %dma_start3A_819 = arith.constant 0 : i32
      %dma_start3A_820 = arith.constant 0 : i32
      %dma_start3A_821 = tpu.memref_slice %arg10[%dma_start3A_819, %dma_start3A_820] : memref<1001000x32xf32, #tpu.memory_space<hbm>> -> memref<1001000x32xf32, #tpu.memory_space<hbm>>
      tpu.enqueue_indirect_dma source(%dma_start3A_821 : memref<1001000x32xf32, #tpu.memory_space<hbm>>) target(%dma_start3A_816 : memref<128x32xf32, #tpu.memory_space<vmem>>) offsets(%dma_start3A_818 : memref<128xi32, #tpu.memory_space<vmem>>) semaphore(%arg25 : memref<!tpu.dma_semaphore, #tpu.memory_space<semaphore_mem>>)
      %dma_start3A_822 = arith.constant 640 : i32
      %dma_start3A_823 = arith.constant 0 : i32
      %dma_start3A_824 = tpu.memref_slice %arg22[%dma_start3A_822, %dma_start3A_823] : memref<960x32xf32, #tpu.memory_space<vmem>> -> memref<128x32xf32, #tpu.memory_space<vmem>>
      %dma_start3A_825 = arith.constant 640 : i32
      %dma_start3A_826 = tpu.memref_slice %arg21[%dma_start3A_825] : memref<960xi32, #tpu.memory_space<vmem>> -> memref<128xi32, #tpu.memory_space<vmem>>
      %dma_start3A_827 = arith.constant 0 : i32
      %dma_start3A_828 = arith.constant 0 : i32
      %dma_start3A_829 = tpu.memref_slice %arg10[%dma_start3A_827, %dma_start3A_828] : memref<1001000x32xf32, #tpu.memory_space<hbm>> -> memref<1001000x32xf32, #tpu.memory_space<hbm>>
      tpu.enqueue_indirect_dma source(%dma_start3A_829 : memref<1001000x32xf32, #tpu.memory_space<hbm>>) target(%dma_start3A_824 : memref<128x32xf32, #tpu.memory_space<vmem>>) offsets(%dma_start3A_826 : memref<128xi32, #tpu.memory_space<vmem>>) semaphore(%arg25 : memref<!tpu.dma_semaphore, #tpu.memory_space<semaphore_mem>>)
      %dma_start3A_830 = arith.constant 768 : i32
      %dma_start3A_831 = arith.constant 0 : i32
      %dma_start3A_832 = tpu.memref_slice %arg22[%dma_start3A_830, %dma_start3A_831] : memref<960x32xf32, #tpu.memory_space<vmem>> -> memref<32x32xf32, #tpu.memory_space<vmem>>
      %dma_start3A_833 = arith.constant 768 : i32
      %dma_start3A_834 = tpu.memref_slice %arg21[%dma_start3A_833] : memref<960xi32, #tpu.memory_space<vmem>> -> memref<32xi32, #tpu.memory_space<vmem>>
      %dma_start3A_835 = arith.constant 0 : i32
      %dma_start3A_836 = arith.constant 0 : i32
      %dma_start3A_837 = tpu.memref_slice %arg10[%dma_start3A_835, %dma_start3A_836] : memref<1001000x32xf32, #tpu.memory_space<hbm>> -> memref<1001000x32xf32, #tpu.memory_space<hbm>>
      tpu.enqueue_indirect_dma source(%dma_start3A_837 : memref<1001000x32xf32, #tpu.memory_space<hbm>>) target(%dma_start3A_832 : memref<32x32xf32, #tpu.memory_space<vmem>>) offsets(%dma_start3A_834 : memref<32xi32, #tpu.memory_space<vmem>>) semaphore(%arg25 : memref<!tpu.dma_semaphore, #tpu.memory_space<semaphore_mem>>)
      %dma_wait3A_838 = arith.constant 0 : i32
      %dma_wait3A_839 = arith.constant 0 : i32
      %dma_wait3A_840 = tpu.memref_slice %arg22[%dma_wait3A_838, %dma_wait3A_839] : memref<960x32xf32, #tpu.memory_space<vmem>> -> memref<128x32xf32, #tpu.memory_space<vmem>>
      %dma_wait3A_841 = arith.constant 0 : i32
      %dma_wait3A_842 = tpu.memref_slice %arg21[%dma_wait3A_841] : memref<960xi32, #tpu.memory_space<vmem>> -> memref<128xi32, #tpu.memory_space<vmem>>
      %dma_wait3A_843 = arith.constant 0 : i32
      %dma_wait3A_844 = arith.constant 0 : i32
      %dma_wait3A_845 = tpu.memref_slice %arg10[%dma_wait3A_843, %dma_wait3A_844] : memref<1001000x32xf32, #tpu.memory_space<hbm>> -> memref<1001000x32xf32, #tpu.memory_space<hbm>>
      tpu.wait_indirect_dma semaphore(%arg25 : memref<!tpu.dma_semaphore, #tpu.memory_space<semaphore_mem>>) src(%dma_wait3A_845 : memref<1001000x32xf32, #tpu.memory_space<hbm>>) dst(%dma_wait3A_840 : memref<128x32xf32, #tpu.memory_space<vmem>>)
      %dma_wait3A_846 = arith.constant 128 : i32
      %dma_wait3A_847 = arith.constant 0 : i32
      %dma_wait3A_848 = tpu.memref_slice %arg22[%dma_wait3A_846, %dma_wait3A_847] : memref<960x32xf32, #tpu.memory_space<vmem>> -> memref<128x32xf32, #tpu.memory_space<vmem>>
      %dma_wait3A_849 = arith.constant 128 : i32
      %dma_wait3A_850 = tpu.memref_slice %arg21[%dma_wait3A_849] : memref<960xi32, #tpu.memory_space<vmem>> -> memref<128xi32, #tpu.memory_space<vmem>>
      %dma_wait3A_851 = arith.constant 0 : i32
      %dma_wait3A_852 = arith.constant 0 : i32
      %dma_wait3A_853 = tpu.memref_slice %arg10[%dma_wait3A_851, %dma_wait3A_852] : memref<1001000x32xf32, #tpu.memory_space<hbm>> -> memref<1001000x32xf32, #tpu.memory_space<hbm>>
      tpu.wait_indirect_dma semaphore(%arg25 : memref<!tpu.dma_semaphore, #tpu.memory_space<semaphore_mem>>) src(%dma_wait3A_853 : memref<1001000x32xf32, #tpu.memory_space<hbm>>) dst(%dma_wait3A_848 : memref<128x32xf32, #tpu.memory_space<vmem>>)
      %dma_wait3A_854 = arith.constant 256 : i32
      %dma_wait3A_855 = arith.constant 0 : i32
      %dma_wait3A_856 = tpu.memref_slice %arg22[%dma_wait3A_854, %dma_wait3A_855] : memref<960x32xf32, #tpu.memory_space<vmem>> -> memref<128x32xf32, #tpu.memory_space<vmem>>
      %dma_wait3A_857 = arith.constant 256 : i32
      %dma_wait3A_858 = tpu.memref_slice %arg21[%dma_wait3A_857] : memref<960xi32, #tpu.memory_space<vmem>> -> memref<128xi32, #tpu.memory_space<vmem>>
      %dma_wait3A_859 = arith.constant 0 : i32
      %dma_wait3A_860 = arith.constant 0 : i32
      %dma_wait3A_861 = tpu.memref_slice %arg10[%dma_wait3A_859, %dma_wait3A_860] : memref<1001000x32xf32, #tpu.memory_space<hbm>> -> memref<1001000x32xf32, #tpu.memory_space<hbm>>
      tpu.wait_indirect_dma semaphore(%arg25 : memref<!tpu.dma_semaphore, #tpu.memory_space<semaphore_mem>>) src(%dma_wait3A_861 : memref<1001000x32xf32, #tpu.memory_space<hbm>>) dst(%dma_wait3A_856 : memref<128x32xf32, #tpu.memory_space<vmem>>)
      %dma_wait3A_862 = arith.constant 384 : i32
      %dma_wait3A_863 = arith.constant 0 : i32
      %dma_wait3A_864 = tpu.memref_slice %arg22[%dma_wait3A_862, %dma_wait3A_863] : memref<960x32xf32, #tpu.memory_space<vmem>> -> memref<128x32xf32, #tpu.memory_space<vmem>>
      %dma_wait3A_865 = arith.constant 384 : i32
      %dma_wait3A_866 = tpu.memref_slice %arg21[%dma_wait3A_865] : memref<960xi32, #tpu.memory_space<vmem>> -> memref<128xi32, #tpu.memory_space<vmem>>
      %dma_wait3A_867 = arith.constant 0 : i32
      %dma_wait3A_868 = arith.constant 0 : i32
      %dma_wait3A_869 = tpu.memref_slice %arg10[%dma_wait3A_867, %dma_wait3A_868] : memref<1001000x32xf32, #tpu.memory_space<hbm>> -> memref<1001000x32xf32, #tpu.memory_space<hbm>>
      tpu.wait_indirect_dma semaphore(%arg25 : memref<!tpu.dma_semaphore, #tpu.memory_space<semaphore_mem>>) src(%dma_wait3A_869 : memref<1001000x32xf32, #tpu.memory_space<hbm>>) dst(%dma_wait3A_864 : memref<128x32xf32, #tpu.memory_space<vmem>>)
      %dma_wait3A_870 = arith.constant 512 : i32
      %dma_wait3A_871 = arith.constant 0 : i32
      %dma_wait3A_872 = tpu.memref_slice %arg22[%dma_wait3A_870, %dma_wait3A_871] : memref<960x32xf32, #tpu.memory_space<vmem>> -> memref<128x32xf32, #tpu.memory_space<vmem>>
      %dma_wait3A_873 = arith.constant 512 : i32
      %dma_wait3A_874 = tpu.memref_slice %arg21[%dma_wait3A_873] : memref<960xi32, #tpu.memory_space<vmem>> -> memref<128xi32, #tpu.memory_space<vmem>>
      %dma_wait3A_875 = arith.constant 0 : i32
      %dma_wait3A_876 = arith.constant 0 : i32
      %dma_wait3A_877 = tpu.memref_slice %arg10[%dma_wait3A_875, %dma_wait3A_876] : memref<1001000x32xf32, #tpu.memory_space<hbm>> -> memref<1001000x32xf32, #tpu.memory_space<hbm>>
      tpu.wait_indirect_dma semaphore(%arg25 : memref<!tpu.dma_semaphore, #tpu.memory_space<semaphore_mem>>) src(%dma_wait3A_877 : memref<1001000x32xf32, #tpu.memory_space<hbm>>) dst(%dma_wait3A_872 : memref<128x32xf32, #tpu.memory_space<vmem>>)
      %dma_wait3A_878 = arith.constant 640 : i32
      %dma_wait3A_879 = arith.constant 0 : i32
      %dma_wait3A_880 = tpu.memref_slice %arg22[%dma_wait3A_878, %dma_wait3A_879] : memref<960x32xf32, #tpu.memory_space<vmem>> -> memref<128x32xf32, #tpu.memory_space<vmem>>
      %dma_wait3A_881 = arith.constant 640 : i32
      %dma_wait3A_882 = tpu.memref_slice %arg21[%dma_wait3A_881] : memref<960xi32, #tpu.memory_space<vmem>> -> memref<128xi32, #tpu.memory_space<vmem>>
      %dma_wait3A_883 = arith.constant 0 : i32
      %dma_wait3A_884 = arith.constant 0 : i32
      %dma_wait3A_885 = tpu.memref_slice %arg10[%dma_wait3A_883, %dma_wait3A_884] : memref<1001000x32xf32, #tpu.memory_space<hbm>> -> memref<1001000x32xf32, #tpu.memory_space<hbm>>
      tpu.wait_indirect_dma semaphore(%arg25 : memref<!tpu.dma_semaphore, #tpu.memory_space<semaphore_mem>>) src(%dma_wait3A_885 : memref<1001000x32xf32, #tpu.memory_space<hbm>>) dst(%dma_wait3A_880 : memref<128x32xf32, #tpu.memory_space<vmem>>)
      %dma_wait3A_886 = arith.constant 768 : i32
      %dma_wait3A_887 = arith.constant 0 : i32
      %dma_wait3A_888 = tpu.memref_slice %arg22[%dma_wait3A_886, %dma_wait3A_887] : memref<960x32xf32, #tpu.memory_space<vmem>> -> memref<32x32xf32, #tpu.memory_space<vmem>>
      %dma_wait3A_889 = arith.constant 768 : i32
      %dma_wait3A_890 = tpu.memref_slice %arg21[%dma_wait3A_889] : memref<960xi32, #tpu.memory_space<vmem>> -> memref<32xi32, #tpu.memory_space<vmem>>
      %dma_wait3A_891 = arith.constant 0 : i32
      %dma_wait3A_892 = arith.constant 0 : i32
      %dma_wait3A_893 = tpu.memref_slice %arg10[%dma_wait3A_891, %dma_wait3A_892] : memref<1001000x32xf32, #tpu.memory_space<hbm>> -> memref<1001000x32xf32, #tpu.memory_space<hbm>>
      tpu.wait_indirect_dma semaphore(%arg25 : memref<!tpu.dma_semaphore, #tpu.memory_space<semaphore_mem>>) src(%dma_wait3A_893 : memref<1001000x32xf32, #tpu.memory_space<hbm>>) dst(%dma_wait3A_888 : memref<32x32xf32, #tpu.memory_space<vmem>>)
      %dma_start3A_894 = arith.constant 0 : i32
      %dma_start3A_895 = arith.constant 0 : i32
      %dma_start3A_896 = tpu.memref_slice %arg22[%dma_start3A_894, %dma_start3A_895] : memref<960x32xf32, #tpu.memory_space<vmem>> -> memref<800x32xf32, #tpu.memory_space<vmem>>
      %dma_start3A_897 = arith.constant 0 : i32
      %dma_start3A_898 = tpu.memref_slice %arg14[%add3A_781, %dma_start3A_897] : memref<102400x32xf32, #tpu.memory_space<hbm>> -> memref<800x32xf32, #tpu.memory_space<hbm>>
      %dma_start3A_899 = arith.constant 0 : i32
      %dma_start3A_900 = tpu.memref_slice %arg14[%add3A_781, %dma_start3A_899] : memref<102400x32xf32, #tpu.memory_space<hbm>> -> memref<800x32xf32, #tpu.memory_space<hbm>>
      %dma_start3A_901 = arith.constant 0 : i32
      %dma_start3A_902 = arith.constant 0 : i32
      %dma_start3A_903 = tpu.memref_slice %arg22[%dma_start3A_901, %dma_start3A_902] : memref<960x32xf32, #tpu.memory_space<vmem>> -> memref<800x32xf32, #tpu.memory_space<vmem>>
      tpu.enqueue_dma source(%dma_start3A_903 : memref<800x32xf32, #tpu.memory_space<vmem>>) target(%dma_start3A_900 : memref<800x32xf32, #tpu.memory_space<hbm>>) target_semaphore(%arg26 : memref<!tpu.dma_semaphore, #tpu.memory_space<semaphore_mem>>)
      %scan3A_904 = arith.constant 0 : i32
      %scan3A_905 = arith.constant 0 : i32
      %scan3A_906 = arith.constant 8 : i32
      %scan3A_907 = arith.addi %scan3A_905, %scan3A_906 : i32
      %scan3A_908 = arith.constant 1 : i32
      scf.for %scan3A_920 = %scan3A_905 to %scan3A_907 step %scan3A_908  : i32 {
        %broadcast_in_dim3A = arith.constant 0.000000e+00 : f32
        %broadcast_in_dim3A_921 = vector.broadcast %broadcast_in_dim3A : f32 to vector<16xf32>
        %scan3A_922 = arith.constant 0 : i32
        %scan3A_923 = arith.constant 50 : i32
        %scan3A_924 = arith.addi %scan3A_922, %scan3A_923 : i32
        %scan3A_925 = arith.constant 1 : i32
        %scan3A_926:4 = scf.for %scan3A_950 = %scan3A_922 to %scan3A_924 step %scan3A_925 iter_args(%scan3A_951 = %broadcast_in_dim3A_921, %scan3A_952 = %broadcast_in_dim3A_921, %scan3A_953 = %broadcast_in_dim3A_921, %scan3A_954 = %broadcast_in_dim3A_921) -> (vector<16xf32>, vector<16xf32>, vector<16xf32>, vector<16xf32>)  : i32 {
          %mul3A_955 = arith.constant 100 : i32
          %mul3A_956 = arith.muli %scan3A_920, %mul3A_955 : i32
          %mul3A_957 = arith.constant 2 : i32
          %mul3A_958 = arith.muli %mul3A_957, %scan3A_950 : i32
          %add3A_959 = arith.addi %mul3A_956, %mul3A_958 : i32
          %get3A = arith.index_cast %add3A_959 : i32 to index
          %get3A_960 = arith.constant 0 : index
          %get3A_961 = tpu.vector_load %arg22[%get3A, %get3A_960] {strides = array<i32>} : memref<960x32xf32, #tpu.memory_space<vmem>>, vector<1x16xf32>,
          %get3A_962 = vector.shape_cast %get3A_961 : vector<1x16xf32> to vector<16xf32>
          %add3A_963 = arith.addf %scan3A_951, %get3A_962 : vector<16xf32>
          %get3A_964 = arith.index_cast %add3A_959 : i32 to index
          %get3A_965 = arith.constant 16 : index
          %get3A_966 = tpu.vector_load %arg22[%get3A_964, %get3A_965] {strides = array<i32>} : memref<960x32xf32, #tpu.memory_space<vmem>>, vector<1x16xf32>,
          %get3A_967 = vector.shape_cast %get3A_966 : vector<1x16xf32> to vector<16xf32>
          %add3A_968 = arith.addf %scan3A_952, %get3A_967 : vector<16xf32>
          %add3A_969 = arith.constant 1 : i32
          %add3A_970 = arith.addi %add3A_959, %add3A_969 : i32
          %get3A_971 = arith.index_cast %add3A_970 : i32 to index
          %get3A_972 = arith.constant 0 : index
          %get3A_973 = tpu.vector_load %arg22[%get3A_971, %get3A_972] {strides = array<i32>} : memref<960x32xf32, #tpu.memory_space<vmem>>, vector<1x16xf32>,
          %get3A_974 = vector.shape_cast %get3A_973 : vector<1x16xf32> to vector<16xf32>
          %add3A_975 = arith.addf %scan3A_953, %get3A_974 : vector<16xf32>
          %add3A_976 = arith.constant 1 : i32
          %add3A_977 = arith.addi %add3A_959, %add3A_976 : i32
          %get3A_978 = arith.index_cast %add3A_977 : i32 to index
          %get3A_979 = arith.constant 16 : index
          %get3A_980 = tpu.vector_load %arg22[%get3A_978, %get3A_979] {strides = array<i32>} : memref<960x32xf32, #tpu.memory_space<vmem>>, vector<1x16xf32>,
          %get3A_981 = vector.shape_cast %get3A_980 : vector<1x16xf32> to vector<16xf32>
          %add3A_982 = arith.addf %scan3A_954, %get3A_981 : vector<16xf32>
          scf.yield %add3A_963, %add3A_968, %add3A_975, %add3A_982 : vector<16xf32>, vector<16xf32>, vector<16xf32>, vector<16xf32>
        }
        %scan3A_927 = arith.constant 50 : i32
        %mul3A_928 = arith.constant 8 : i32
        %mul3A_929 = arith.muli %scan3A_778, %mul3A_928 : i32
        %add3A_930 = arith.addi %mul3A_929, %scan3A_920 : i32
        %swap3A = arith.index_cast %add3A_930 : i32 to index
        %swap3A_931 = arith.constant 0 : index
        %swap3A_932 = tpu.vector_load %arg23[%swap3A, %swap3A_931] {strides = array<i32>} : memref<32x64xf32, #tpu.memory_space<vmem>>, vector<1x16xf32>,
        %swap3A_933 = vector.shape_cast %swap3A_932 : vector<1x16xf32> to vector<16xf32>
        %swap3A_934 = vector.shape_cast %scan3A_926#0 : vector<16xf32> to vector<1x16xf32>
        tpu.vector_store %arg23[%swap3A, %swap3A_931], %swap3A_934 {strides = array<i32>} : memref<32x64xf32, #tpu.memory_space<vmem>>, vector<1x16xf32>,
        %swap3A_935 = arith.index_cast %add3A_930 : i32 to index
        %swap3A_936 = arith.constant 16 : index
        %swap3A_937 = tpu.vector_load %arg23[%swap3A_935, %swap3A_936] {strides = array<i32>} : memref<32x64xf32, #tpu.memory_space<vmem>>, vector<1x16xf32>,
        %swap3A_938 = vector.shape_cast %swap3A_937 : vector<1x16xf32> to vector<16xf32>
        %swap3A_939 = vector.shape_cast %scan3A_926#1 : vector<16xf32> to vector<1x16xf32>
        tpu.vector_store %arg23[%swap3A_935, %swap3A_936], %swap3A_939 {strides = array<i32>} : memref<32x64xf32, #tpu.memory_space<vmem>>, vector<1x16xf32>,
        %swap3A_940 = arith.index_cast %add3A_930 : i32 to index
        %swap3A_941 = arith.constant 32 : index
        %swap3A_942 = tpu.vector_load %arg23[%swap3A_940, %swap3A_941] {strides = array<i32>} : memref<32x64xf32, #tpu.memory_space<vmem>>, vector<1x16xf32>,
        %swap3A_943 = vector.shape_cast %swap3A_942 : vector<1x16xf32> to vector<16xf32>
        %swap3A_944 = vector.shape_cast %scan3A_926#2 : vector<16xf32> to vector<1x16xf32>
        tpu.vector_store %arg23[%swap3A_940, %swap3A_941], %swap3A_944 {strides = array<i32>} : memref<32x64xf32, #tpu.memory_space<vmem>>, vector<1x16xf32>,
        %swap3A_945 = arith.index_cast %add3A_930 : i32 to index
        %swap3A_946 = arith.constant 48 : index
        %swap3A_947 = tpu.vector_load %arg23[%swap3A_945, %swap3A_946] {strides = array<i32>} : memref<32x64xf32, #tpu.memory_space<vmem>>, vector<1x16xf32>,
        %swap3A_948 = vector.shape_cast %swap3A_947 : vector<1x16xf32> to vector<16xf32>
        %swap3A_949 = vector.shape_cast %scan3A_926#3 : vector<16xf32> to vector<1x16xf32>
        tpu.vector_store %arg23[%swap3A_945, %swap3A_946], %swap3A_949 {strides = array<i32>} : memref<32x64xf32, #tpu.memory_space<vmem>>, vector<1x16xf32>,
      }
      %scan3A_909 = arith.constant 8 : i32
      %dma_wait3A_910 = arith.constant 0 : i32
      %dma_wait3A_911 = arith.constant 0 : i32
      %dma_wait3A_912 = tpu.memref_slice %arg22[%dma_wait3A_910, %dma_wait3A_911] : memref<960x32xf32, #tpu.memory_space<vmem>> -> memref<800x32xf32, #tpu.memory_space<vmem>>
      %dma_wait3A_913 = arith.constant 0 : i32
      %dma_wait3A_914 = tpu.memref_slice %arg14[%add3A_781, %dma_wait3A_913] : memref<102400x32xf32, #tpu.memory_space<hbm>> -> memref<800x32xf32, #tpu.memory_space<hbm>>
      %dma_wait3A_915 = arith.constant 0 : i32
      %dma_wait3A_916 = tpu.memref_slice %arg14[%add3A_781, %dma_wait3A_915] : memref<102400x32xf32, #tpu.memory_space<hbm>> -> memref<800x32xf32, #tpu.memory_space<hbm>>
      %dma_wait3A_917 = arith.constant 0 : i32
      %dma_wait3A_918 = arith.constant 0 : i32
      %dma_wait3A_919 = tpu.memref_slice %arg22[%dma_wait3A_917, %dma_wait3A_918] : memref<960x32xf32, #tpu.memory_space<vmem>> -> memref<800x32xf32, #tpu.memory_space<vmem>>
      tpu.wait_dma2 semaphore(%arg26 : memref<!tpu.dma_semaphore, #tpu.memory_space<semaphore_mem>>) src(%dma_wait3A_919 : memref<800x32xf32, #tpu.memory_space<vmem>>) dst(%dma_wait3A_916 : memref<800x32xf32, #tpu.memory_space<hbm>>)
    }
    %scan3A_543 = arith.constant 4 : i32
    %mul3A_544 = arith.constant 32 : i32
    %mul3A_545 = arith.muli %add3A, %mul3A_544 : i32
    "tpu.region"() ({
      %run_scoped3A = tpu.sem_alloc : memref<!tpu.dma_semaphore, #tpu.memory_space<semaphore_mem>>
      %dma_start3A_778 = arith.constant 0 : i32
      %dma_start3A_779 = tpu.memref_slice %arg15[%mul3A_545, %dma_start3A_778] : memref<1024x64xf32, #tpu.memory_space<hbm>> -> memref<32x64xf32, #tpu.memory_space<hbm>>
      %dma_start3A_780 = arith.constant 0 : i32
      %dma_start3A_781 = tpu.memref_slice %arg15[%mul3A_545, %dma_start3A_780] : memref<1024x64xf32, #tpu.memory_space<hbm>> -> memref<32x64xf32, #tpu.memory_space<hbm>>
      tpu.enqueue_dma source(%arg23 : memref<32x64xf32, #tpu.memory_space<vmem>>) target(%dma_start3A_781 : memref<32x64xf32, #tpu.memory_space<hbm>>) target_semaphore(%run_scoped3A : memref<!tpu.dma_semaphore, #tpu.memory_space<semaphore_mem>>)
      %dma_wait3A_782 = arith.constant 0 : i32
      %dma_wait3A_783 = tpu.memref_slice %arg15[%mul3A_545, %dma_wait3A_782] : memref<1024x64xf32, #tpu.memory_space<hbm>> -> memref<32x64xf32, #tpu.memory_space<hbm>>
      %dma_wait3A_784 = arith.constant 0 : i32
      %dma_wait3A_785 = tpu.memref_slice %arg15[%mul3A_545, %dma_wait3A_784] : memref<1024x64xf32, #tpu.memory_space<hbm>> -> memref<32x64xf32, #tpu.memory_space<hbm>>
      tpu.wait_dma2 semaphore(%run_scoped3A : memref<!tpu.dma_semaphore, #tpu.memory_space<semaphore_mem>>) src(%arg23 : memref<32x64xf32, #tpu.memory_space<vmem>>) dst(%dma_wait3A_785 : memref<32x64xf32, #tpu.memory_space<hbm>>)
      tpu.yield
    }) : () -> ()
    %mul3A_546 = arith.constant 28800 : i32
    %mul3A_547 = arith.muli %add3A, %mul3A_546 : i32
    %scan3A_548 = arith.constant 0 : i32
    %scan3A_549 = arith.constant 0 : i32
    %scan3A_550 = arith.constant 30 : i32
    %scan3A_551 = arith.addi %scan3A_549, %scan3A_550 : i32
    %scan3A_552 = arith.constant 1 : i32
    scf.for %scan3A_778 = %scan3A_549 to %scan3A_551 step %scan3A_552  : i32 {
      %mul3A_779 = arith.constant 960 : i32
      %mul3A_780 = arith.muli %scan3A_778, %mul3A_779 : i32
      %add3A_781 = arith.addi %mul3A_547, %mul3A_780 : i32
      "tpu.region"() ({
        %run_scoped3A = tpu.sem_alloc : memref<!tpu.dma_semaphore, #tpu.memory_space<semaphore_mem>>
        %dma_start3A_930 = arith.constant 0 : i32
        %dma_start3A_931 = tpu.memref_slice %arg21[%dma_start3A_930] : memref<960xi32, #tpu.memory_space<vmem>> -> memref<960xi32, #tpu.memory_space<vmem>>
        %dma_start3A_932 = tpu.memref_slice %arg5[%add3A_781] : memref<921600xi32, #tpu.memory_space<hbm>> -> memref<960xi32, #tpu.memory_space<hbm>>
        %dma_start3A_933 = arith.constant 0 : i32
        %dma_start3A_934 = tpu.memref_slice %arg21[%dma_start3A_933] : memref<960xi32, #tpu.memory_space<vmem>> -> memref<960xi32, #tpu.memory_space<vmem>>
        %dma_start3A_935 = tpu.memref_slice %arg5[%add3A_781] : memref<921600xi32, #tpu.memory_space<hbm>> -> memref<960xi32, #tpu.memory_space<hbm>>
        tpu.enqueue_dma source(%dma_start3A_935 : memref<960xi32, #tpu.memory_space<hbm>>) target(%dma_start3A_934 : memref<960xi32, #tpu.memory_space<vmem>>) target_semaphore(%run_scoped3A : memref<!tpu.dma_semaphore, #tpu.memory_space<semaphore_mem>>)
        %dma_wait3A_936 = arith.constant 0 : i32
        %dma_wait3A_937 = tpu.memref_slice %arg21[%dma_wait3A_936] : memref<960xi32, #tpu.memory_space<vmem>> -> memref<960xi32, #tpu.memory_space<vmem>>
        %dma_wait3A_938 = tpu.memref_slice %arg5[%add3A_781] : memref<921600xi32, #tpu.memory_space<hbm>> -> memref<960xi32, #tpu.memory_space<hbm>>
        %dma_wait3A_939 = arith.constant 0 : i32
        %dma_wait3A_940 = tpu.memref_slice %arg21[%dma_wait3A_939] : memref<960xi32, #tpu.memory_space<vmem>> -> memref<960xi32, #tpu.memory_space<vmem>>
        %dma_wait3A_941 = tpu.memref_slice %arg5[%add3A_781] : memref<921600xi32, #tpu.memory_space<hbm>> -> memref<960xi32, #tpu.memory_space<hbm>>
        tpu.wait_dma2 semaphore(%run_scoped3A : memref<!tpu.dma_semaphore, #tpu.memory_space<semaphore_mem>>) src(%dma_wait3A_941 : memref<960xi32, #tpu.memory_space<hbm>>) dst(%dma_wait3A_940 : memref<960xi32, #tpu.memory_space<vmem>>)
        tpu.yield
      }) : () -> ()
      %dma_start3A_782 = arith.constant 0 : i32
      %dma_start3A_783 = arith.constant 0 : i32
      %dma_start3A_784 = tpu.memref_slice %arg22[%dma_start3A_782, %dma_start3A_783] : memref<960x32xf32, #tpu.memory_space<vmem>> -> memref<128x32xf32, #tpu.memory_space<vmem>>
      %dma_start3A_785 = arith.constant 0 : i32
      %dma_start3A_786 = tpu.memref_slice %arg21[%dma_start3A_785] : memref<960xi32, #tpu.memory_space<vmem>> -> memref<128xi32, #tpu.memory_space<vmem>>
      %dma_start3A_787 = arith.constant 0 : i32
      %dma_start3A_788 = arith.constant 0 : i32
      %dma_start3A_789 = tpu.memref_slice %arg10[%dma_start3A_787, %dma_start3A_788] : memref<1001000x32xf32, #tpu.memory_space<hbm>> -> memref<1001000x32xf32, #tpu.memory_space<hbm>>
      tpu.enqueue_indirect_dma source(%dma_start3A_789 : memref<1001000x32xf32, #tpu.memory_space<hbm>>) target(%dma_start3A_784 : memref<128x32xf32, #tpu.memory_space<vmem>>) offsets(%dma_start3A_786 : memref<128xi32, #tpu.memory_space<vmem>>) semaphore(%arg25 : memref<!tpu.dma_semaphore, #tpu.memory_space<semaphore_mem>>)
      %dma_start3A_790 = arith.constant 128 : i32
      %dma_start3A_791 = arith.constant 0 : i32
      %dma_start3A_792 = tpu.memref_slice %arg22[%dma_start3A_790, %dma_start3A_791] : memref<960x32xf32, #tpu.memory_space<vmem>> -> memref<128x32xf32, #tpu.memory_space<vmem>>
      %dma_start3A_793 = arith.constant 128 : i32
      %dma_start3A_794 = tpu.memref_slice %arg21[%dma_start3A_793] : memref<960xi32, #tpu.memory_space<vmem>> -> memref<128xi32, #tpu.memory_space<vmem>>
      %dma_start3A_795 = arith.constant 0 : i32
      %dma_start3A_796 = arith.constant 0 : i32
      %dma_start3A_797 = tpu.memref_slice %arg10[%dma_start3A_795, %dma_start3A_796] : memref<1001000x32xf32, #tpu.memory_space<hbm>> -> memref<1001000x32xf32, #tpu.memory_space<hbm>>
      tpu.enqueue_indirect_dma source(%dma_start3A_797 : memref<1001000x32xf32, #tpu.memory_space<hbm>>) target(%dma_start3A_792 : memref<128x32xf32, #tpu.memory_space<vmem>>) offsets(%dma_start3A_794 : memref<128xi32, #tpu.memory_space<vmem>>) semaphore(%arg25 : memref<!tpu.dma_semaphore, #tpu.memory_space<semaphore_mem>>)
      %dma_start3A_798 = arith.constant 256 : i32
      %dma_start3A_799 = arith.constant 0 : i32
      %dma_start3A_800 = tpu.memref_slice %arg22[%dma_start3A_798, %dma_start3A_799] : memref<960x32xf32, #tpu.memory_space<vmem>> -> memref<128x32xf32, #tpu.memory_space<vmem>>
      %dma_start3A_801 = arith.constant 256 : i32
      %dma_start3A_802 = tpu.memref_slice %arg21[%dma_start3A_801] : memref<960xi32, #tpu.memory_space<vmem>> -> memref<128xi32, #tpu.memory_space<vmem>>
      %dma_start3A_803 = arith.constant 0 : i32
      %dma_start3A_804 = arith.constant 0 : i32
      %dma_start3A_805 = tpu.memref_slice %arg10[%dma_start3A_803, %dma_start3A_804] : memref<1001000x32xf32, #tpu.memory_space<hbm>> -> memref<1001000x32xf32, #tpu.memory_space<hbm>>
      tpu.enqueue_indirect_dma source(%dma_start3A_805 : memref<1001000x32xf32, #tpu.memory_space<hbm>>) target(%dma_start3A_800 : memref<128x32xf32, #tpu.memory_space<vmem>>) offsets(%dma_start3A_802 : memref<128xi32, #tpu.memory_space<vmem>>) semaphore(%arg25 : memref<!tpu.dma_semaphore, #tpu.memory_space<semaphore_mem>>)
      %dma_start3A_806 = arith.constant 384 : i32
      %dma_start3A_807 = arith.constant 0 : i32
      %dma_start3A_808 = tpu.memref_slice %arg22[%dma_start3A_806, %dma_start3A_807] : memref<960x32xf32, #tpu.memory_space<vmem>> -> memref<128x32xf32, #tpu.memory_space<vmem>>
      %dma_start3A_809 = arith.constant 384 : i32
      %dma_start3A_810 = tpu.memref_slice %arg21[%dma_start3A_809] : memref<960xi32, #tpu.memory_space<vmem>> -> memref<128xi32, #tpu.memory_space<vmem>>
      %dma_start3A_811 = arith.constant 0 : i32
      %dma_start3A_812 = arith.constant 0 : i32
      %dma_start3A_813 = tpu.memref_slice %arg10[%dma_start3A_811, %dma_start3A_812] : memref<1001000x32xf32, #tpu.memory_space<hbm>> -> memref<1001000x32xf32, #tpu.memory_space<hbm>>
      tpu.enqueue_indirect_dma source(%dma_start3A_813 : memref<1001000x32xf32, #tpu.memory_space<hbm>>) target(%dma_start3A_808 : memref<128x32xf32, #tpu.memory_space<vmem>>) offsets(%dma_start3A_810 : memref<128xi32, #tpu.memory_space<vmem>>) semaphore(%arg25 : memref<!tpu.dma_semaphore, #tpu.memory_space<semaphore_mem>>)
      %dma_start3A_814 = arith.constant 512 : i32
      %dma_start3A_815 = arith.constant 0 : i32
      %dma_start3A_816 = tpu.memref_slice %arg22[%dma_start3A_814, %dma_start3A_815] : memref<960x32xf32, #tpu.memory_space<vmem>> -> memref<128x32xf32, #tpu.memory_space<vmem>>
      %dma_start3A_817 = arith.constant 512 : i32
      %dma_start3A_818 = tpu.memref_slice %arg21[%dma_start3A_817] : memref<960xi32, #tpu.memory_space<vmem>> -> memref<128xi32, #tpu.memory_space<vmem>>
      %dma_start3A_819 = arith.constant 0 : i32
      %dma_start3A_820 = arith.constant 0 : i32
      %dma_start3A_821 = tpu.memref_slice %arg10[%dma_start3A_819, %dma_start3A_820] : memref<1001000x32xf32, #tpu.memory_space<hbm>> -> memref<1001000x32xf32, #tpu.memory_space<hbm>>
      tpu.enqueue_indirect_dma source(%dma_start3A_821 : memref<1001000x32xf32, #tpu.memory_space<hbm>>) target(%dma_start3A_816 : memref<128x32xf32, #tpu.memory_space<vmem>>) offsets(%dma_start3A_818 : memref<128xi32, #tpu.memory_space<vmem>>) semaphore(%arg25 : memref<!tpu.dma_semaphore, #tpu.memory_space<semaphore_mem>>)
      %dma_start3A_822 = arith.constant 640 : i32
      %dma_start3A_823 = arith.constant 0 : i32
      %dma_start3A_824 = tpu.memref_slice %arg22[%dma_start3A_822, %dma_start3A_823] : memref<960x32xf32, #tpu.memory_space<vmem>> -> memref<128x32xf32, #tpu.memory_space<vmem>>
      %dma_start3A_825 = arith.constant 640 : i32
      %dma_start3A_826 = tpu.memref_slice %arg21[%dma_start3A_825] : memref<960xi32, #tpu.memory_space<vmem>> -> memref<128xi32, #tpu.memory_space<vmem>>
      %dma_start3A_827 = arith.constant 0 : i32
      %dma_start3A_828 = arith.constant 0 : i32
      %dma_start3A_829 = tpu.memref_slice %arg10[%dma_start3A_827, %dma_start3A_828] : memref<1001000x32xf32, #tpu.memory_space<hbm>> -> memref<1001000x32xf32, #tpu.memory_space<hbm>>
      tpu.enqueue_indirect_dma source(%dma_start3A_829 : memref<1001000x32xf32, #tpu.memory_space<hbm>>) target(%dma_start3A_824 : memref<128x32xf32, #tpu.memory_space<vmem>>) offsets(%dma_start3A_826 : memref<128xi32, #tpu.memory_space<vmem>>) semaphore(%arg25 : memref<!tpu.dma_semaphore, #tpu.memory_space<semaphore_mem>>)
      %dma_start3A_830 = arith.constant 768 : i32
      %dma_start3A_831 = arith.constant 0 : i32
      %dma_start3A_832 = tpu.memref_slice %arg22[%dma_start3A_830, %dma_start3A_831] : memref<960x32xf32, #tpu.memory_space<vmem>> -> memref<128x32xf32, #tpu.memory_space<vmem>>
      %dma_start3A_833 = arith.constant 768 : i32
      %dma_start3A_834 = tpu.memref_slice %arg21[%dma_start3A_833] : memref<960xi32, #tpu.memory_space<vmem>> -> memref<128xi32, #tpu.memory_space<vmem>>
      %dma_start3A_835 = arith.constant 0 : i32
      %dma_start3A_836 = arith.constant 0 : i32
      %dma_start3A_837 = tpu.memref_slice %arg10[%dma_start3A_835, %dma_start3A_836] : memref<1001000x32xf32, #tpu.memory_space<hbm>> -> memref<1001000x32xf32, #tpu.memory_space<hbm>>
      tpu.enqueue_indirect_dma source(%dma_start3A_837 : memref<1001000x32xf32, #tpu.memory_space<hbm>>) target(%dma_start3A_832 : memref<128x32xf32, #tpu.memory_space<vmem>>) offsets(%dma_start3A_834 : memref<128xi32, #tpu.memory_space<vmem>>) semaphore(%arg25 : memref<!tpu.dma_semaphore, #tpu.memory_space<semaphore_mem>>)
      %dma_start3A_838 = arith.constant 896 : i32
      %dma_start3A_839 = arith.constant 0 : i32
      %dma_start3A_840 = tpu.memref_slice %arg22[%dma_start3A_838, %dma_start3A_839] : memref<960x32xf32, #tpu.memory_space<vmem>> -> memref<64x32xf32, #tpu.memory_space<vmem>>
      %dma_start3A_841 = arith.constant 896 : i32
      %dma_start3A_842 = tpu.memref_slice %arg21[%dma_start3A_841] : memref<960xi32, #tpu.memory_space<vmem>> -> memref<64xi32, #tpu.memory_space<vmem>>
      %dma_start3A_843 = arith.constant 0 : i32
      %dma_start3A_844 = arith.constant 0 : i32
      %dma_start3A_845 = tpu.memref_slice %arg10[%dma_start3A_843, %dma_start3A_844] : memref<1001000x32xf32, #tpu.memory_space<hbm>> -> memref<1001000x32xf32, #tpu.memory_space<hbm>>
      tpu.enqueue_indirect_dma source(%dma_start3A_845 : memref<1001000x32xf32, #tpu.memory_space<hbm>>) target(%dma_start3A_840 : memref<64x32xf32, #tpu.memory_space<vmem>>) offsets(%dma_start3A_842 : memref<64xi32, #tpu.memory_space<vmem>>) semaphore(%arg25 : memref<!tpu.dma_semaphore, #tpu.memory_space<semaphore_mem>>)
      %dma_wait3A_846 = arith.constant 0 : i32
      %dma_wait3A_847 = arith.constant 0 : i32
      %dma_wait3A_848 = tpu.memref_slice %arg22[%dma_wait3A_846, %dma_wait3A_847] : memref<960x32xf32, #tpu.memory_space<vmem>> -> memref<128x32xf32, #tpu.memory_space<vmem>>
      %dma_wait3A_849 = arith.constant 0 : i32
      %dma_wait3A_850 = tpu.memref_slice %arg21[%dma_wait3A_849] : memref<960xi32, #tpu.memory_space<vmem>> -> memref<128xi32, #tpu.memory_space<vmem>>
      %dma_wait3A_851 = arith.constant 0 : i32
      %dma_wait3A_852 = arith.constant 0 : i32
      %dma_wait3A_853 = tpu.memref_slice %arg10[%dma_wait3A_851, %dma_wait3A_852] : memref<1001000x32xf32, #tpu.memory_space<hbm>> -> memref<1001000x32xf32, #tpu.memory_space<hbm>>
      tpu.wait_indirect_dma semaphore(%arg25 : memref<!tpu.dma_semaphore, #tpu.memory_space<semaphore_mem>>) src(%dma_wait3A_853 : memref<1001000x32xf32, #tpu.memory_space<hbm>>) dst(%dma_wait3A_848 : memref<128x32xf32, #tpu.memory_space<vmem>>)
      %dma_wait3A_854 = arith.constant 128 : i32
      %dma_wait3A_855 = arith.constant 0 : i32
      %dma_wait3A_856 = tpu.memref_slice %arg22[%dma_wait3A_854, %dma_wait3A_855] : memref<960x32xf32, #tpu.memory_space<vmem>> -> memref<128x32xf32, #tpu.memory_space<vmem>>
      %dma_wait3A_857 = arith.constant 128 : i32
      %dma_wait3A_858 = tpu.memref_slice %arg21[%dma_wait3A_857] : memref<960xi32, #tpu.memory_space<vmem>> -> memref<128xi32, #tpu.memory_space<vmem>>
      %dma_wait3A_859 = arith.constant 0 : i32
      %dma_wait3A_860 = arith.constant 0 : i32
      %dma_wait3A_861 = tpu.memref_slice %arg10[%dma_wait3A_859, %dma_wait3A_860] : memref<1001000x32xf32, #tpu.memory_space<hbm>> -> memref<1001000x32xf32, #tpu.memory_space<hbm>>
      tpu.wait_indirect_dma semaphore(%arg25 : memref<!tpu.dma_semaphore, #tpu.memory_space<semaphore_mem>>) src(%dma_wait3A_861 : memref<1001000x32xf32, #tpu.memory_space<hbm>>) dst(%dma_wait3A_856 : memref<128x32xf32, #tpu.memory_space<vmem>>)
      %dma_wait3A_862 = arith.constant 256 : i32
      %dma_wait3A_863 = arith.constant 0 : i32
      %dma_wait3A_864 = tpu.memref_slice %arg22[%dma_wait3A_862, %dma_wait3A_863] : memref<960x32xf32, #tpu.memory_space<vmem>> -> memref<128x32xf32, #tpu.memory_space<vmem>>
      %dma_wait3A_865 = arith.constant 256 : i32
      %dma_wait3A_866 = tpu.memref_slice %arg21[%dma_wait3A_865] : memref<960xi32, #tpu.memory_space<vmem>> -> memref<128xi32, #tpu.memory_space<vmem>>
      %dma_wait3A_867 = arith.constant 0 : i32
      %dma_wait3A_868 = arith.constant 0 : i32
      %dma_wait3A_869 = tpu.memref_slice %arg10[%dma_wait3A_867, %dma_wait3A_868] : memref<1001000x32xf32, #tpu.memory_space<hbm>> -> memref<1001000x32xf32, #tpu.memory_space<hbm>>
      tpu.wait_indirect_dma semaphore(%arg25 : memref<!tpu.dma_semaphore, #tpu.memory_space<semaphore_mem>>) src(%dma_wait3A_869 : memref<1001000x32xf32, #tpu.memory_space<hbm>>) dst(%dma_wait3A_864 : memref<128x32xf32, #tpu.memory_space<vmem>>)
      %dma_wait3A_870 = arith.constant 384 : i32
      %dma_wait3A_871 = arith.constant 0 : i32
      %dma_wait3A_872 = tpu.memref_slice %arg22[%dma_wait3A_870, %dma_wait3A_871] : memref<960x32xf32, #tpu.memory_space<vmem>> -> memref<128x32xf32, #tpu.memory_space<vmem>>
      %dma_wait3A_873 = arith.constant 384 : i32
      %dma_wait3A_874 = tpu.memref_slice %arg21[%dma_wait3A_873] : memref<960xi32, #tpu.memory_space<vmem>> -> memref<128xi32, #tpu.memory_space<vmem>>
      %dma_wait3A_875 = arith.constant 0 : i32
      %dma_wait3A_876 = arith.constant 0 : i32
      %dma_wait3A_877 = tpu.memref_slice %arg10[%dma_wait3A_875, %dma_wait3A_876] : memref<1001000x32xf32, #tpu.memory_space<hbm>> -> memref<1001000x32xf32, #tpu.memory_space<hbm>>
      tpu.wait_indirect_dma semaphore(%arg25 : memref<!tpu.dma_semaphore, #tpu.memory_space<semaphore_mem>>) src(%dma_wait3A_877 : memref<1001000x32xf32, #tpu.memory_space<hbm>>) dst(%dma_wait3A_872 : memref<128x32xf32, #tpu.memory_space<vmem>>)
      %dma_wait3A_878 = arith.constant 512 : i32
      %dma_wait3A_879 = arith.constant 0 : i32
      %dma_wait3A_880 = tpu.memref_slice %arg22[%dma_wait3A_878, %dma_wait3A_879] : memref<960x32xf32, #tpu.memory_space<vmem>> -> memref<128x32xf32, #tpu.memory_space<vmem>>
      %dma_wait3A_881 = arith.constant 512 : i32
      %dma_wait3A_882 = tpu.memref_slice %arg21[%dma_wait3A_881] : memref<960xi32, #tpu.memory_space<vmem>> -> memref<128xi32, #tpu.memory_space<vmem>>
      %dma_wait3A_883 = arith.constant 0 : i32
      %dma_wait3A_884 = arith.constant 0 : i32
      %dma_wait3A_885 = tpu.memref_slice %arg10[%dma_wait3A_883, %dma_wait3A_884] : memref<1001000x32xf32, #tpu.memory_space<hbm>> -> memref<1001000x32xf32, #tpu.memory_space<hbm>>
      tpu.wait_indirect_dma semaphore(%arg25 : memref<!tpu.dma_semaphore, #tpu.memory_space<semaphore_mem>>) src(%dma_wait3A_885 : memref<1001000x32xf32, #tpu.memory_space<hbm>>) dst(%dma_wait3A_880 : memref<128x32xf32, #tpu.memory_space<vmem>>)
      %dma_wait3A_886 = arith.constant 640 : i32
      %dma_wait3A_887 = arith.constant 0 : i32
      %dma_wait3A_888 = tpu.memref_slice %arg22[%dma_wait3A_886, %dma_wait3A_887] : memref<960x32xf32, #tpu.memory_space<vmem>> -> memref<128x32xf32, #tpu.memory_space<vmem>>
      %dma_wait3A_889 = arith.constant 640 : i32
      %dma_wait3A_890 = tpu.memref_slice %arg21[%dma_wait3A_889] : memref<960xi32, #tpu.memory_space<vmem>> -> memref<128xi32, #tpu.memory_space<vmem>>
      %dma_wait3A_891 = arith.constant 0 : i32
      %dma_wait3A_892 = arith.constant 0 : i32
      %dma_wait3A_893 = tpu.memref_slice %arg10[%dma_wait3A_891, %dma_wait3A_892] : memref<1001000x32xf32, #tpu.memory_space<hbm>> -> memref<1001000x32xf32, #tpu.memory_space<hbm>>
      tpu.wait_indirect_dma semaphore(%arg25 : memref<!tpu.dma_semaphore, #tpu.memory_space<semaphore_mem>>) src(%dma_wait3A_893 : memref<1001000x32xf32, #tpu.memory_space<hbm>>) dst(%dma_wait3A_888 : memref<128x32xf32, #tpu.memory_space<vmem>>)
      %dma_wait3A_894 = arith.constant 768 : i32
      %dma_wait3A_895 = arith.constant 0 : i32
      %dma_wait3A_896 = tpu.memref_slice %arg22[%dma_wait3A_894, %dma_wait3A_895] : memref<960x32xf32, #tpu.memory_space<vmem>> -> memref<128x32xf32, #tpu.memory_space<vmem>>
      %dma_wait3A_897 = arith.constant 768 : i32
      %dma_wait3A_898 = tpu.memref_slice %arg21[%dma_wait3A_897] : memref<960xi32, #tpu.memory_space<vmem>> -> memref<128xi32, #tpu.memory_space<vmem>>
      %dma_wait3A_899 = arith.constant 0 : i32
      %dma_wait3A_900 = arith.constant 0 : i32
      %dma_wait3A_901 = tpu.memref_slice %arg10[%dma_wait3A_899, %dma_wait3A_900] : memref<1001000x32xf32, #tpu.memory_space<hbm>> -> memref<1001000x32xf32, #tpu.memory_space<hbm>>
      tpu.wait_indirect_dma semaphore(%arg25 : memref<!tpu.dma_semaphore, #tpu.memory_space<semaphore_mem>>) src(%dma_wait3A_901 : memref<1001000x32xf32, #tpu.memory_space<hbm>>) dst(%dma_wait3A_896 : memref<128x32xf32, #tpu.memory_space<vmem>>)
      %dma_wait3A_902 = arith.constant 896 : i32
      %dma_wait3A_903 = arith.constant 0 : i32
      %dma_wait3A_904 = tpu.memref_slice %arg22[%dma_wait3A_902, %dma_wait3A_903] : memref<960x32xf32, #tpu.memory_space<vmem>> -> memref<64x32xf32, #tpu.memory_space<vmem>>
      %dma_wait3A_905 = arith.constant 896 : i32
      %dma_wait3A_906 = tpu.memref_slice %arg21[%dma_wait3A_905] : memref<960xi32, #tpu.memory_space<vmem>> -> memref<64xi32, #tpu.memory_space<vmem>>
      %dma_wait3A_907 = arith.constant 0 : i32
      %dma_wait3A_908 = arith.constant 0 : i32
      %dma_wait3A_909 = tpu.memref_slice %arg10[%dma_wait3A_907, %dma_wait3A_908] : memref<1001000x32xf32, #tpu.memory_space<hbm>> -> memref<1001000x32xf32, #tpu.memory_space<hbm>>
      tpu.wait_indirect_dma semaphore(%arg25 : memref<!tpu.dma_semaphore, #tpu.memory_space<semaphore_mem>>) src(%dma_wait3A_909 : memref<1001000x32xf32, #tpu.memory_space<hbm>>) dst(%dma_wait3A_904 : memref<64x32xf32, #tpu.memory_space<vmem>>)
      %dma_start3A_910 = arith.constant 0 : i32
      %dma_start3A_911 = arith.constant 0 : i32
      %dma_start3A_912 = tpu.memref_slice %arg22[%dma_start3A_910, %dma_start3A_911] : memref<960x32xf32, #tpu.memory_space<vmem>> -> memref<960x32xf32, #tpu.memory_space<vmem>>
      %dma_start3A_913 = arith.constant 0 : i32
      %dma_start3A_914 = tpu.memref_slice %arg17[%add3A_781, %dma_start3A_913] : memref<921600x32xf32, #tpu.memory_space<hbm>> -> memref<960x32xf32, #tpu.memory_space<hbm>>
      %dma_start3A_915 = arith.constant 0 : i32
      %dma_start3A_916 = tpu.memref_slice %arg17[%add3A_781, %dma_start3A_915] : memref<921600x32xf32, #tpu.memory_space<hbm>> -> memref<960x32xf32, #tpu.memory_space<hbm>>
      %dma_start3A_917 = arith.constant 0 : i32
      %dma_start3A_918 = arith.constant 0 : i32
      %dma_start3A_919 = tpu.memref_slice %arg22[%dma_start3A_917, %dma_start3A_918] : memref<960x32xf32, #tpu.memory_space<vmem>> -> memref<960x32xf32, #tpu.memory_space<vmem>>
      tpu.enqueue_dma source(%dma_start3A_919 : memref<960x32xf32, #tpu.memory_space<vmem>>) target(%dma_start3A_916 : memref<960x32xf32, #tpu.memory_space<hbm>>) target_semaphore(%arg26 : memref<!tpu.dma_semaphore, #tpu.memory_space<semaphore_mem>>)
      %dma_wait3A_920 = arith.constant 0 : i32
      %dma_wait3A_921 = arith.constant 0 : i32
      %dma_wait3A_922 = tpu.memref_slice %arg22[%dma_wait3A_920, %dma_wait3A_921] : memref<960x32xf32, #tpu.memory_space<vmem>> -> memref<960x32xf32, #tpu.memory_space<vmem>>
      %dma_wait3A_923 = arith.constant 0 : i32
      %dma_wait3A_924 = tpu.memref_slice %arg17[%add3A_781, %dma_wait3A_923] : memref<921600x32xf32, #tpu.memory_space<hbm>> -> memref<960x32xf32, #tpu.memory_space<hbm>>
      %dma_wait3A_925 = arith.constant 0 : i32
      %dma_wait3A_926 = tpu.memref_slice %arg17[%add3A_781, %dma_wait3A_925] : memref<921600x32xf32, #tpu.memory_space<hbm>> -> memref<960x32xf32, #tpu.memory_space<hbm>>
      %dma_wait3A_927 = arith.constant 0 : i32
      %dma_wait3A_928 = arith.constant 0 : i32
      %dma_wait3A_929 = tpu.memref_slice %arg22[%dma_wait3A_927, %dma_wait3A_928] : memref<960x32xf32, #tpu.memory_space<vmem>> -> memref<960x32xf32, #tpu.memory_space<vmem>>
      tpu.wait_dma2 semaphore(%arg26 : memref<!tpu.dma_semaphore, #tpu.memory_space<semaphore_mem>>) src(%dma_wait3A_929 : memref<960x32xf32, #tpu.memory_space<vmem>>) dst(%dma_wait3A_926 : memref<960x32xf32, #tpu.memory_space<hbm>>)
    }
    %scan3A_553 = arith.constant 30 : i32
    %mul3A_554 = arith.constant 576 : i32
    %mul3A_555 = arith.muli %add3A, %mul3A_554 : i32
    %scan3A_556 = arith.constant 0 : i32
    %scan3A_557 = arith.constant 0 : i32
    %mul3A_558 = arith.constant 576 : i32
    %mul3A_559 = arith.muli %scan3A_557, %mul3A_558 : i32
    %add3A_560 = arith.addi %mul3A_555, %mul3A_559 : i32
    "tpu.region"() ({
      %run_scoped3A = tpu.sem_alloc : memref<!tpu.dma_semaphore, #tpu.memory_space<semaphore_mem>>
      %dma_start3A_778 = arith.constant 0 : i32
      %dma_start3A_779 = tpu.memref_slice %arg21[%dma_start3A_778] : memref<960xi32, #tpu.memory_space<vmem>> -> memref<576xi32, #tpu.memory_space<vmem>>
      %dma_start3A_780 = tpu.memref_slice %arg6[%add3A_560] : memref<18432xi32, #tpu.memory_space<hbm>> -> memref<576xi32, #tpu.memory_space<hbm>>
      %dma_start3A_781 = arith.constant 0 : i32
      %dma_start3A_782 = tpu.memref_slice %arg21[%dma_start3A_781] : memref<960xi32, #tpu.memory_space<vmem>> -> memref<576xi32, #tpu.memory_space<vmem>>
      %dma_start3A_783 = tpu.memref_slice %arg6[%add3A_560] : memref<18432xi32, #tpu.memory_space<hbm>> -> memref<576xi32, #tpu.memory_space<hbm>>
      tpu.enqueue_dma source(%dma_start3A_783 : memref<576xi32, #tpu.memory_space<hbm>>) target(%dma_start3A_782 : memref<576xi32, #tpu.memory_space<vmem>>) target_semaphore(%run_scoped3A : memref<!tpu.dma_semaphore, #tpu.memory_space<semaphore_mem>>)
      %dma_wait3A_784 = arith.constant 0 : i32
      %dma_wait3A_785 = tpu.memref_slice %arg21[%dma_wait3A_784] : memref<960xi32, #tpu.memory_space<vmem>> -> memref<576xi32, #tpu.memory_space<vmem>>
      %dma_wait3A_786 = tpu.memref_slice %arg6[%add3A_560] : memref<18432xi32, #tpu.memory_space<hbm>> -> memref<576xi32, #tpu.memory_space<hbm>>
      %dma_wait3A_787 = arith.constant 0 : i32
      %dma_wait3A_788 = tpu.memref_slice %arg21[%dma_wait3A_787] : memref<960xi32, #tpu.memory_space<vmem>> -> memref<576xi32, #tpu.memory_space<vmem>>
      %dma_wait3A_789 = tpu.memref_slice %arg6[%add3A_560] : memref<18432xi32, #tpu.memory_space<hbm>> -> memref<576xi32, #tpu.memory_space<hbm>>
      tpu.wait_dma2 semaphore(%run_scoped3A : memref<!tpu.dma_semaphore, #tpu.memory_space<semaphore_mem>>) src(%dma_wait3A_789 : memref<576xi32, #tpu.memory_space<hbm>>) dst(%dma_wait3A_788 : memref<576xi32, #tpu.memory_space<vmem>>)
      tpu.yield
    }) : () -> ()
    %dma_start3A_561 = arith.constant 0 : i32
    %dma_start3A_562 = arith.constant 0 : i32
    %dma_start3A_563 = tpu.memref_slice %arg22[%dma_start3A_561, %dma_start3A_562] : memref<960x32xf32, #tpu.memory_space<vmem>> -> memref<128x32xf32, #tpu.memory_space<vmem>>
    %dma_start3A_564 = arith.constant 0 : i32
    %dma_start3A_565 = tpu.memref_slice %arg21[%dma_start3A_564] : memref<960xi32, #tpu.memory_space<vmem>> -> memref<128xi32, #tpu.memory_space<vmem>>
    %dma_start3A_566 = arith.constant 0 : i32
    %dma_start3A_567 = arith.constant 0 : i32
    %dma_start3A_568 = tpu.memref_slice %arg10[%dma_start3A_566, %dma_start3A_567] : memref<1001000x32xf32, #tpu.memory_space<hbm>> -> memref<1001000x32xf32, #tpu.memory_space<hbm>>
    tpu.enqueue_indirect_dma source(%dma_start3A_568 : memref<1001000x32xf32, #tpu.memory_space<hbm>>) target(%dma_start3A_563 : memref<128x32xf32, #tpu.memory_space<vmem>>) offsets(%dma_start3A_565 : memref<128xi32, #tpu.memory_space<vmem>>) semaphore(%arg25 : memref<!tpu.dma_semaphore, #tpu.memory_space<semaphore_mem>>)
    %dma_start3A_569 = arith.constant 128 : i32
    %dma_start3A_570 = arith.constant 0 : i32
    %dma_start3A_571 = tpu.memref_slice %arg22[%dma_start3A_569, %dma_start3A_570] : memref<960x32xf32, #tpu.memory_space<vmem>> -> memref<128x32xf32, #tpu.memory_space<vmem>>
    %dma_start3A_572 = arith.constant 128 : i32
    %dma_start3A_573 = tpu.memref_slice %arg21[%dma_start3A_572] : memref<960xi32, #tpu.memory_space<vmem>> -> memref<128xi32, #tpu.memory_space<vmem>>
    %dma_start3A_574 = arith.constant 0 : i32
    %dma_start3A_575 = arith.constant 0 : i32
    %dma_start3A_576 = tpu.memref_slice %arg10[%dma_start3A_574, %dma_start3A_575] : memref<1001000x32xf32, #tpu.memory_space<hbm>> -> memref<1001000x32xf32, #tpu.memory_space<hbm>>
    tpu.enqueue_indirect_dma source(%dma_start3A_576 : memref<1001000x32xf32, #tpu.memory_space<hbm>>) target(%dma_start3A_571 : memref<128x32xf32, #tpu.memory_space<vmem>>) offsets(%dma_start3A_573 : memref<128xi32, #tpu.memory_space<vmem>>) semaphore(%arg25 : memref<!tpu.dma_semaphore, #tpu.memory_space<semaphore_mem>>)
    %dma_start3A_577 = arith.constant 256 : i32
    %dma_start3A_578 = arith.constant 0 : i32
    %dma_start3A_579 = tpu.memref_slice %arg22[%dma_start3A_577, %dma_start3A_578] : memref<960x32xf32, #tpu.memory_space<vmem>> -> memref<128x32xf32, #tpu.memory_space<vmem>>
    %dma_start3A_580 = arith.constant 256 : i32
    %dma_start3A_581 = tpu.memref_slice %arg21[%dma_start3A_580] : memref<960xi32, #tpu.memory_space<vmem>> -> memref<128xi32, #tpu.memory_space<vmem>>
    %dma_start3A_582 = arith.constant 0 : i32
    %dma_start3A_583 = arith.constant 0 : i32
    %dma_start3A_584 = tpu.memref_slice %arg10[%dma_start3A_582, %dma_start3A_583] : memref<1001000x32xf32, #tpu.memory_space<hbm>> -> memref<1001000x32xf32, #tpu.memory_space<hbm>>
    tpu.enqueue_indirect_dma source(%dma_start3A_584 : memref<1001000x32xf32, #tpu.memory_space<hbm>>) target(%dma_start3A_579 : memref<128x32xf32, #tpu.memory_space<vmem>>) offsets(%dma_start3A_581 : memref<128xi32, #tpu.memory_space<vmem>>) semaphore(%arg25 : memref<!tpu.dma_semaphore, #tpu.memory_space<semaphore_mem>>)
    %dma_start3A_585 = arith.constant 384 : i32
    %dma_start3A_586 = arith.constant 0 : i32
    %dma_start3A_587 = tpu.memref_slice %arg22[%dma_start3A_585, %dma_start3A_586] : memref<960x32xf32, #tpu.memory_space<vmem>> -> memref<128x32xf32, #tpu.memory_space<vmem>>
    %dma_start3A_588 = arith.constant 384 : i32
    %dma_start3A_589 = tpu.memref_slice %arg21[%dma_start3A_588] : memref<960xi32, #tpu.memory_space<vmem>> -> memref<128xi32, #tpu.memory_space<vmem>>
    %dma_start3A_590 = arith.constant 0 : i32
    %dma_start3A_591 = arith.constant 0 : i32
    %dma_start3A_592 = tpu.memref_slice %arg10[%dma_start3A_590, %dma_start3A_591] : memref<1001000x32xf32, #tpu.memory_space<hbm>> -> memref<1001000x32xf32, #tpu.memory_space<hbm>>
    tpu.enqueue_indirect_dma source(%dma_start3A_592 : memref<1001000x32xf32, #tpu.memory_space<hbm>>) target(%dma_start3A_587 : memref<128x32xf32, #tpu.memory_space<vmem>>) offsets(%dma_start3A_589 : memref<128xi32, #tpu.memory_space<vmem>>) semaphore(%arg25 : memref<!tpu.dma_semaphore, #tpu.memory_space<semaphore_mem>>)
    %dma_start3A_593 = arith.constant 512 : i32
    %dma_start3A_594 = arith.constant 0 : i32
    %dma_start3A_595 = tpu.memref_slice %arg22[%dma_start3A_593, %dma_start3A_594] : memref<960x32xf32, #tpu.memory_space<vmem>> -> memref<64x32xf32, #tpu.memory_space<vmem>>
    %dma_start3A_596 = arith.constant 512 : i32
    %dma_start3A_597 = tpu.memref_slice %arg21[%dma_start3A_596] : memref<960xi32, #tpu.memory_space<vmem>> -> memref<64xi32, #tpu.memory_space<vmem>>
    %dma_start3A_598 = arith.constant 0 : i32
    %dma_start3A_599 = arith.constant 0 : i32
    %dma_start3A_600 = tpu.memref_slice %arg10[%dma_start3A_598, %dma_start3A_599] : memref<1001000x32xf32, #tpu.memory_space<hbm>> -> memref<1001000x32xf32, #tpu.memory_space<hbm>>
    tpu.enqueue_indirect_dma source(%dma_start3A_600 : memref<1001000x32xf32, #tpu.memory_space<hbm>>) target(%dma_start3A_595 : memref<64x32xf32, #tpu.memory_space<vmem>>) offsets(%dma_start3A_597 : memref<64xi32, #tpu.memory_space<vmem>>) semaphore(%arg25 : memref<!tpu.dma_semaphore, #tpu.memory_space<semaphore_mem>>)
    %dma_wait3A_601 = arith.constant 0 : i32
    %dma_wait3A_602 = arith.constant 0 : i32
    %dma_wait3A_603 = tpu.memref_slice %arg22[%dma_wait3A_601, %dma_wait3A_602] : memref<960x32xf32, #tpu.memory_space<vmem>> -> memref<128x32xf32, #tpu.memory_space<vmem>>
    %dma_wait3A_604 = arith.constant 0 : i32
    %dma_wait3A_605 = tpu.memref_slice %arg21[%dma_wait3A_604] : memref<960xi32, #tpu.memory_space<vmem>> -> memref<128xi32, #tpu.memory_space<vmem>>
    %dma_wait3A_606 = arith.constant 0 : i32
    %dma_wait3A_607 = arith.constant 0 : i32
    %dma_wait3A_608 = tpu.memref_slice %arg10[%dma_wait3A_606, %dma_wait3A_607] : memref<1001000x32xf32, #tpu.memory_space<hbm>> -> memref<1001000x32xf32, #tpu.memory_space<hbm>>
    tpu.wait_indirect_dma semaphore(%arg25 : memref<!tpu.dma_semaphore, #tpu.memory_space<semaphore_mem>>) src(%dma_wait3A_608 : memref<1001000x32xf32, #tpu.memory_space<hbm>>) dst(%dma_wait3A_603 : memref<128x32xf32, #tpu.memory_space<vmem>>)
    %dma_wait3A_609 = arith.constant 128 : i32
    %dma_wait3A_610 = arith.constant 0 : i32
    %dma_wait3A_611 = tpu.memref_slice %arg22[%dma_wait3A_609, %dma_wait3A_610] : memref<960x32xf32, #tpu.memory_space<vmem>> -> memref<128x32xf32, #tpu.memory_space<vmem>>
    %dma_wait3A_612 = arith.constant 128 : i32
    %dma_wait3A_613 = tpu.memref_slice %arg21[%dma_wait3A_612] : memref<960xi32, #tpu.memory_space<vmem>> -> memref<128xi32, #tpu.memory_space<vmem>>
    %dma_wait3A_614 = arith.constant 0 : i32
    %dma_wait3A_615 = arith.constant 0 : i32
    %dma_wait3A_616 = tpu.memref_slice %arg10[%dma_wait3A_614, %dma_wait3A_615] : memref<1001000x32xf32, #tpu.memory_space<hbm>> -> memref<1001000x32xf32, #tpu.memory_space<hbm>>
    tpu.wait_indirect_dma semaphore(%arg25 : memref<!tpu.dma_semaphore, #tpu.memory_space<semaphore_mem>>) src(%dma_wait3A_616 : memref<1001000x32xf32, #tpu.memory_space<hbm>>) dst(%dma_wait3A_611 : memref<128x32xf32, #tpu.memory_space<vmem>>)
    %dma_wait3A_617 = arith.constant 256 : i32
    %dma_wait3A_618 = arith.constant 0 : i32
    %dma_wait3A_619 = tpu.memref_slice %arg22[%dma_wait3A_617, %dma_wait3A_618] : memref<960x32xf32, #tpu.memory_space<vmem>> -> memref<128x32xf32, #tpu.memory_space<vmem>>
    %dma_wait3A_620 = arith.constant 256 : i32
    %dma_wait3A_621 = tpu.memref_slice %arg21[%dma_wait3A_620] : memref<960xi32, #tpu.memory_space<vmem>> -> memref<128xi32, #tpu.memory_space<vmem>>
    %dma_wait3A_622 = arith.constant 0 : i32
    %dma_wait3A_623 = arith.constant 0 : i32
    %dma_wait3A_624 = tpu.memref_slice %arg10[%dma_wait3A_622, %dma_wait3A_623] : memref<1001000x32xf32, #tpu.memory_space<hbm>> -> memref<1001000x32xf32, #tpu.memory_space<hbm>>
    tpu.wait_indirect_dma semaphore(%arg25 : memref<!tpu.dma_semaphore, #tpu.memory_space<semaphore_mem>>) src(%dma_wait3A_624 : memref<1001000x32xf32, #tpu.memory_space<hbm>>) dst(%dma_wait3A_619 : memref<128x32xf32, #tpu.memory_space<vmem>>)
    %dma_wait3A_625 = arith.constant 384 : i32
    %dma_wait3A_626 = arith.constant 0 : i32
    %dma_wait3A_627 = tpu.memref_slice %arg22[%dma_wait3A_625, %dma_wait3A_626] : memref<960x32xf32, #tpu.memory_space<vmem>> -> memref<128x32xf32, #tpu.memory_space<vmem>>
    %dma_wait3A_628 = arith.constant 384 : i32
    %dma_wait3A_629 = tpu.memref_slice %arg21[%dma_wait3A_628] : memref<960xi32, #tpu.memory_space<vmem>> -> memref<128xi32, #tpu.memory_space<vmem>>
    %dma_wait3A_630 = arith.constant 0 : i32
    %dma_wait3A_631 = arith.constant 0 : i32
    %dma_wait3A_632 = tpu.memref_slice %arg10[%dma_wait3A_630, %dma_wait3A_631] : memref<1001000x32xf32, #tpu.memory_space<hbm>> -> memref<1001000x32xf32, #tpu.memory_space<hbm>>
    tpu.wait_indirect_dma semaphore(%arg25 : memref<!tpu.dma_semaphore, #tpu.memory_space<semaphore_mem>>) src(%dma_wait3A_632 : memref<1001000x32xf32, #tpu.memory_space<hbm>>) dst(%dma_wait3A_627 : memref<128x32xf32, #tpu.memory_space<vmem>>)
    %dma_wait3A_633 = arith.constant 512 : i32
    %dma_wait3A_634 = arith.constant 0 : i32
    %dma_wait3A_635 = tpu.memref_slice %arg22[%dma_wait3A_633, %dma_wait3A_634] : memref<960x32xf32, #tpu.memory_space<vmem>> -> memref<64x32xf32, #tpu.memory_space<vmem>>
    %dma_wait3A_636 = arith.constant 512 : i32
    %dma_wait3A_637 = tpu.memref_slice %arg21[%dma_wait3A_636] : memref<960xi32, #tpu.memory_space<vmem>> -> memref<64xi32, #tpu.memory_space<vmem>>
    %dma_wait3A_638 = arith.constant 0 : i32
    %dma_wait3A_639 = arith.constant 0 : i32
    %dma_wait3A_640 = tpu.memref_slice %arg10[%dma_wait3A_638, %dma_wait3A_639] : memref<1001000x32xf32, #tpu.memory_space<hbm>> -> memref<1001000x32xf32, #tpu.memory_space<hbm>>
    tpu.wait_indirect_dma semaphore(%arg25 : memref<!tpu.dma_semaphore, #tpu.memory_space<semaphore_mem>>) src(%dma_wait3A_640 : memref<1001000x32xf32, #tpu.memory_space<hbm>>) dst(%dma_wait3A_635 : memref<64x32xf32, #tpu.memory_space<vmem>>)
    %dma_start3A_641 = arith.constant 0 : i32
    %dma_start3A_642 = arith.constant 0 : i32
    %dma_start3A_643 = tpu.memref_slice %arg22[%dma_start3A_641, %dma_start3A_642] : memref<960x32xf32, #tpu.memory_space<vmem>> -> memref<576x32xf32, #tpu.memory_space<vmem>>
    %dma_start3A_644 = arith.constant 0 : i32
    %dma_start3A_645 = tpu.memref_slice %arg18[%add3A_560, %dma_start3A_644] : memref<18432x32xf32, #tpu.memory_space<hbm>> -> memref<576x32xf32, #tpu.memory_space<hbm>>
    %dma_start3A_646 = arith.constant 0 : i32
    %dma_start3A_647 = tpu.memref_slice %arg18[%add3A_560, %dma_start3A_646] : memref<18432x32xf32, #tpu.memory_space<hbm>> -> memref<576x32xf32, #tpu.memory_space<hbm>>
    %dma_start3A_648 = arith.constant 0 : i32
    %dma_start3A_649 = arith.constant 0 : i32
    %dma_start3A_650 = tpu.memref_slice %arg22[%dma_start3A_648, %dma_start3A_649] : memref<960x32xf32, #tpu.memory_space<vmem>> -> memref<576x32xf32, #tpu.memory_space<vmem>>
    tpu.enqueue_dma source(%dma_start3A_650 : memref<576x32xf32, #tpu.memory_space<vmem>>) target(%dma_start3A_647 : memref<576x32xf32, #tpu.memory_space<hbm>>) target_semaphore(%arg26 : memref<!tpu.dma_semaphore, #tpu.memory_space<semaphore_mem>>)
    %dma_wait3A_651 = arith.constant 0 : i32
    %dma_wait3A_652 = arith.constant 0 : i32
    %dma_wait3A_653 = tpu.memref_slice %arg22[%dma_wait3A_651, %dma_wait3A_652] : memref<960x32xf32, #tpu.memory_space<vmem>> -> memref<576x32xf32, #tpu.memory_space<vmem>>
    %dma_wait3A_654 = arith.constant 0 : i32
    %dma_wait3A_655 = tpu.memref_slice %arg18[%add3A_560, %dma_wait3A_654] : memref<18432x32xf32, #tpu.memory_space<hbm>> -> memref<576x32xf32, #tpu.memory_space<hbm>>
    %dma_wait3A_656 = arith.constant 0 : i32
    %dma_wait3A_657 = tpu.memref_slice %arg18[%add3A_560, %dma_wait3A_656] : memref<18432x32xf32, #tpu.memory_space<hbm>> -> memref<576x32xf32, #tpu.memory_space<hbm>>
    %dma_wait3A_658 = arith.constant 0 : i32
    %dma_wait3A_659 = arith.constant 0 : i32
    %dma_wait3A_660 = tpu.memref_slice %arg22[%dma_wait3A_658, %dma_wait3A_659] : memref<960x32xf32, #tpu.memory_space<vmem>> -> memref<576x32xf32, #tpu.memory_space<vmem>>
    tpu.wait_dma2 semaphore(%arg26 : memref<!tpu.dma_semaphore, #tpu.memory_space<semaphore_mem>>) src(%dma_wait3A_660 : memref<576x32xf32, #tpu.memory_space<vmem>>) dst(%dma_wait3A_657 : memref<576x32xf32, #tpu.memory_space<hbm>>)
    %scan3A_661 = arith.constant 1 : i32
    %mul3A_662 = arith.constant 28800 : i32
    %mul3A_663 = arith.muli %add3A, %mul3A_662 : i32
    %scan3A_664 = arith.constant 0 : i32
    %scan3A_665 = arith.constant 0 : i32
    %scan3A_666 = arith.constant 30 : i32
    %scan3A_667 = arith.addi %scan3A_665, %scan3A_666 : i32
    %scan3A_668 = arith.constant 1 : i32
    scf.for %scan3A_778 = %scan3A_665 to %scan3A_667 step %scan3A_668  : i32 {
      %mul3A_779 = arith.constant 960 : i32
      %mul3A_780 = arith.muli %scan3A_778, %mul3A_779 : i32
      %add3A_781 = arith.addi %mul3A_663, %mul3A_780 : i32
      "tpu.region"() ({
        %run_scoped3A = tpu.sem_alloc : memref<!tpu.dma_semaphore, #tpu.memory_space<semaphore_mem>>
        %dma_start3A_930 = arith.constant 0 : i32
        %dma_start3A_931 = tpu.memref_slice %arg21[%dma_start3A_930] : memref<960xi32, #tpu.memory_space<vmem>> -> memref<960xi32, #tpu.memory_space<vmem>>
        %dma_start3A_932 = tpu.memref_slice %arg7[%add3A_781] : memref<921600xi32, #tpu.memory_space<hbm>> -> memref<960xi32, #tpu.memory_space<hbm>>
        %dma_start3A_933 = arith.constant 0 : i32
        %dma_start3A_934 = tpu.memref_slice %arg21[%dma_start3A_933] : memref<960xi32, #tpu.memory_space<vmem>> -> memref<960xi32, #tpu.memory_space<vmem>>
        %dma_start3A_935 = tpu.memref_slice %arg7[%add3A_781] : memref<921600xi32, #tpu.memory_space<hbm>> -> memref<960xi32, #tpu.memory_space<hbm>>
        tpu.enqueue_dma source(%dma_start3A_935 : memref<960xi32, #tpu.memory_space<hbm>>) target(%dma_start3A_934 : memref<960xi32, #tpu.memory_space<vmem>>) target_semaphore(%run_scoped3A : memref<!tpu.dma_semaphore, #tpu.memory_space<semaphore_mem>>)
        %dma_wait3A_936 = arith.constant 0 : i32
        %dma_wait3A_937 = tpu.memref_slice %arg21[%dma_wait3A_936] : memref<960xi32, #tpu.memory_space<vmem>> -> memref<960xi32, #tpu.memory_space<vmem>>
        %dma_wait3A_938 = tpu.memref_slice %arg7[%add3A_781] : memref<921600xi32, #tpu.memory_space<hbm>> -> memref<960xi32, #tpu.memory_space<hbm>>
        %dma_wait3A_939 = arith.constant 0 : i32
        %dma_wait3A_940 = tpu.memref_slice %arg21[%dma_wait3A_939] : memref<960xi32, #tpu.memory_space<vmem>> -> memref<960xi32, #tpu.memory_space<vmem>>
        %dma_wait3A_941 = tpu.memref_slice %arg7[%add3A_781] : memref<921600xi32, #tpu.memory_space<hbm>> -> memref<960xi32, #tpu.memory_space<hbm>>
        tpu.wait_dma2 semaphore(%run_scoped3A : memref<!tpu.dma_semaphore, #tpu.memory_space<semaphore_mem>>) src(%dma_wait3A_941 : memref<960xi32, #tpu.memory_space<hbm>>) dst(%dma_wait3A_940 : memref<960xi32, #tpu.memory_space<vmem>>)
        tpu.yield
      }) : () -> ()
      %dma_start3A_782 = arith.constant 0 : i32
      %dma_start3A_783 = arith.constant 0 : i32
      %dma_start3A_784 = tpu.memref_slice %arg22[%dma_start3A_782, %dma_start3A_783] : memref<960x32xf32, #tpu.memory_space<vmem>> -> memref<128x32xf32, #tpu.memory_space<vmem>>
      %dma_start3A_785 = arith.constant 0 : i32
      %dma_start3A_786 = tpu.memref_slice %arg21[%dma_start3A_785] : memref<960xi32, #tpu.memory_space<vmem>> -> memref<128xi32, #tpu.memory_space<vmem>>
      %dma_start3A_787 = arith.constant 0 : i32
      %dma_start3A_788 = arith.constant 0 : i32
      %dma_start3A_789 = tpu.memref_slice %arg10[%dma_start3A_787, %dma_start3A_788] : memref<1001000x32xf32, #tpu.memory_space<hbm>> -> memref<1001000x32xf32, #tpu.memory_space<hbm>>
      tpu.enqueue_indirect_dma source(%dma_start3A_789 : memref<1001000x32xf32, #tpu.memory_space<hbm>>) target(%dma_start3A_784 : memref<128x32xf32, #tpu.memory_space<vmem>>) offsets(%dma_start3A_786 : memref<128xi32, #tpu.memory_space<vmem>>) semaphore(%arg25 : memref<!tpu.dma_semaphore, #tpu.memory_space<semaphore_mem>>)
      %dma_start3A_790 = arith.constant 128 : i32
      %dma_start3A_791 = arith.constant 0 : i32
      %dma_start3A_792 = tpu.memref_slice %arg22[%dma_start3A_790, %dma_start3A_791] : memref<960x32xf32, #tpu.memory_space<vmem>> -> memref<128x32xf32, #tpu.memory_space<vmem>>
      %dma_start3A_793 = arith.constant 128 : i32
      %dma_start3A_794 = tpu.memref_slice %arg21[%dma_start3A_793] : memref<960xi32, #tpu.memory_space<vmem>> -> memref<128xi32, #tpu.memory_space<vmem>>
      %dma_start3A_795 = arith.constant 0 : i32
      %dma_start3A_796 = arith.constant 0 : i32
      %dma_start3A_797 = tpu.memref_slice %arg10[%dma_start3A_795, %dma_start3A_796] : memref<1001000x32xf32, #tpu.memory_space<hbm>> -> memref<1001000x32xf32, #tpu.memory_space<hbm>>
      tpu.enqueue_indirect_dma source(%dma_start3A_797 : memref<1001000x32xf32, #tpu.memory_space<hbm>>) target(%dma_start3A_792 : memref<128x32xf32, #tpu.memory_space<vmem>>) offsets(%dma_start3A_794 : memref<128xi32, #tpu.memory_space<vmem>>) semaphore(%arg25 : memref<!tpu.dma_semaphore, #tpu.memory_space<semaphore_mem>>)
      %dma_start3A_798 = arith.constant 256 : i32
      %dma_start3A_799 = arith.constant 0 : i32
      %dma_start3A_800 = tpu.memref_slice %arg22[%dma_start3A_798, %dma_start3A_799] : memref<960x32xf32, #tpu.memory_space<vmem>> -> memref<128x32xf32, #tpu.memory_space<vmem>>
      %dma_start3A_801 = arith.constant 256 : i32
      %dma_start3A_802 = tpu.memref_slice %arg21[%dma_start3A_801] : memref<960xi32, #tpu.memory_space<vmem>> -> memref<128xi32, #tpu.memory_space<vmem>>
      %dma_start3A_803 = arith.constant 0 : i32
      %dma_start3A_804 = arith.constant 0 : i32
      %dma_start3A_805 = tpu.memref_slice %arg10[%dma_start3A_803, %dma_start3A_804] : memref<1001000x32xf32, #tpu.memory_space<hbm>> -> memref<1001000x32xf32, #tpu.memory_space<hbm>>
      tpu.enqueue_indirect_dma source(%dma_start3A_805 : memref<1001000x32xf32, #tpu.memory_space<hbm>>) target(%dma_start3A_800 : memref<128x32xf32, #tpu.memory_space<vmem>>) offsets(%dma_start3A_802 : memref<128xi32, #tpu.memory_space<vmem>>) semaphore(%arg25 : memref<!tpu.dma_semaphore, #tpu.memory_space<semaphore_mem>>)
      %dma_start3A_806 = arith.constant 384 : i32
      %dma_start3A_807 = arith.constant 0 : i32
      %dma_start3A_808 = tpu.memref_slice %arg22[%dma_start3A_806, %dma_start3A_807] : memref<960x32xf32, #tpu.memory_space<vmem>> -> memref<128x32xf32, #tpu.memory_space<vmem>>
      %dma_start3A_809 = arith.constant 384 : i32
      %dma_start3A_810 = tpu.memref_slice %arg21[%dma_start3A_809] : memref<960xi32, #tpu.memory_space<vmem>> -> memref<128xi32, #tpu.memory_space<vmem>>
      %dma_start3A_811 = arith.constant 0 : i32
      %dma_start3A_812 = arith.constant 0 : i32
      %dma_start3A_813 = tpu.memref_slice %arg10[%dma_start3A_811, %dma_start3A_812] : memref<1001000x32xf32, #tpu.memory_space<hbm>> -> memref<1001000x32xf32, #tpu.memory_space<hbm>>
      tpu.enqueue_indirect_dma source(%dma_start3A_813 : memref<1001000x32xf32, #tpu.memory_space<hbm>>) target(%dma_start3A_808 : memref<128x32xf32, #tpu.memory_space<vmem>>) offsets(%dma_start3A_810 : memref<128xi32, #tpu.memory_space<vmem>>) semaphore(%arg25 : memref<!tpu.dma_semaphore, #tpu.memory_space<semaphore_mem>>)
      %dma_start3A_814 = arith.constant 512 : i32
      %dma_start3A_815 = arith.constant 0 : i32
      %dma_start3A_816 = tpu.memref_slice %arg22[%dma_start3A_814, %dma_start3A_815] : memref<960x32xf32, #tpu.memory_space<vmem>> -> memref<128x32xf32, #tpu.memory_space<vmem>>
      %dma_start3A_817 = arith.constant 512 : i32
      %dma_start3A_818 = tpu.memref_slice %arg21[%dma_start3A_817] : memref<960xi32, #tpu.memory_space<vmem>> -> memref<128xi32, #tpu.memory_space<vmem>>
      %dma_start3A_819 = arith.constant 0 : i32
      %dma_start3A_820 = arith.constant 0 : i32
      %dma_start3A_821 = tpu.memref_slice %arg10[%dma_start3A_819, %dma_start3A_820] : memref<1001000x32xf32, #tpu.memory_space<hbm>> -> memref<1001000x32xf32, #tpu.memory_space<hbm>>
      tpu.enqueue_indirect_dma source(%dma_start3A_821 : memref<1001000x32xf32, #tpu.memory_space<hbm>>) target(%dma_start3A_816 : memref<128x32xf32, #tpu.memory_space<vmem>>) offsets(%dma_start3A_818 : memref<128xi32, #tpu.memory_space<vmem>>) semaphore(%arg25 : memref<!tpu.dma_semaphore, #tpu.memory_space<semaphore_mem>>)
      %dma_start3A_822 = arith.constant 640 : i32
      %dma_start3A_823 = arith.constant 0 : i32
      %dma_start3A_824 = tpu.memref_slice %arg22[%dma_start3A_822, %dma_start3A_823] : memref<960x32xf32, #tpu.memory_space<vmem>> -> memref<128x32xf32, #tpu.memory_space<vmem>>
      %dma_start3A_825 = arith.constant 640 : i32
      %dma_start3A_826 = tpu.memref_slice %arg21[%dma_start3A_825] : memref<960xi32, #tpu.memory_space<vmem>> -> memref<128xi32, #tpu.memory_space<vmem>>
      %dma_start3A_827 = arith.constant 0 : i32
      %dma_start3A_828 = arith.constant 0 : i32
      %dma_start3A_829 = tpu.memref_slice %arg10[%dma_start3A_827, %dma_start3A_828] : memref<1001000x32xf32, #tpu.memory_space<hbm>> -> memref<1001000x32xf32, #tpu.memory_space<hbm>>
      tpu.enqueue_indirect_dma source(%dma_start3A_829 : memref<1001000x32xf32, #tpu.memory_space<hbm>>) target(%dma_start3A_824 : memref<128x32xf32, #tpu.memory_space<vmem>>) offsets(%dma_start3A_826 : memref<128xi32, #tpu.memory_space<vmem>>) semaphore(%arg25 : memref<!tpu.dma_semaphore, #tpu.memory_space<semaphore_mem>>)
      %dma_start3A_830 = arith.constant 768 : i32
      %dma_start3A_831 = arith.constant 0 : i32
      %dma_start3A_832 = tpu.memref_slice %arg22[%dma_start3A_830, %dma_start3A_831] : memref<960x32xf32, #tpu.memory_space<vmem>> -> memref<128x32xf32, #tpu.memory_space<vmem>>
      %dma_start3A_833 = arith.constant 768 : i32
      %dma_start3A_834 = tpu.memref_slice %arg21[%dma_start3A_833] : memref<960xi32, #tpu.memory_space<vmem>> -> memref<128xi32, #tpu.memory_space<vmem>>
      %dma_start3A_835 = arith.constant 0 : i32
      %dma_start3A_836 = arith.constant 0 : i32
      %dma_start3A_837 = tpu.memref_slice %arg10[%dma_start3A_835, %dma_start3A_836] : memref<1001000x32xf32, #tpu.memory_space<hbm>> -> memref<1001000x32xf32, #tpu.memory_space<hbm>>
      tpu.enqueue_indirect_dma source(%dma_start3A_837 : memref<1001000x32xf32, #tpu.memory_space<hbm>>) target(%dma_start3A_832 : memref<128x32xf32, #tpu.memory_space<vmem>>) offsets(%dma_start3A_834 : memref<128xi32, #tpu.memory_space<vmem>>) semaphore(%arg25 : memref<!tpu.dma_semaphore, #tpu.memory_space<semaphore_mem>>)
      %dma_start3A_838 = arith.constant 896 : i32
      %dma_start3A_839 = arith.constant 0 : i32
      %dma_start3A_840 = tpu.memref_slice %arg22[%dma_start3A_838, %dma_start3A_839] : memref<960x32xf32, #tpu.memory_space<vmem>> -> memref<64x32xf32, #tpu.memory_space<vmem>>
      %dma_start3A_841 = arith.constant 896 : i32
      %dma_start3A_842 = tpu.memref_slice %arg21[%dma_start3A_841] : memref<960xi32, #tpu.memory_space<vmem>> -> memref<64xi32, #tpu.memory_space<vmem>>
      %dma_start3A_843 = arith.constant 0 : i32
      %dma_start3A_844 = arith.constant 0 : i32
      %dma_start3A_845 = tpu.memref_slice %arg10[%dma_start3A_843, %dma_start3A_844] : memref<1001000x32xf32, #tpu.memory_space<hbm>> -> memref<1001000x32xf32, #tpu.memory_space<hbm>>
      tpu.enqueue_indirect_dma source(%dma_start3A_845 : memref<1001000x32xf32, #tpu.memory_space<hbm>>) target(%dma_start3A_840 : memref<64x32xf32, #tpu.memory_space<vmem>>) offsets(%dma_start3A_842 : memref<64xi32, #tpu.memory_space<vmem>>) semaphore(%arg25 : memref<!tpu.dma_semaphore, #tpu.memory_space<semaphore_mem>>)
      %dma_wait3A_846 = arith.constant 0 : i32
      %dma_wait3A_847 = arith.constant 0 : i32
      %dma_wait3A_848 = tpu.memref_slice %arg22[%dma_wait3A_846, %dma_wait3A_847] : memref<960x32xf32, #tpu.memory_space<vmem>> -> memref<128x32xf32, #tpu.memory_space<vmem>>
      %dma_wait3A_849 = arith.constant 0 : i32
      %dma_wait3A_850 = tpu.memref_slice %arg21[%dma_wait3A_849] : memref<960xi32, #tpu.memory_space<vmem>> -> memref<128xi32, #tpu.memory_space<vmem>>
      %dma_wait3A_851 = arith.constant 0 : i32
      %dma_wait3A_852 = arith.constant 0 : i32
      %dma_wait3A_853 = tpu.memref_slice %arg10[%dma_wait3A_851, %dma_wait3A_852] : memref<1001000x32xf32, #tpu.memory_space<hbm>> -> memref<1001000x32xf32, #tpu.memory_space<hbm>>
      tpu.wait_indirect_dma semaphore(%arg25 : memref<!tpu.dma_semaphore, #tpu.memory_space<semaphore_mem>>) src(%dma_wait3A_853 : memref<1001000x32xf32, #tpu.memory_space<hbm>>) dst(%dma_wait3A_848 : memref<128x32xf32, #tpu.memory_space<vmem>>)
      %dma_wait3A_854 = arith.constant 128 : i32
      %dma_wait3A_855 = arith.constant 0 : i32
      %dma_wait3A_856 = tpu.memref_slice %arg22[%dma_wait3A_854, %dma_wait3A_855] : memref<960x32xf32, #tpu.memory_space<vmem>> -> memref<128x32xf32, #tpu.memory_space<vmem>>
      %dma_wait3A_857 = arith.constant 128 : i32
      %dma_wait3A_858 = tpu.memref_slice %arg21[%dma_wait3A_857] : memref<960xi32, #tpu.memory_space<vmem>> -> memref<128xi32, #tpu.memory_space<vmem>>
      %dma_wait3A_859 = arith.constant 0 : i32
      %dma_wait3A_860 = arith.constant 0 : i32
      %dma_wait3A_861 = tpu.memref_slice %arg10[%dma_wait3A_859, %dma_wait3A_860] : memref<1001000x32xf32, #tpu.memory_space<hbm>> -> memref<1001000x32xf32, #tpu.memory_space<hbm>>
      tpu.wait_indirect_dma semaphore(%arg25 : memref<!tpu.dma_semaphore, #tpu.memory_space<semaphore_mem>>) src(%dma_wait3A_861 : memref<1001000x32xf32, #tpu.memory_space<hbm>>) dst(%dma_wait3A_856 : memref<128x32xf32, #tpu.memory_space<vmem>>)
      %dma_wait3A_862 = arith.constant 256 : i32
      %dma_wait3A_863 = arith.constant 0 : i32
      %dma_wait3A_864 = tpu.memref_slice %arg22[%dma_wait3A_862, %dma_wait3A_863] : memref<960x32xf32, #tpu.memory_space<vmem>> -> memref<128x32xf32, #tpu.memory_space<vmem>>
      %dma_wait3A_865 = arith.constant 256 : i32
      %dma_wait3A_866 = tpu.memref_slice %arg21[%dma_wait3A_865] : memref<960xi32, #tpu.memory_space<vmem>> -> memref<128xi32, #tpu.memory_space<vmem>>
      %dma_wait3A_867 = arith.constant 0 : i32
      %dma_wait3A_868 = arith.constant 0 : i32
      %dma_wait3A_869 = tpu.memref_slice %arg10[%dma_wait3A_867, %dma_wait3A_868] : memref<1001000x32xf32, #tpu.memory_space<hbm>> -> memref<1001000x32xf32, #tpu.memory_space<hbm>>
      tpu.wait_indirect_dma semaphore(%arg25 : memref<!tpu.dma_semaphore, #tpu.memory_space<semaphore_mem>>) src(%dma_wait3A_869 : memref<1001000x32xf32, #tpu.memory_space<hbm>>) dst(%dma_wait3A_864 : memref<128x32xf32, #tpu.memory_space<vmem>>)
      %dma_wait3A_870 = arith.constant 384 : i32
      %dma_wait3A_871 = arith.constant 0 : i32
      %dma_wait3A_872 = tpu.memref_slice %arg22[%dma_wait3A_870, %dma_wait3A_871] : memref<960x32xf32, #tpu.memory_space<vmem>> -> memref<128x32xf32, #tpu.memory_space<vmem>>
      %dma_wait3A_873 = arith.constant 384 : i32
      %dma_wait3A_874 = tpu.memref_slice %arg21[%dma_wait3A_873] : memref<960xi32, #tpu.memory_space<vmem>> -> memref<128xi32, #tpu.memory_space<vmem>>
      %dma_wait3A_875 = arith.constant 0 : i32
      %dma_wait3A_876 = arith.constant 0 : i32
      %dma_wait3A_877 = tpu.memref_slice %arg10[%dma_wait3A_875, %dma_wait3A_876] : memref<1001000x32xf32, #tpu.memory_space<hbm>> -> memref<1001000x32xf32, #tpu.memory_space<hbm>>
      tpu.wait_indirect_dma semaphore(%arg25 : memref<!tpu.dma_semaphore, #tpu.memory_space<semaphore_mem>>) src(%dma_wait3A_877 : memref<1001000x32xf32, #tpu.memory_space<hbm>>) dst(%dma_wait3A_872 : memref<128x32xf32, #tpu.memory_space<vmem>>)
      %dma_wait3A_878 = arith.constant 512 : i32
      %dma_wait3A_879 = arith.constant 0 : i32
      %dma_wait3A_880 = tpu.memref_slice %arg22[%dma_wait3A_878, %dma_wait3A_879] : memref<960x32xf32, #tpu.memory_space<vmem>> -> memref<128x32xf32, #tpu.memory_space<vmem>>
      %dma_wait3A_881 = arith.constant 512 : i32
      %dma_wait3A_882 = tpu.memref_slice %arg21[%dma_wait3A_881] : memref<960xi32, #tpu.memory_space<vmem>> -> memref<128xi32, #tpu.memory_space<vmem>>
      %dma_wait3A_883 = arith.constant 0 : i32
      %dma_wait3A_884 = arith.constant 0 : i32
      %dma_wait3A_885 = tpu.memref_slice %arg10[%dma_wait3A_883, %dma_wait3A_884] : memref<1001000x32xf32, #tpu.memory_space<hbm>> -> memref<1001000x32xf32, #tpu.memory_space<hbm>>
      tpu.wait_indirect_dma semaphore(%arg25 : memref<!tpu.dma_semaphore, #tpu.memory_space<semaphore_mem>>) src(%dma_wait3A_885 : memref<1001000x32xf32, #tpu.memory_space<hbm>>) dst(%dma_wait3A_880 : memref<128x32xf32, #tpu.memory_space<vmem>>)
      %dma_wait3A_886 = arith.constant 640 : i32
      %dma_wait3A_887 = arith.constant 0 : i32
      %dma_wait3A_888 = tpu.memref_slice %arg22[%dma_wait3A_886, %dma_wait3A_887] : memref<960x32xf32, #tpu.memory_space<vmem>> -> memref<128x32xf32, #tpu.memory_space<vmem>>
      %dma_wait3A_889 = arith.constant 640 : i32
      %dma_wait3A_890 = tpu.memref_slice %arg21[%dma_wait3A_889] : memref<960xi32, #tpu.memory_space<vmem>> -> memref<128xi32, #tpu.memory_space<vmem>>
      %dma_wait3A_891 = arith.constant 0 : i32
      %dma_wait3A_892 = arith.constant 0 : i32
      %dma_wait3A_893 = tpu.memref_slice %arg10[%dma_wait3A_891, %dma_wait3A_892] : memref<1001000x32xf32, #tpu.memory_space<hbm>> -> memref<1001000x32xf32, #tpu.memory_space<hbm>>
      tpu.wait_indirect_dma semaphore(%arg25 : memref<!tpu.dma_semaphore, #tpu.memory_space<semaphore_mem>>) src(%dma_wait3A_893 : memref<1001000x32xf32, #tpu.memory_space<hbm>>) dst(%dma_wait3A_888 : memref<128x32xf32, #tpu.memory_space<vmem>>)
      %dma_wait3A_894 = arith.constant 768 : i32
      %dma_wait3A_895 = arith.constant 0 : i32
      %dma_wait3A_896 = tpu.memref_slice %arg22[%dma_wait3A_894, %dma_wait3A_895] : memref<960x32xf32, #tpu.memory_space<vmem>> -> memref<128x32xf32, #tpu.memory_space<vmem>>
      %dma_wait3A_897 = arith.constant 768 : i32
      %dma_wait3A_898 = tpu.memref_slice %arg21[%dma_wait3A_897] : memref<960xi32, #tpu.memory_space<vmem>> -> memref<128xi32, #tpu.memory_space<vmem>>
      %dma_wait3A_899 = arith.constant 0 : i32
      %dma_wait3A_900 = arith.constant 0 : i32
      %dma_wait3A_901 = tpu.memref_slice %arg10[%dma_wait3A_899, %dma_wait3A_900] : memref<1001000x32xf32, #tpu.memory_space<hbm>> -> memref<1001000x32xf32, #tpu.memory_space<hbm>>
      tpu.wait_indirect_dma semaphore(%arg25 : memref<!tpu.dma_semaphore, #tpu.memory_space<semaphore_mem>>) src(%dma_wait3A_901 : memref<1001000x32xf32, #tpu.memory_space<hbm>>) dst(%dma_wait3A_896 : memref<128x32xf32, #tpu.memory_space<vmem>>)
      %dma_wait3A_902 = arith.constant 896 : i32
      %dma_wait3A_903 = arith.constant 0 : i32
      %dma_wait3A_904 = tpu.memref_slice %arg22[%dma_wait3A_902, %dma_wait3A_903] : memref<960x32xf32, #tpu.memory_space<vmem>> -> memref<64x32xf32, #tpu.memory_space<vmem>>
      %dma_wait3A_905 = arith.constant 896 : i32
      %dma_wait3A_906 = tpu.memref_slice %arg21[%dma_wait3A_905] : memref<960xi32, #tpu.memory_space<vmem>> -> memref<64xi32, #tpu.memory_space<vmem>>
      %dma_wait3A_907 = arith.constant 0 : i32
      %dma_wait3A_908 = arith.constant 0 : i32
      %dma_wait3A_909 = tpu.memref_slice %arg10[%dma_wait3A_907, %dma_wait3A_908] : memref<1001000x32xf32, #tpu.memory_space<hbm>> -> memref<1001000x32xf32, #tpu.memory_space<hbm>>
      tpu.wait_indirect_dma semaphore(%arg25 : memref<!tpu.dma_semaphore, #tpu.memory_space<semaphore_mem>>) src(%dma_wait3A_909 : memref<1001000x32xf32, #tpu.memory_space<hbm>>) dst(%dma_wait3A_904 : memref<64x32xf32, #tpu.memory_space<vmem>>)
      %dma_start3A_910 = arith.constant 0 : i32
      %dma_start3A_911 = arith.constant 0 : i32
      %dma_start3A_912 = tpu.memref_slice %arg22[%dma_start3A_910, %dma_start3A_911] : memref<960x32xf32, #tpu.memory_space<vmem>> -> memref<960x32xf32, #tpu.memory_space<vmem>>
      %dma_start3A_913 = arith.constant 0 : i32
      %dma_start3A_914 = tpu.memref_slice %arg19[%add3A_781, %dma_start3A_913] : memref<921600x32xf32, #tpu.memory_space<hbm>> -> memref<960x32xf32, #tpu.memory_space<hbm>>
      %dma_start3A_915 = arith.constant 0 : i32
      %dma_start3A_916 = tpu.memref_slice %arg19[%add3A_781, %dma_start3A_915] : memref<921600x32xf32, #tpu.memory_space<hbm>> -> memref<960x32xf32, #tpu.memory_space<hbm>>
      %dma_start3A_917 = arith.constant 0 : i32
      %dma_start3A_918 = arith.constant 0 : i32
      %dma_start3A_919 = tpu.memref_slice %arg22[%dma_start3A_917, %dma_start3A_918] : memref<960x32xf32, #tpu.memory_space<vmem>> -> memref<960x32xf32, #tpu.memory_space<vmem>>
      tpu.enqueue_dma source(%dma_start3A_919 : memref<960x32xf32, #tpu.memory_space<vmem>>) target(%dma_start3A_916 : memref<960x32xf32, #tpu.memory_space<hbm>>) target_semaphore(%arg26 : memref<!tpu.dma_semaphore, #tpu.memory_space<semaphore_mem>>)
      %dma_wait3A_920 = arith.constant 0 : i32
      %dma_wait3A_921 = arith.constant 0 : i32
      %dma_wait3A_922 = tpu.memref_slice %arg22[%dma_wait3A_920, %dma_wait3A_921] : memref<960x32xf32, #tpu.memory_space<vmem>> -> memref<960x32xf32, #tpu.memory_space<vmem>>
      %dma_wait3A_923 = arith.constant 0 : i32
      %dma_wait3A_924 = tpu.memref_slice %arg19[%add3A_781, %dma_wait3A_923] : memref<921600x32xf32, #tpu.memory_space<hbm>> -> memref<960x32xf32, #tpu.memory_space<hbm>>
      %dma_wait3A_925 = arith.constant 0 : i32
      %dma_wait3A_926 = tpu.memref_slice %arg19[%add3A_781, %dma_wait3A_925] : memref<921600x32xf32, #tpu.memory_space<hbm>> -> memref<960x32xf32, #tpu.memory_space<hbm>>
      %dma_wait3A_927 = arith.constant 0 : i32
      %dma_wait3A_928 = arith.constant 0 : i32
      %dma_wait3A_929 = tpu.memref_slice %arg22[%dma_wait3A_927, %dma_wait3A_928] : memref<960x32xf32, #tpu.memory_space<vmem>> -> memref<960x32xf32, #tpu.memory_space<vmem>>
      tpu.wait_dma2 semaphore(%arg26 : memref<!tpu.dma_semaphore, #tpu.memory_space<semaphore_mem>>) src(%dma_wait3A_929 : memref<960x32xf32, #tpu.memory_space<vmem>>) dst(%dma_wait3A_926 : memref<960x32xf32, #tpu.memory_space<hbm>>)
    }
    %scan3A_669 = arith.constant 30 : i32
    %mul3A_670 = arith.constant 576 : i32
    %mul3A_671 = arith.muli %add3A, %mul3A_670 : i32
    %scan3A_672 = arith.constant 0 : i32
    %scan3A_673 = arith.constant 0 : i32
    %mul3A_674 = arith.constant 576 : i32
    %mul3A_675 = arith.muli %scan3A_673, %mul3A_674 : i32
    %add3A_676 = arith.addi %mul3A_671, %mul3A_675 : i32
    "tpu.region"() ({
      %run_scoped3A = tpu.sem_alloc : memref<!tpu.dma_semaphore, #tpu.memory_space<semaphore_mem>>
      %dma_start3A_778 = arith.constant 0 : i32
      %dma_start3A_779 = tpu.memref_slice %arg21[%dma_start3A_778] : memref<960xi32, #tpu.memory_space<vmem>> -> memref<576xi32, #tpu.memory_space<vmem>>
      %dma_start3A_780 = tpu.memref_slice %arg8[%add3A_676] : memref<18432xi32, #tpu.memory_space<hbm>> -> memref<576xi32, #tpu.memory_space<hbm>>
      %dma_start3A_781 = arith.constant 0 : i32
      %dma_start3A_782 = tpu.memref_slice %arg21[%dma_start3A_781] : memref<960xi32, #tpu.memory_space<vmem>> -> memref<576xi32, #tpu.memory_space<vmem>>
      %dma_start3A_783 = tpu.memref_slice %arg8[%add3A_676] : memref<18432xi32, #tpu.memory_space<hbm>> -> memref<576xi32, #tpu.memory_space<hbm>>
      tpu.enqueue_dma source(%dma_start3A_783 : memref<576xi32, #tpu.memory_space<hbm>>) target(%dma_start3A_782 : memref<576xi32, #tpu.memory_space<vmem>>) target_semaphore(%run_scoped3A : memref<!tpu.dma_semaphore, #tpu.memory_space<semaphore_mem>>)
      %dma_wait3A_784 = arith.constant 0 : i32
      %dma_wait3A_785 = tpu.memref_slice %arg21[%dma_wait3A_784] : memref<960xi32, #tpu.memory_space<vmem>> -> memref<576xi32, #tpu.memory_space<vmem>>
      %dma_wait3A_786 = tpu.memref_slice %arg8[%add3A_676] : memref<18432xi32, #tpu.memory_space<hbm>> -> memref<576xi32, #tpu.memory_space<hbm>>
      %dma_wait3A_787 = arith.constant 0 : i32
      %dma_wait3A_788 = tpu.memref_slice %arg21[%dma_wait3A_787] : memref<960xi32, #tpu.memory_space<vmem>> -> memref<576xi32, #tpu.memory_space<vmem>>
      %dma_wait3A_789 = tpu.memref_slice %arg8[%add3A_676] : memref<18432xi32, #tpu.memory_space<hbm>> -> memref<576xi32, #tpu.memory_space<hbm>>
      tpu.wait_dma2 semaphore(%run_scoped3A : memref<!tpu.dma_semaphore, #tpu.memory_space<semaphore_mem>>) src(%dma_wait3A_789 : memref<576xi32, #tpu.memory_space<hbm>>) dst(%dma_wait3A_788 : memref<576xi32, #tpu.memory_space<vmem>>)
      tpu.yield
    }) : () -> ()
    %dma_start3A_677 = arith.constant 0 : i32
    %dma_start3A_678 = arith.constant 0 : i32
    %dma_start3A_679 = tpu.memref_slice %arg22[%dma_start3A_677, %dma_start3A_678] : memref<960x32xf32, #tpu.memory_space<vmem>> -> memref<128x32xf32, #tpu.memory_space<vmem>>
    %dma_start3A_680 = arith.constant 0 : i32
    %dma_start3A_681 = tpu.memref_slice %arg21[%dma_start3A_680] : memref<960xi32, #tpu.memory_space<vmem>> -> memref<128xi32, #tpu.memory_space<vmem>>
    %dma_start3A_682 = arith.constant 0 : i32
    %dma_start3A_683 = arith.constant 0 : i32
    %dma_start3A_684 = tpu.memref_slice %arg10[%dma_start3A_682, %dma_start3A_683] : memref<1001000x32xf32, #tpu.memory_space<hbm>> -> memref<1001000x32xf32, #tpu.memory_space<hbm>>
    tpu.enqueue_indirect_dma source(%dma_start3A_684 : memref<1001000x32xf32, #tpu.memory_space<hbm>>) target(%dma_start3A_679 : memref<128x32xf32, #tpu.memory_space<vmem>>) offsets(%dma_start3A_681 : memref<128xi32, #tpu.memory_space<vmem>>) semaphore(%arg25 : memref<!tpu.dma_semaphore, #tpu.memory_space<semaphore_mem>>)
    %dma_start3A_685 = arith.constant 128 : i32
    %dma_start3A_686 = arith.constant 0 : i32
    %dma_start3A_687 = tpu.memref_slice %arg22[%dma_start3A_685, %dma_start3A_686] : memref<960x32xf32, #tpu.memory_space<vmem>> -> memref<128x32xf32, #tpu.memory_space<vmem>>
    %dma_start3A_688 = arith.constant 128 : i32
    %dma_start3A_689 = tpu.memref_slice %arg21[%dma_start3A_688] : memref<960xi32, #tpu.memory_space<vmem>> -> memref<128xi32, #tpu.memory_space<vmem>>
    %dma_start3A_690 = arith.constant 0 : i32
    %dma_start3A_691 = arith.constant 0 : i32
    %dma_start3A_692 = tpu.memref_slice %arg10[%dma_start3A_690, %dma_start3A_691] : memref<1001000x32xf32, #tpu.memory_space<hbm>> -> memref<1001000x32xf32, #tpu.memory_space<hbm>>
    tpu.enqueue_indirect_dma source(%dma_start3A_692 : memref<1001000x32xf32, #tpu.memory_space<hbm>>) target(%dma_start3A_687 : memref<128x32xf32, #tpu.memory_space<vmem>>) offsets(%dma_start3A_689 : memref<128xi32, #tpu.memory_space<vmem>>) semaphore(%arg25 : memref<!tpu.dma_semaphore, #tpu.memory_space<semaphore_mem>>)
    %dma_start3A_693 = arith.constant 256 : i32
    %dma_start3A_694 = arith.constant 0 : i32
    %dma_start3A_695 = tpu.memref_slice %arg22[%dma_start3A_693, %dma_start3A_694] : memref<960x32xf32, #tpu.memory_space<vmem>> -> memref<128x32xf32, #tpu.memory_space<vmem>>
    %dma_start3A_696 = arith.constant 256 : i32
    %dma_start3A_697 = tpu.memref_slice %arg21[%dma_start3A_696] : memref<960xi32, #tpu.memory_space<vmem>> -> memref<128xi32, #tpu.memory_space<vmem>>
    %dma_start3A_698 = arith.constant 0 : i32
    %dma_start3A_699 = arith.constant 0 : i32
    %dma_start3A_700 = tpu.memref_slice %arg10[%dma_start3A_698, %dma_start3A_699] : memref<1001000x32xf32, #tpu.memory_space<hbm>> -> memref<1001000x32xf32, #tpu.memory_space<hbm>>
    tpu.enqueue_indirect_dma source(%dma_start3A_700 : memref<1001000x32xf32, #tpu.memory_space<hbm>>) target(%dma_start3A_695 : memref<128x32xf32, #tpu.memory_space<vmem>>) offsets(%dma_start3A_697 : memref<128xi32, #tpu.memory_space<vmem>>) semaphore(%arg25 : memref<!tpu.dma_semaphore, #tpu.memory_space<semaphore_mem>>)
    %dma_start3A_701 = arith.constant 384 : i32
    %dma_start3A_702 = arith.constant 0 : i32
    %dma_start3A_703 = tpu.memref_slice %arg22[%dma_start3A_701, %dma_start3A_702] : memref<960x32xf32, #tpu.memory_space<vmem>> -> memref<128x32xf32, #tpu.memory_space<vmem>>
    %dma_start3A_704 = arith.constant 384 : i32
    %dma_start3A_705 = tpu.memref_slice %arg21[%dma_start3A_704] : memref<960xi32, #tpu.memory_space<vmem>> -> memref<128xi32, #tpu.memory_space<vmem>>
    %dma_start3A_706 = arith.constant 0 : i32
    %dma_start3A_707 = arith.constant 0 : i32
    %dma_start3A_708 = tpu.memref_slice %arg10[%dma_start3A_706, %dma_start3A_707] : memref<1001000x32xf32, #tpu.memory_space<hbm>> -> memref<1001000x32xf32, #tpu.memory_space<hbm>>
    tpu.enqueue_indirect_dma source(%dma_start3A_708 : memref<1001000x32xf32, #tpu.memory_space<hbm>>) target(%dma_start3A_703 : memref<128x32xf32, #tpu.memory_space<vmem>>) offsets(%dma_start3A_705 : memref<128xi32, #tpu.memory_space<vmem>>) semaphore(%arg25 : memref<!tpu.dma_semaphore, #tpu.memory_space<semaphore_mem>>)
    %dma_start3A_709 = arith.constant 512 : i32
    %dma_start3A_710 = arith.constant 0 : i32
    %dma_start3A_711 = tpu.memref_slice %arg22[%dma_start3A_709, %dma_start3A_710] : memref<960x32xf32, #tpu.memory_space<vmem>> -> memref<64x32xf32, #tpu.memory_space<vmem>>
    %dma_start3A_712 = arith.constant 512 : i32
    %dma_start3A_713 = tpu.memref_slice %arg21[%dma_start3A_712] : memref<960xi32, #tpu.memory_space<vmem>> -> memref<64xi32, #tpu.memory_space<vmem>>
    %dma_start3A_714 = arith.constant 0 : i32
    %dma_start3A_715 = arith.constant 0 : i32
    %dma_start3A_716 = tpu.memref_slice %arg10[%dma_start3A_714, %dma_start3A_715] : memref<1001000x32xf32, #tpu.memory_space<hbm>> -> memref<1001000x32xf32, #tpu.memory_space<hbm>>
    tpu.enqueue_indirect_dma source(%dma_start3A_716 : memref<1001000x32xf32, #tpu.memory_space<hbm>>) target(%dma_start3A_711 : memref<64x32xf32, #tpu.memory_space<vmem>>) offsets(%dma_start3A_713 : memref<64xi32, #tpu.memory_space<vmem>>) semaphore(%arg25 : memref<!tpu.dma_semaphore, #tpu.memory_space<semaphore_mem>>)
    %dma_wait3A_717 = arith.constant 0 : i32
    %dma_wait3A_718 = arith.constant 0 : i32
    %dma_wait3A_719 = tpu.memref_slice %arg22[%dma_wait3A_717, %dma_wait3A_718] : memref<960x32xf32, #tpu.memory_space<vmem>> -> memref<128x32xf32, #tpu.memory_space<vmem>>
    %dma_wait3A_720 = arith.constant 0 : i32
    %dma_wait3A_721 = tpu.memref_slice %arg21[%dma_wait3A_720] : memref<960xi32, #tpu.memory_space<vmem>> -> memref<128xi32, #tpu.memory_space<vmem>>
    %dma_wait3A_722 = arith.constant 0 : i32
    %dma_wait3A_723 = arith.constant 0 : i32
    %dma_wait3A_724 = tpu.memref_slice %arg10[%dma_wait3A_722, %dma_wait3A_723] : memref<1001000x32xf32, #tpu.memory_space<hbm>> -> memref<1001000x32xf32, #tpu.memory_space<hbm>>
    tpu.wait_indirect_dma semaphore(%arg25 : memref<!tpu.dma_semaphore, #tpu.memory_space<semaphore_mem>>) src(%dma_wait3A_724 : memref<1001000x32xf32, #tpu.memory_space<hbm>>) dst(%dma_wait3A_719 : memref<128x32xf32, #tpu.memory_space<vmem>>)
    %dma_wait3A_725 = arith.constant 128 : i32
    %dma_wait3A_726 = arith.constant 0 : i32
    %dma_wait3A_727 = tpu.memref_slice %arg22[%dma_wait3A_725, %dma_wait3A_726] : memref<960x32xf32, #tpu.memory_space<vmem>> -> memref<128x32xf32, #tpu.memory_space<vmem>>
    %dma_wait3A_728 = arith.constant 128 : i32
    %dma_wait3A_729 = tpu.memref_slice %arg21[%dma_wait3A_728] : memref<960xi32, #tpu.memory_space<vmem>> -> memref<128xi32, #tpu.memory_space<vmem>>
    %dma_wait3A_730 = arith.constant 0 : i32
    %dma_wait3A_731 = arith.constant 0 : i32
    %dma_wait3A_732 = tpu.memref_slice %arg10[%dma_wait3A_730, %dma_wait3A_731] : memref<1001000x32xf32, #tpu.memory_space<hbm>> -> memref<1001000x32xf32, #tpu.memory_space<hbm>>
    tpu.wait_indirect_dma semaphore(%arg25 : memref<!tpu.dma_semaphore, #tpu.memory_space<semaphore_mem>>) src(%dma_wait3A_732 : memref<1001000x32xf32, #tpu.memory_space<hbm>>) dst(%dma_wait3A_727 : memref<128x32xf32, #tpu.memory_space<vmem>>)
    %dma_wait3A_733 = arith.constant 256 : i32
    %dma_wait3A_734 = arith.constant 0 : i32
    %dma_wait3A_735 = tpu.memref_slice %arg22[%dma_wait3A_733, %dma_wait3A_734] : memref<960x32xf32, #tpu.memory_space<vmem>> -> memref<128x32xf32, #tpu.memory_space<vmem>>
    %dma_wait3A_736 = arith.constant 256 : i32
    %dma_wait3A_737 = tpu.memref_slice %arg21[%dma_wait3A_736] : memref<960xi32, #tpu.memory_space<vmem>> -> memref<128xi32, #tpu.memory_space<vmem>>
    %dma_wait3A_738 = arith.constant 0 : i32
    %dma_wait3A_739 = arith.constant 0 : i32
    %dma_wait3A_740 = tpu.memref_slice %arg10[%dma_wait3A_738, %dma_wait3A_739] : memref<1001000x32xf32, #tpu.memory_space<hbm>> -> memref<1001000x32xf32, #tpu.memory_space<hbm>>
    tpu.wait_indirect_dma semaphore(%arg25 : memref<!tpu.dma_semaphore, #tpu.memory_space<semaphore_mem>>) src(%dma_wait3A_740 : memref<1001000x32xf32, #tpu.memory_space<hbm>>) dst(%dma_wait3A_735 : memref<128x32xf32, #tpu.memory_space<vmem>>)
    %dma_wait3A_741 = arith.constant 384 : i32
    %dma_wait3A_742 = arith.constant 0 : i32
    %dma_wait3A_743 = tpu.memref_slice %arg22[%dma_wait3A_741, %dma_wait3A_742] : memref<960x32xf32, #tpu.memory_space<vmem>> -> memref<128x32xf32, #tpu.memory_space<vmem>>
    %dma_wait3A_744 = arith.constant 384 : i32
    %dma_wait3A_745 = tpu.memref_slice %arg21[%dma_wait3A_744] : memref<960xi32, #tpu.memory_space<vmem>> -> memref<128xi32, #tpu.memory_space<vmem>>
    %dma_wait3A_746 = arith.constant 0 : i32
    %dma_wait3A_747 = arith.constant 0 : i32
    %dma_wait3A_748 = tpu.memref_slice %arg10[%dma_wait3A_746, %dma_wait3A_747] : memref<1001000x32xf32, #tpu.memory_space<hbm>> -> memref<1001000x32xf32, #tpu.memory_space<hbm>>
    tpu.wait_indirect_dma semaphore(%arg25 : memref<!tpu.dma_semaphore, #tpu.memory_space<semaphore_mem>>) src(%dma_wait3A_748 : memref<1001000x32xf32, #tpu.memory_space<hbm>>) dst(%dma_wait3A_743 : memref<128x32xf32, #tpu.memory_space<vmem>>)
    %dma_wait3A_749 = arith.constant 512 : i32
    %dma_wait3A_750 = arith.constant 0 : i32
    %dma_wait3A_751 = tpu.memref_slice %arg22[%dma_wait3A_749, %dma_wait3A_750] : memref<960x32xf32, #tpu.memory_space<vmem>> -> memref<64x32xf32, #tpu.memory_space<vmem>>
    %dma_wait3A_752 = arith.constant 512 : i32
    %dma_wait3A_753 = tpu.memref_slice %arg21[%dma_wait3A_752] : memref<960xi32, #tpu.memory_space<vmem>> -> memref<64xi32, #tpu.memory_space<vmem>>
    %dma_wait3A_754 = arith.constant 0 : i32
    %dma_wait3A_755 = arith.constant 0 : i32
    %dma_wait3A_756 = tpu.memref_slice %arg10[%dma_wait3A_754, %dma_wait3A_755] : memref<1001000x32xf32, #tpu.memory_space<hbm>> -> memref<1001000x32xf32, #tpu.memory_space<hbm>>
    tpu.wait_indirect_dma semaphore(%arg25 : memref<!tpu.dma_semaphore, #tpu.memory_space<semaphore_mem>>) src(%dma_wait3A_756 : memref<1001000x32xf32, #tpu.memory_space<hbm>>) dst(%dma_wait3A_751 : memref<64x32xf32, #tpu.memory_space<vmem>>)
    %dma_start3A_757 = arith.constant 0 : i32
    %dma_start3A_758 = arith.constant 0 : i32
    %dma_start3A_759 = tpu.memref_slice %arg22[%dma_start3A_757, %dma_start3A_758] : memref<960x32xf32, #tpu.memory_space<vmem>> -> memref<576x32xf32, #tpu.memory_space<vmem>>
    %dma_start3A_760 = arith.constant 0 : i32
    %dma_start3A_761 = tpu.memref_slice %arg20[%add3A_676, %dma_start3A_760] : memref<18432x32xf32, #tpu.memory_space<hbm>> -> memref<576x32xf32, #tpu.memory_space<hbm>>
    %dma_start3A_762 = arith.constant 0 : i32
    %dma_start3A_763 = tpu.memref_slice %arg20[%add3A_676, %dma_start3A_762] : memref<18432x32xf32, #tpu.memory_space<hbm>> -> memref<576x32xf32, #tpu.memory_space<hbm>>
    %dma_start3A_764 = arith.constant 0 : i32
    %dma_start3A_765 = arith.constant 0 : i32
    %dma_start3A_766 = tpu.memref_slice %arg22[%dma_start3A_764, %dma_start3A_765] : memref<960x32xf32, #tpu.memory_space<vmem>> -> memref<576x32xf32, #tpu.memory_space<vmem>>
    tpu.enqueue_dma source(%dma_start3A_766 : memref<576x32xf32, #tpu.memory_space<vmem>>) target(%dma_start3A_763 : memref<576x32xf32, #tpu.memory_space<hbm>>) target_semaphore(%arg26 : memref<!tpu.dma_semaphore, #tpu.memory_space<semaphore_mem>>)
    %dma_wait3A_767 = arith.constant 0 : i32
    %dma_wait3A_768 = arith.constant 0 : i32
    %dma_wait3A_769 = tpu.memref_slice %arg22[%dma_wait3A_767, %dma_wait3A_768] : memref<960x32xf32, #tpu.memory_space<vmem>> -> memref<576x32xf32, #tpu.memory_space<vmem>>
    %dma_wait3A_770 = arith.constant 0 : i32
    %dma_wait3A_771 = tpu.memref_slice %arg20[%add3A_676, %dma_wait3A_770] : memref<18432x32xf32, #tpu.memory_space<hbm>> -> memref<576x32xf32, #tpu.memory_space<hbm>>
    %dma_wait3A_772 = arith.constant 0 : i32
    %dma_wait3A_773 = tpu.memref_slice %arg20[%add3A_676, %dma_wait3A_772] : memref<18432x32xf32, #tpu.memory_space<hbm>> -> memref<576x32xf32, #tpu.memory_space<hbm>>
    %dma_wait3A_774 = arith.constant 0 : i32
    %dma_wait3A_775 = arith.constant 0 : i32
    %dma_wait3A_776 = tpu.memref_slice %arg22[%dma_wait3A_774, %dma_wait3A_775] : memref<960x32xf32, #tpu.memory_space<vmem>> -> memref<576x32xf32, #tpu.memory_space<vmem>>
    tpu.wait_dma2 semaphore(%arg26 : memref<!tpu.dma_semaphore, #tpu.memory_space<semaphore_mem>>) src(%dma_wait3A_776 : memref<576x32xf32, #tpu.memory_space<vmem>>) dst(%dma_wait3A_773 : memref<576x32xf32, #tpu.memory_space<hbm>>)
    %scan3A_777 = arith.constant 1 : i32
    return
  }
}

</mosaic_0001>

<sc_bundles>
// kernel: kernel.3.cloned.1.call-start
scs
__scs_entry_jumppad:
0x0: {  	(pc) =	sbr.rel $0x88, $3  }
0x1: {  	(tag) =	ssettag $0x0;
	lr =	simm.s32 $0x1  }
0x2: {  	[smem:$0x3F8C] =	sst lr;
	_ =	strace $0xD0000000  }
0x3: {  	_ = 	snop  }
0x4: {  	_ = 	snop  }
0x5: {  	_ = 	snop  }
0x6: {  	_ = 	snop  }
0x7: {  	_ = 	snop  }
__scs_overlays_trampoline_lowered:
0x8: {  	[smem:$0x3F9B] =	sst s0  }
0x9: {  	[smem:$0x3F9C] =	sst s1  }
0xa: {  	[smem:$0x3F9D] =	sst s2  }
0xb: {  	[smem:$0x3F9E] =	sst s3  }
0xc: {  	[smem:$0x3F9F] =	sst s4  }
0xd: {  	[smem:$0x3FA0] =	sst s5  }
0xe: {  	[smem:$0x3FA1] =	sst s6  }
0xf: {  	[smem:$0x3FA2] =	sst s7  }
0x10: {  	[smem:$0x3FA3] =	sst s8  }
0x11: {  	[smem:$0x3FA4] =	sst s9;
	s0 =	simm.s32 @!p0 $0x0  }
0x12: {  	s1 =	sld [smem:$0x3F8A];
	s0 =	simm.s32 @p0 $0x1  }
0x13: {  	[smem:$0x3FA5] =	sst s0;
	s0 =	simm.s32 @!p1 $0x0  }
0x14: {  	s2 =	sld [smem:$0x3F89];
	s0 =	simm.s32 @p1 $0x1  }
0x15: {  	[smem:$0x3FA6] =	sst s0;
	s0 =	simm.s32 @!p2 $0x0  }
0x16: {  	s3 =	sld [smem:$0x3FDB];
	s0 =	simm.s32 @p2 $0x1  }
0x17: {  	s4 =	simm.s32 $0x1BF5;
	[smem:$0x3FA8] =	sst s0  }
0x18: {  	s0 =	sld [smem:$0x3F8B];
	_ =	swait.ge [sflag:s4], $0x0  }
0x19: {  	s7 =	sld [smem:$0x3F8C]  }
0x1a: {  	s8 =	sadd.s32 $0xFFFFE003, lr  }
0x1b: {  	s9 =	sadd.s32 $0xFFFFFEF7, lr;
	s5 =	simm.s32 $0xFFFFFFFF;
	p2 =	slt.u32 s8, $0xFFFFF086  }
0x1c: {  	p1 =	slt.u32 s9, $0xF7A;
	s5 =	simm.s32 @!p2 $0x0  }
0x1d: {  	s5 =	simm.s32 @p1 $0x1;
	p0 =	seq.s32 s7, s2  }
0x1e: {  	s7 =	smul.u32 @!p0 $0xF7A, s2;
	p2 =	seq.s32 @!p0 s5, $0x0  }
0x1f: {  	s9 =	smul.u32 $0xF7A, s1;
	s8 =	simm.s32 @!p0 $0x1BF5;
	p2 =	por !p2, p0  }
0x20: {  	[sflag:s8] =	ssyncset.s32 @!p0 $0xFFFFF086;
	s6 =	sadd.s32 @!p0 s3, s7;
	s7 =	simm.s32 @!p0 $0x108  }
0x21: {  	s3 =	sadd.s32 s3, s9;
	s6 =	sadd.s32 @!p0 $0x88, s6;
	s7 =	simm.s32 @p2 $0x1082  }
0x22: {  	[simem:s7], [sflag:s8] =	dma.local @!p0 [hbm:s6], $0xF7A  }
0x23: {  	s9 =	sor.u32 $0xD0000000, s2;
	s6 =	simm.s32 $0x108;
	_ =	swait.ge @!p0 [sflag:s8], $0x0  }
0x24: {  	s3 =	sadd.s32 $0x88, s3;
	s6 =	simm.s32 @!p1 $0x1082;
	[sflag:s4] =	ssyncset.s32 $0xFFFFF086  }
0x25: {  	[simem:s6], [sflag:s4] =	dma.local [hbm:s3], $0xF7A  }
0x26: {  	[smem:$0x3F8C] =	sst s1;
	(tag) =	ssettag s2;
	_ =	strace s9  }
0x27: {  	s1 =	sld [smem:$0x3F9C]  }
0x28: {  	s2 =	sld [smem:$0x3F9D]  }
0x29: {  	s4 =	sld [smem:$0x3F9F]  }
0x2a: {  	p0 =	seq.s32 s5, $0x0;
	s5 =	sld [smem:$0x3FA0]  }
0x2b: {  	s6 =	sld [smem:$0x3FA1]  }
0x2c: {  	s7 =	sld [smem:$0x3FA2]  }
0x2d: {  	s3 =	simm.s32 $0x108;
	s8 =	sld [smem:$0x3FA3]  }
0x2e: {  	s3 =	simm.s32 @!p0 $0x1082;
	s9 =	sld [smem:$0x3FA4]  }
0x2f: {  	lr =	sadd.s32 s0, s3;
	s0 =	sld [smem:$0x3F9B]  }
0x30: {  	s3 =	sld [smem:$0x3F9E]  }
0x31: {  	[smem:$0x3FA7] =	sst s10  }
0x32: {  	s10 =	sld [smem:$0x3FA5];
	_ =	sdelay $0x3  }
0x33: {  	p0 =	seq.s32 s10, $0x1;
	s10 =	sld [smem:$0x3FA7];
	_ =	sdelay $0x3  }
0x34: {  	[smem:$0x3FA7] =	sst s10  }
0x35: {  	s10 =	sld [smem:$0x3FA6];
	_ =	sdelay $0x3  }
0x36: {  	p1 =	seq.s32 s10, $0x1;
	s10 =	sld [smem:$0x3FA7];
	_ =	sdelay $0x3  }
0x37: {  	[smem:$0x3FA7] =	sst s10  }
0x38: {  	s10 =	sld [smem:$0x3FA8]  }
0x39: {  	_ = 	snop;
	(pc) =	sbr.ind lr, $3  }
0x3a: {  	_ = 	snop  }
0x3b: {  	_ = 	snop  }
0x3c: {  	p2 =	seq.s32 s10, $0x1;
	s10 =	sld [smem:$0x3FA7]  }
0x3d: {  	_ =	shalt  }
0x3e: {  	_ =	shalt  }
0x3f: {  	_ =	shalt  }
0x40: {  	_ =	shalt  }
0x41: {  	_ =	shalt  }
0x42: {  	_ =	shalt  }
0x43: {  	_ =	shalt  }
0x44: {  	_ =	shalt  }
0x45: {  	_ =	shalt  }
0x46: {  	_ =	shalt  }
0x47: {  	_ =	shalt  }
0x48: {  	_ =	shalt  }
0x49: {  	_ =	shalt  }
0x4a: {  	_ =	shalt  }
0x4b: {  	_ =	shalt  }
0x4c: {  	_ =	shalt  }
0x4d: {  	_ =	shalt  }
0x4e: {  	_ =	shalt  }
0x4f: {  	_ =	shalt  }
0x50: {  	_ =	shalt  }
0x51: {  	_ =	shalt  }
0x52: {  	_ =	shalt  }
0x53: {  	_ =	shalt  }
0x54: {  	_ =	shalt  }
0x55: {  	_ =	shalt  }
0x56: {  	_ =	shalt  }
0x57: {  	_ =	shalt  }
0x58: {  	_ =	shalt  }
0x59: {  	_ =	shalt  }
0x5a: {  	_ =	shalt  }
0x5b: {  	_ =	shalt  }
0x5c: {  	_ =	shalt  }
0x5d: {  	_ =	shalt  }
0x5e: {  	_ =	shalt  }
0x5f: {  	_ =	shalt  }
0x60: {  	_ =	shalt  }
0x61: {  	_ =	shalt  }
0x62: {  	_ =	shalt  }
0x63: {  	_ =	shalt  }
0x64: {  	_ =	shalt  }
0x65: {  	_ =	shalt  }
0x66: {  	_ =	shalt  }
0x67: {  	_ =	shalt  }
0x68: {  	_ =	shalt  }
0x69: {  	_ =	shalt  }
0x6a: {  	_ =	shalt  }
0x6b: {  	_ =	shalt  }
0x6c: {  	_ =	shalt  }
0x6d: {  	_ =	shalt  }
0x6e: {  	_ =	shalt  }
0x6f: {  	_ =	shalt  }
0x70: {  	_ =	shalt  }
0x71: {  	_ =	shalt  }
0x72: {  	_ =	shalt  }
0x73: {  	_ =	shalt  }
0x74: {  	_ =	shalt  }
0x75: {  	_ =	shalt  }
0x76: {  	_ =	shalt  }
0x77: {  	_ =	shalt  }
0x78: {  	_ =	shalt  }
0x79: {  	_ =	shalt  }
0x7a: {  	_ =	shalt  }
0x7b: {  	_ =	shalt  }
0x7c: {  	_ =	shalt  }
0x7d: {  	_ =	shalt  }
0x7e: {  	_ =	shalt  }
0x7f: {  	_ =	shalt  }
0x80: {  	_ =	shalt  }
0x81: {  	_ =	shalt  }
0x82: {  	_ =	shalt  }
0x83: {  	_ =	shalt  }
0x84: {  	_ =	shalt  }
0x85: {  	_ =	shalt  }
0x86: {  	_ =	shalt  }
0x87: {  	_ =	shalt  }
.Lfunc_end0:
.L_simem_size_0:
called_computation.3_lowered:
.L_overlay_start_0:
0x88: {  	s2 =	sld [smem:$0x3FD9]  }
0x89: {  	s3 =	sld [smem:$0x3FFE];
	_ =	sdelay $0x1  }
0x8a: {  	s1 =	srdreg.scid  }
0x8b: {  	s0 =	sand.u32 $0x1, s1  }
0x8c: {  	s26 =	sshll.u32 s0, $0xA;
	s2 =	sadd.s32 s3, s2  }
0x8d: {  	s2 =	sadd.s32 s2, s26  }
0x8e: {  	[smem:$0x3FB3] =	sst s2  }
0x8f: {  	_ = 	snop  }
0x90: {  	s7 =	sld [smem:$0x3FD0];
	_ =	sdelay $0x2  }
0x91: {  	s8 =	simm.s32 $0xB  }
0x92: {  	s9 =	simm.s32 $0x10;
	s4 =	sld [smem:$0x3FC9];
	s28 =	sadd.s32 $0x1, s7  }
0x93: {  	[smem:s9], [sflag:s8] =	dma.local [hbm:s28], $0x1  }
0x94: {  	_ =	swait.eq [sflag:s8], $0x1  }
0x95: {  	s5 =	sld [smem:$0x10]  }
0x96: {  	s2 =	sld [smem:$0x11]  }
0x97: {  	s6 =	sld [smem:$0x12];
	[sflag:s8] =	ssyncset.done $0x0  }
0x98: {  	s3 =	sld [smem:$0x13];
	[sflag:s8] =	ssyncadd.s32 $0xFFFFFFFF  }
0x99: {  	s10 =	sld [smem:$0x14]  }
0x9a: {  	[smem:s9], [sflag:s8] =	dma.local [hbm:s7], $0x1  }
0x9b: {  	_ =	swait.eq [sflag:s8], $0x1  }
0x9c: {  	s29 =	sld [smem:$0x10]  }
0x9d: {  	s30 =	sld [smem:$0x11]  }
0x9e: {  	s11 =	sld [smem:$0x12]  }
0x9f: {  	s12 =	sld [smem:$0x13];
	[sflag:s8] =	ssyncset.done $0x0  }
0xa0: {  	s13 =	sld [smem:$0x14];
	[sflag:s8] =	ssyncadd.s32 $0xFFFFFFFF  }
0xa1: {  	s31 =	sld [smem:$0x15];
	(tm) =	ssettm $0x1  }
0xa2: {  	s14 =	sld [smem:$0x3FFB];
	_ =	sdelay $0x3  }
0xa3: {  	_ =	strace s14  }
0xa4: {  	s14 =	sld [smem:$0x3FFC];
	_ =	sdelay $0x3  }
0xa5: {  	_ =	strace s14  }
0xa6: {  	s14 =	sld [smem:$0x3FFD];
	_ =	sdelay $0x3  }
0xa7: {  	_ =	strace s14  }
0xa8: {  	_ =	strace $0x8FFFFFFF  }
0xa9: {  	s19 =	sld [smem:$0x3FDB];
	_ =	sdelay $0x1  }
0xaa: {  	s15 =	simm.s32 $_scs_section_size  }
0xab: {  	s16 =	simm.s32 $_size__tile_overlayer_lowered;
	s17 =	simm.s32 $_tile_overlayer_lowered  }
0xac: {  	s22 =	simm.s32 $0x1BFF;
	s21 =	sshll.u32 s17, $0x1;
	s14 =	sadd.s32 s15, s19  }
0xad: {  	s18 =	simm.s32 $0x0;
	s20 =	sshll.u32 s16, $0x1;
	s16 =	sadd.s32 s21, s14  }
0xae: {  	[timem:s18], [sflag:s22] =	dma.local [hbm:s16], s20  }
0xaf: {  	_ =	swait.ge [sflag:s22], s20  }
0xb0: {  	s15 =	ssub.s32 $0x0, s20;
	[sflag:s22] =	ssyncset.done $0x0  }
0xb1: {  	[sflag:s22] =	ssyncadd.s32 s15;
	_ =	sdelay $0x1  }
0xb2: {  	s23 =	simm.s32 $0x1B8B  }
0xb3: {  	_ =	swait.ge [sflag:s23], $0x1  }
0xb4: {  	[sflag:s23] =	ssyncset.done $0x0  }
0xb5: {  	s25 =	simm.s32 $0x1B8E;
	s24 =	sld [smem:$0x3FFE];
	[sflag:s23] =	ssyncadd.s32 $0xFFFFFFFF  }
0xb6: {  	s26 =	simm.s32 $execute0_lowered;
	[smem:$0x3FD2] =	sst s25  }
0xb7: {  	s16 =	sshll.u32 s26, $0x1;
	_ =	strace $0x80000049;
	[dreg:$0x1] =	wrdreg $0xFFFFFFFF  }
0xb8: {  	s28 =	simm.s32 $_size_execute0_lowered;
	s14 =	sadd.s32 s14, s16;
	[dreg:$0x0] =	wrdreg $0x0  }
0xb9: {  	s16 =	sshll.u32 s28, $0x1;
	[dreg:$0x2] =	wrdreg s14  }
0xba: {  	[dreg:$0x3] =	wrdreg s16  }
0xbb: {  	[dreg:$0x4] =	wrdreg $0xC0  }
0xbc: {  	_ =	task [dreg:s18], $0x5FFFF  }
0xbd: {  	[dreg:$0x1] =	wrdreg $0xFFFFFFFF  }
0xbe: {  	[dreg:$0x0] =	wrdreg $0x60  }
0xbf: {  	[dreg:$0x2] =	wrdreg s4  }
0xc0: {  	[dreg:$0x3] =	wrdreg s10  }
0xc1: {  	[dreg:$0x4] =	wrdreg s13  }
0xc2: {  	[dreg:$0x5] =	wrdreg s24  }
0xc3: {  	[dreg:$0x6] =	wrdreg s30  }
0xc4: {  	[dreg:$0x7] =	wrdreg s6  }
0xc5: {  	[dreg:$0x8] =	wrdreg s5  }
0xc6: {  	[dreg:$0x9] =	wrdreg s29  }
0xc7: {  	[dreg:$0xa] =	wrdreg s12  }
0xc8: {  	[dreg:$0xb] =	wrdreg s11  }
0xc9: {  	[dreg:$0xc] =	wrdreg s31  }
0xca: {  	[dreg:$0xd] =	wrdreg s3  }
0xcb: {  	[dreg:$0xe] =	wrdreg s2  }
0xcc: {  	[dreg:$0xf] =	wrdreg $0x9  }
0xcd: {  	_ =	task.clear_ibuf [dreg:s18], $0x10FFFF;
	_ =	strace $0x90000049  }
0xce: {  	s29 =	simm.s32 $0x9;
	_ =	strace $0x8000004B  }
0xcf: {  	_ =	swait.ge [sflag:s29], $0x1  }
0xd0: {  	[sflag:s29] =	ssyncadd.s32 $0xFFFFFFFF  }
0xd1: {  	_ =	strace $0x9000004B  }
0xd2: {  	_ =	sfence  }
0xd3: {  	s30 =	sld [smem:$0x0];
	_ =	sdelay $0x2  }
0xd4: {  	s31 =	sshll.u32 s1, $0xD;
	s1 =	sshrl.u32 s1, $0x2  }
0xd5: {  	s3 =	sand.u32 $0x4000, s31;
	s1 =	sadd.s32 s1, s30  }
0xd6: {  	s0 =	sor.u32 s3, s0;
	s1 =	sshll.u32 s1, $0x11  }
0xd7: {  	s0 =	sor.u32 s1, s0  }
0xd8: {  	s0 =	sadd.s32 $0x8F2B, s0  }
0xd9: {  	[sflag:s0] =	ssyncadd.remote.s32 $0x1  }
0xda: {  	_ =	sfence.sel $0xFFFF  }
0xdb: {  	[dreg:$0x0] =	wrdreg $0xFFFFFFFF;
	(pc) =	sbr.abs _section_cstart, $3  }
0xdc: {  	[dreg:$0x1] =	wrdreg $0xFFFFFFFF  }
0xdd: {  	_ =	task.clear_ibuf [dreg:s18], $0x2FFFF;
	_ =	strace $0x9FFFFFFF  }
0xde: {  	(tm) =	ssettm $0x7FFFFFFF  }
0xdf: {  	_ =	shalt  }
tec
execute0_lowered:
.L_overlay_start_1:
0x0: {  	(tag) =	ssettag $0x1  }
0x1: {  	s4 =	rddreg [dreg:$0x0]  }
0x2: {  	s1 =	srdreg.scid;
	s14 =	stileid.u32  }
0x3: {  	s0 =	rddreg [dreg:$0x3];
	s6 =	sand.u32 $0x1, s1;
	s2 =	smul.u32 $0xE100, s14  }
0x4: {  	s8 =	rddreg [dreg:$0x7];
	s1 =	simm.s32 $0x0;
	s3 =	smul.u32 $0x7080, s6  }
0x5: {  	s7 =	sshll.u32 s14, $0x1;
	[smem:$0x7FF] =	sst s1;
	s12 =	ssub.s32 $0x2, s6  }
0x6: {  	s9 =	sshrl.u32 s12, $0x1;
	s5 =	sadd.s32 s3, s2;
	s2 =	sor.u32 s6, s7  }
0x7: {  	s7 =	sadd.s32 $0x1390C00, s0;
	s10 =	smul.u32 $0xD00, s2;
	s13 =	sshll.u32 s2, $0x2  }
0x8: {  	s3 =	ssub.s32 s12, s9;
	s11 =	smul.u32 $0x1A0, s2;
	s4 =	sadd.s32 s4, s13  }
0x9: {  	s15 =	sshll.u32 s2, $0x7;
	[dreg:$0xe] =	wrdreg s4;
	s16 =	sadd.s32 $0x138, s10  }
0xa: {  	s4 =	sadd.s32 s8, s15;
	s15 =	sadd.s32 s7, s11;
	s18 =	sshrl.u32 s10, $0x3  }
0xb: {  	s19 =	sadd.s32 $0x208, s10;
	s20 =	sadd.s32 $0x2D8, s10;
	s22 =	sadd.s32 $0x3A8, s10  }
0xc: {  	s24 =	sadd.s32 $0x478, s10;
	s26 =	sadd.s32 $0x548, s10;
	s29 =	sadd.s32 $0x618, s10  }
0xd: {  	s12 =	sadd.s32 $0x6E8, s10;
	[dreg:$0xf] =	wrdreg s4;
	s17 =	sshrl.u32 s16, $0x3  }
0xe: {  	s8 =	sshrl.u32 s19, $0x3;
	s21 =	sshrl.u32 s20, $0x3;
	s23 =	sshrl.u32 s22, $0x3  }
0xf: {  	s28 =	sshrl.u32 s26, $0x3;
	s11 =	sshrl.u32 s29, $0x3;
	s26 =	rddreg [dreg:$0x1]  }
0x10: {  	s13 =	sshrl.u32 s12, $0x3;
	s29 =	rddreg [dreg:$0x4];
	s4 =	sadd.s32 s7, s17  }
0x11: {  	s12 =	sshll.u32 s2, $0x3;
	s8 =	sadd.s32 s7, s8;
	[dreg:$0x11] =	wrdreg s4  }
0x12: {  	s4 =	sadd.s32 s7, s18;
	[dreg:$0x12] =	wrdreg s8;
	s8 =	sadd.s32 s7, s21  }
0x13: {  	s18 =	sadd.s32 $0x888, s10;
	[dreg:$0x13] =	wrdreg s8;
	s8 =	sadd.s32 s7, s23  }
0x14: {  	s19 =	sshrl.u32 s18, $0x3;
	s18 =	sadd.s32 s26, s12;
	[dreg:$0x14] =	wrdreg s8  }
0x15: {  	s25 =	sshrl.u32 s24, $0x3;
	s24 =	sadd.s32 $0xAF8, s10;
	[smem:$0x7E3] =	sst s18  }
0x16: {  	s8 =	sadd.s32 s7, s25;
	s25 =	sshrl.u32 s24, $0x3;
	s24 =	rddreg [dreg:$0xb]  }
0x17: {  	[dreg:$0x15] =	wrdreg s8;
	s8 =	sadd.s32 s7, s28  }
0x18: {  	[dreg:$0x16] =	wrdreg s8;
	s8 =	sadd.s32 s7, s11  }
0x19: {  	s16 =	sadd.s32 $0x7B8, s10;
	[dreg:$0x17] =	wrdreg s8;
	s8 =	sadd.s32 s7, s13  }
0x1a: {  	s20 =	sadd.s32 $0x958, s10;
	s17 =	sshrl.u32 s16, $0x3;
	[dreg:$0x18] =	wrdreg s8  }
0x1b: {  	s22 =	sadd.s32 $0xA28, s10;
	s8 =	sadd.s32 s7, s17;
	s17 =	rddreg [dreg:$0x5]  }
0x1c: {  	s21 =	sshrl.u32 s20, $0x3;
	s13 =	smul.u32 $0x48, s2;
	[dreg:$0x19] =	wrdreg s8  }
0x1d: {  	s28 =	sadd.s32 $0xBC8, s10;
	s8 =	sadd.s32 s7, s19;
	s19 =	rddreg [dreg:$0x8]  }
0x1e: {  	s10 =	sadd.s32 $0xC98, s10;
	s20 =	sadd.s32 s29, s13;
	[dreg:$0x1a] =	wrdreg s8  }
0x1f: {  	s16 =	sshrl.u32 s10, $0x3;
	[smem:$0x7E4] =	sst s20  }
0x20: {  	s10 =	sadd.s32 s17, s13;
	s8 =	sadd.s32 s7, s21;
	s21 =	rddreg [dreg:$0xa]  }
0x21: {  	s23 =	sshrl.u32 s22, $0x3;
	[smem:$0x7E5] =	sst s10  }
0x22: {  	[dreg:$0x1b] =	wrdreg s8;
	s8 =	sadd.s32 s7, s23  }
0x23: {  	s6 =	smul.u32 $0x1C200, s6;
	[dreg:$0x1c] =	wrdreg s8;
	s8 =	sadd.s32 s7, s25  }
0x24: {  	s22 =	smul.u32 $0x38400, s14;
	[dreg:$0x1d] =	wrdreg s8;
	s8 =	sshrl.u32 s28, $0x3  }
0x25: {  	s26 =	sshll.u32 s2, $0x8;
	s23 =	rddreg [dreg:$0xc];
	s8 =	sadd.s32 s7, s8  }
0x26: {  	s7 =	sadd.s32 s7, s16;
	[dreg:$0x1e] =	wrdreg s8;
	s8 =	sadd.s32 s22, s21  }
0x27: {  	s9 =	sadd.s32 s22, s23;
	[dreg:$0x1f] =	wrdreg s7;
	s8 =	sadd.s32 s6, s8  }
0x28: {  	s25 =	smul.u32 $0x900, s2;
	s6 =	sadd.s32 s6, s9;
	[smem:$0x7E6] =	sst s8  }
0x29: {  	s7 =	sadd.s32 s19, s26;
	[smem:$0x7E7] =	sst s6  }
0x2a: {  	s6 =	sadd.s32 s24, s25;
	_ =	strace $0x8000004A;
	[smem:$0x7E8] =	sst s7  }
0x2b: {  	s9 =	sadd.s32 $0x131D000, s0;
	[smem:$0x7E9] =	sst s6  }
0x2c: {  	s10 =	sadd.s32 $0x34, s4;
	[smem:$0x7EA] =	sst s9  }
0x2d: {  	s11 =	sadd.s32 $0x4E, s4;
	[smem:$0x7EB] =	sst s10  }
0x2e: {  	s12 =	sadd.s32 $0x68, s4;
	[smem:$0x7EC] =	sst s11  }
0x2f: {  	s13 =	sadd.s32 $0x82, s4;
	[smem:$0x7ED] =	sst s12  }
0x30: {  	s14 =	sadd.s32 $0x9C, s4;
	[smem:$0x7EE] =	sst s13  }
0x31: {  	s16 =	sadd.s32 $0xB6, s4;
	[smem:$0x7EF] =	sst s14  }
0x32: {  	s17 =	sadd.s32 $0xD0, s4;
	[smem:$0x7F0] =	sst s16  }
0x33: {  	s18 =	sadd.s32 $0xEA, s4;
	[smem:$0x7F1] =	sst s17  }
0x34: {  	s19 =	sadd.s32 $0x104, s4;
	[smem:$0x7F2] =	sst s18  }
0x35: {  	s20 =	sadd.s32 $0x11E, s4;
	[smem:$0x7F3] =	sst s19  }
0x36: {  	s21 =	sadd.s32 $0x138, s4;
	[smem:$0x7F4] =	sst s20  }
0x37: {  	s30 =	simm.s32 $0x3;
	s22 =	sadd.s32 $0x152, s4;
	[smem:$0x7F5] =	sst s21  }
0x38: {  	s31 =	simm.s32 $0x20;
	s23 =	sadd.s32 $0x16C, s4;
	[smem:$0x7F6] =	sst s22  }
0x39: {  	s28 =	sadd.s32 s26, s0;
	s4 =	sadd.s32 $0x186, s4;
	[smem:$0x7F7] =	sst s23  }
0x3a: {  	s29 =	sadd.s32 s25, s0;
	s24 =	sadd.s32 $0x1394000, s28;
	[smem:$0x7F8] =	sst s4  }
0x3b: {  	s5 =	sshrl.u32 s5, $0x3;
	s25 =	sadd.s32 $0x137EC00, s29;
	[smem:$0x7F9] =	sst s24  }
0x3c: {  	s5 =	sadd.s32 s5, s0;
	s26 =	smax.u32 s3, $0x1;
	[smem:$0x7FA] =	sst s25  }
0x3d: {  	s3 =	simm.s32 $0x83C0;
	s28 =	sadd.s32 $0xD, s15;
	[smem:$0x7FB] =	sst s26  }
0x3e: {  	s0 =	sadd.s32 $0x5200, s0;
	s29 =	sadd.s32 $0x1A, s15;
	[smem:$0x7FC] =	sst s28  }
0x3f: {  	s8 =	simm.s32 $0x100;
	s16 =	smul.u32 $0xC80, s2;
	[dreg:$0x10] =	wrdreg s15  }
0x40: {  	s21 =	sadd.s32 $0x1A41200, s5;
	s22 =	sadd.s32 $0x1A25000, s5;
	[smem:$0x7FD] =	sst s29  }
0x41: {  	s25 =	simm.s32 $0x3C0;
	s20 =	simm.s32 $0x1;
	s2 =	simm.s32 $0x2  }
0x42: {  	s5 =	simm.s32 $0x40;
	s6 =	simm.s32 $0x80;
	s7 =	simm.s32 $0x13C0  }
0x43: {  	s9 =	simm.s32 $0x23C0;
	s10 =	simm.s32 $0x180;
	s11 =	simm.s32 $0x33C0  }
0x44: {  	s12 =	simm.s32 $0x200;
	s13 =	simm.s32 $0x43C0;
	s14 =	simm.s32 $0x280  }
0x45: {  	s15 =	simm.s32 $0x53C0;
	s17 =	simm.s32 $0x300;
	s19 =	simm.s32 $0x63C0  }
0x46: {  	s4 =	simm.s32 $0x380;
	s23 =	simm.s32 $0x73C0;
	s24 =	simm.s32 $0x0  }
.LBB2_1:
0x47: {  	[smem:$0x7E2] =	sst s24  }
0x48: {  	s18 =	rddreg [dreg:$0xe]  }
0x49: {  	[tilespmem:s1], [sflag:$0x3] =	stream.linear.gather [hbm4b:s18+s1], $0x20, $0x38;
	[tilespmem:$0x8428] =	vst v63  }
0x4a: {  	_ =	swait.ge [sflag:s30], $0x20  }
0x4b: {  	s29 =	sld [smem:$0x7EA]  }
0x4c: {  	[sflag:s30] =	ssyncset.done $0x0  }
0x4d: {  	[sflag:s30] =	ssyncadd.s32 $0xFFFFFFE0  }
0x4e: {  	[tilespmem:s25], [sflag:$0x1] =	stream.indirect.gather [hbm4b:s29+s31], $0x20, s1, s31, $0xb8;
	[tilespmem:$0x8428] =	vst v63  }
0x4f: {  	_ =	swait.ge [sflag:s20], $0x400  }
0x50: {  	[sflag:s20] =	ssyncset.done $0x0  }
0x51: {  	s24 =	rddreg [dreg:$0xf];
	[sflag:s20] =	ssyncadd.s32 $0xFFFFFC00  }
0x52: {  	[hbm4b:s24+s1] =	stream.linear.scatter [tilespmem:s25], [sflag:$0x2], $0x400, $0x38;
	[tilespmem:$0x8428] =	vst v63  }
0x53: {  	_ =	swait.ge [sflag:s2], $0x400  }
0x54: {  	[sflag:s2] =	ssyncset.done $0x0  }
0x55: {  	[sflag:s2] =	ssyncadd.s32 $0xFFFFFC00  }
0x56: {  	s26 =	rddreg [dreg:$0x6]  }
0x57: {  	[tilespmem:s3], [sflag:$0x3] =	stream.linear.gather [hbm4b:s26+s1], $0x68, $0x38;
	[tilespmem:$0x8428] =	vst v63  }
0x58: {  	_ =	swait.ge [sflag:s30], $0x68  }
0x59: {  	[sflag:s30] =	ssyncset.done $0x0;
	s29 =	rddreg [dreg:$0x10]  }
0x5a: {  	s24 =	sld [smem:$0x7FC];
	[sflag:s30] =	ssyncadd.s32 $0xFFFFFF98  }
0x5b: {  	[hbm4b:s29+s1] =	stream.linear.scatter [tilespmem:s3], [sflag:$0x2], $0x68, $0x38;
	[tilespmem:$0x8428] =	vst v63  }
0x5c: {  	s26 =	sld [smem:$0x7FD]  }
0x5d: {  	[hbm4b:s24+s1] =	stream.linear.scatter [tilespmem:s3], [sflag:$0x2], $0x68, $0x38;
	[tilespmem:$0x8428] =	vst v63  }
0x5e: {  	s29 =	rddreg [dreg:$0x11]  }
0x5f: {  	[hbm4b:s26+s1] =	stream.linear.scatter [tilespmem:s3], [sflag:$0x2], $0x68, $0x38;
	[tilespmem:$0x8428] =	vst v63  }
0x60: {  	s24 =	sld [smem:$0x7EB]  }
0x61: {  	[hbm4b:s29+s1] =	stream.linear.scatter [tilespmem:s3], [sflag:$0x2], $0x68, $0x38;
	[tilespmem:$0x8428] =	vst v63  }
0x62: {  	s26 =	rddreg [dreg:$0x12]  }
0x63: {  	[hbm4b:s24+s1] =	stream.linear.scatter [tilespmem:s3], [sflag:$0x2], $0x68, $0x38;
	[tilespmem:$0x8428] =	vst v63  }
0x64: {  	s29 =	sld [smem:$0x7EC]  }
0x65: {  	[hbm4b:s26+s1] =	stream.linear.scatter [tilespmem:s3], [sflag:$0x2], $0x68, $0x38;
	[tilespmem:$0x8428] =	vst v63  }
0x66: {  	s24 =	rddreg [dreg:$0x13]  }
0x67: {  	[hbm4b:s29+s1] =	stream.linear.scatter [tilespmem:s3], [sflag:$0x2], $0x68, $0x38;
	[tilespmem:$0x8428] =	vst v63  }
0x68: {  	s26 =	sld [smem:$0x7ED]  }
0x69: {  	[hbm4b:s24+s1] =	stream.linear.scatter [tilespmem:s3], [sflag:$0x2], $0x68, $0x38;
	[tilespmem:$0x8428] =	vst v63  }
0x6a: {  	s29 =	rddreg [dreg:$0x14]  }
0x6b: {  	[hbm4b:s26+s1] =	stream.linear.scatter [tilespmem:s3], [sflag:$0x2], $0x68, $0x38;
	[tilespmem:$0x8428] =	vst v63  }
0x6c: {  	s24 =	sld [smem:$0x7EE]  }
0x6d: {  	[hbm4b:s29+s1] =	stream.linear.scatter [tilespmem:s3], [sflag:$0x2], $0x68, $0x38;
	[tilespmem:$0x8428] =	vst v63  }
0x6e: {  	s26 =	rddreg [dreg:$0x15]  }
0x6f: {  	[hbm4b:s24+s1] =	stream.linear.scatter [tilespmem:s3], [sflag:$0x2], $0x68, $0x38;
	[tilespmem:$0x8428] =	vst v63  }
0x70: {  	s29 =	sld [smem:$0x7EF]  }
0x71: {  	[hbm4b:s26+s1] =	stream.linear.scatter [tilespmem:s3], [sflag:$0x2], $0x68, $0x38;
	[tilespmem:$0x8428] =	vst v63  }
0x72: {  	s24 =	rddreg [dreg:$0x16]  }
0x73: {  	[hbm4b:s29+s1] =	stream.linear.scatter [tilespmem:s3], [sflag:$0x2], $0x68, $0x38;
	[tilespmem:$0x8428] =	vst v63  }
0x74: {  	s26 =	sld [smem:$0x7F0]  }
0x75: {  	[hbm4b:s24+s1] =	stream.linear.scatter [tilespmem:s3], [sflag:$0x2], $0x68, $0x38;
	[tilespmem:$0x8428] =	vst v63  }
0x76: {  	s29 =	rddreg [dreg:$0x17]  }
0x77: {  	[hbm4b:s26+s1] =	stream.linear.scatter [tilespmem:s3], [sflag:$0x2], $0x68, $0x38;
	[tilespmem:$0x8428] =	vst v63  }
0x78: {  	s24 =	sld [smem:$0x7F1]  }
0x79: {  	[hbm4b:s29+s1] =	stream.linear.scatter [tilespmem:s3], [sflag:$0x2], $0x68, $0x38;
	[tilespmem:$0x8428] =	vst v63  }
0x7a: {  	s26 =	rddreg [dreg:$0x18]  }
0x7b: {  	[hbm4b:s24+s1] =	stream.linear.scatter [tilespmem:s3], [sflag:$0x2], $0x68, $0x38;
	[tilespmem:$0x8428] =	vst v63  }
0x7c: {  	s29 =	sld [smem:$0x7F2]  }
0x7d: {  	[hbm4b:s26+s1] =	stream.linear.scatter [tilespmem:s3], [sflag:$0x2], $0x68, $0x38;
	[tilespmem:$0x8428] =	vst v63  }
0x7e: {  	s24 =	rddreg [dreg:$0x19]  }
0x7f: {  	[hbm4b:s29+s1] =	stream.linear.scatter [tilespmem:s3], [sflag:$0x2], $0x68, $0x38;
	[tilespmem:$0x8428] =	vst v63  }
0x80: {  	s26 =	sld [smem:$0x7F3]  }
0x81: {  	[hbm4b:s24+s1] =	stream.linear.scatter [tilespmem:s3], [sflag:$0x2], $0x68, $0x38;
	[tilespmem:$0x8428] =	vst v63  }
0x82: {  	s29 =	rddreg [dreg:$0x1a]  }
0x83: {  	[hbm4b:s26+s1] =	stream.linear.scatter [tilespmem:s3], [sflag:$0x2], $0x68, $0x38;
	[tilespmem:$0x8428] =	vst v63  }
0x84: {  	s24 =	sld [smem:$0x7F4]  }
0x85: {  	[hbm4b:s29+s1] =	stream.linear.scatter [tilespmem:s3], [sflag:$0x2], $0x68, $0x38;
	[tilespmem:$0x8428] =	vst v63  }
0x86: {  	s26 =	rddreg [dreg:$0x1b]  }
0x87: {  	[hbm4b:s24+s1] =	stream.linear.scatter [tilespmem:s3], [sflag:$0x2], $0x68, $0x38;
	[tilespmem:$0x8428] =	vst v63  }
0x88: {  	s29 =	sld [smem:$0x7F5]  }
0x89: {  	[hbm4b:s26+s1] =	stream.linear.scatter [tilespmem:s3], [sflag:$0x2], $0x68, $0x38;
	[tilespmem:$0x8428] =	vst v63  }
0x8a: {  	s24 =	rddreg [dreg:$0x1c]  }
0x8b: {  	[hbm4b:s29+s1] =	stream.linear.scatter [tilespmem:s3], [sflag:$0x2], $0x68, $0x38;
	[tilespmem:$0x8428] =	vst v63  }
0x8c: {  	s26 =	sld [smem:$0x7F6]  }
0x8d: {  	[hbm4b:s24+s1] =	stream.linear.scatter [tilespmem:s3], [sflag:$0x2], $0x68, $0x38;
	[tilespmem:$0x8428] =	vst v63  }
0x8e: {  	s29 =	rddreg [dreg:$0x1d]  }
0x8f: {  	[hbm4b:s26+s1] =	stream.linear.scatter [tilespmem:s3], [sflag:$0x2], $0x68, $0x38;
	[tilespmem:$0x8428] =	vst v63  }
0x90: {  	s24 =	sld [smem:$0x7F7]  }
0x91: {  	[hbm4b:s29+s1] =	stream.linear.scatter [tilespmem:s3], [sflag:$0x2], $0x68, $0x38;
	[tilespmem:$0x8428] =	vst v63  }
0x92: {  	s26 =	rddreg [dreg:$0x1e]  }
0x93: {  	[hbm4b:s24+s1] =	stream.linear.scatter [tilespmem:s3], [sflag:$0x2], $0x68, $0x38;
	[tilespmem:$0x8428] =	vst v63  }
0x94: {  	s29 =	sld [smem:$0x7F8]  }
0x95: {  	[hbm4b:s26+s1] =	stream.linear.scatter [tilespmem:s3], [sflag:$0x2], $0x68, $0x38;
	[tilespmem:$0x8428] =	vst v63  }
0x96: {  	_ = 	snop  }
0x97: {  	[hbm4b:s29+s1] =	stream.linear.scatter [tilespmem:s3], [sflag:$0x2], $0x68, $0x38;
	[tilespmem:$0x8428] =	vst v63  }
0x98: {  	s24 =	rddreg [dreg:$0x1f]  }
0x99: {  	[hbm4b:s24+s1] =	stream.linear.scatter [tilespmem:s3], [sflag:$0x2], $0x68, $0x38;
	[tilespmem:$0x8428] =	vst v63  }
0x9a: {  	_ =	swait.ge [sflag:s2], $0x68  }
0x9b: {  	[sflag:s2] =	ssyncset.done $0x0  }
0x9c: {  	[sflag:s2] =	ssyncadd.s32 $0xFFFFFF98  }
0x9d: {  	_ =	swait.ge [sflag:s2], $0x68  }
0x9e: {  	[sflag:s2] =	ssyncset.done $0x0  }
0x9f: {  	[sflag:s2] =	ssyncadd.s32 $0xFFFFFF98  }
0xa0: {  	_ =	swait.ge [sflag:s2], $0x68  }
0xa1: {  	[sflag:s2] =	ssyncset.done $0x0  }
0xa2: {  	[sflag:s2] =	ssyncadd.s32 $0xFFFFFF98  }
0xa3: {  	_ =	swait.ge [sflag:s2], $0x68  }
0xa4: {  	[sflag:s2] =	ssyncset.done $0x0  }
0xa5: {  	[sflag:s2] =	ssyncadd.s32 $0xFFFFFF98  }
0xa6: {  	_ =	swait.ge [sflag:s2], $0x68  }
0xa7: {  	[sflag:s2] =	ssyncset.done $0x0  }
0xa8: {  	[sflag:s2] =	ssyncadd.s32 $0xFFFFFF98  }
0xa9: {  	_ =	swait.ge [sflag:s2], $0x68  }
0xaa: {  	[sflag:s2] =	ssyncset.done $0x0  }
0xab: {  	[sflag:s2] =	ssyncadd.s32 $0xFFFFFF98  }
0xac: {  	_ =	swait.ge [sflag:s2], $0x68  }
0xad: {  	[sflag:s2] =	ssyncset.done $0x0  }
0xae: {  	[sflag:s2] =	ssyncadd.s32 $0xFFFFFF98  }
0xaf: {  	_ =	swait.ge [sflag:s2], $0x68  }
0xb0: {  	[sflag:s2] =	ssyncset.done $0x0  }
0xb1: {  	[sflag:s2] =	ssyncadd.s32 $0xFFFFFF98  }
0xb2: {  	_ =	swait.ge [sflag:s2], $0x68  }
0xb3: {  	[sflag:s2] =	ssyncset.done $0x0  }
0xb4: {  	[sflag:s2] =	ssyncadd.s32 $0xFFFFFF98  }
0xb5: {  	_ =	swait.ge [sflag:s2], $0x68  }
0xb6: {  	[sflag:s2] =	ssyncset.done $0x0  }
0xb7: {  	[sflag:s2] =	ssyncadd.s32 $0xFFFFFF98  }
0xb8: {  	_ =	swait.ge [sflag:s2], $0x68  }
0xb9: {  	[sflag:s2] =	ssyncset.done $0x0  }
0xba: {  	[sflag:s2] =	ssyncadd.s32 $0xFFFFFF98  }
0xbb: {  	_ =	swait.ge [sflag:s2], $0x68  }
0xbc: {  	[sflag:s2] =	ssyncset.done $0x0  }
0xbd: {  	[sflag:s2] =	ssyncadd.s32 $0xFFFFFF98  }
0xbe: {  	_ =	swait.ge [sflag:s2], $0x68  }
0xbf: {  	[sflag:s2] =	ssyncset.done $0x0  }
0xc0: {  	[sflag:s2] =	ssyncadd.s32 $0xFFFFFF98  }
0xc1: {  	_ =	swait.ge [sflag:s2], $0x68  }
0xc2: {  	[sflag:s2] =	ssyncset.done $0x0  }
0xc3: {  	[sflag:s2] =	ssyncadd.s32 $0xFFFFFF98  }
0xc4: {  	_ =	swait.ge [sflag:s2], $0x68  }
0xc5: {  	[sflag:s2] =	ssyncset.done $0x0  }
0xc6: {  	[sflag:s2] =	ssyncadd.s32 $0xFFFFFF98  }
0xc7: {  	_ =	swait.ge [sflag:s2], $0x68  }
0xc8: {  	[sflag:s2] =	ssyncset.done $0x0  }
0xc9: {  	[sflag:s2] =	ssyncadd.s32 $0xFFFFFF98  }
0xca: {  	_ =	swait.ge [sflag:s2], $0x68  }
0xcb: {  	[sflag:s2] =	ssyncset.done $0x0  }
0xcc: {  	[sflag:s2] =	ssyncadd.s32 $0xFFFFFF98  }
0xcd: {  	_ =	swait.ge [sflag:s2], $0x68  }
0xce: {  	[sflag:s2] =	ssyncset.done $0x0  }
0xcf: {  	[sflag:s2] =	ssyncadd.s32 $0xFFFFFF98  }
0xd0: {  	_ =	swait.ge [sflag:s2], $0x68  }
0xd1: {  	[sflag:s2] =	ssyncset.done $0x0  }
0xd2: {  	[sflag:s2] =	ssyncadd.s32 $0xFFFFFF98  }
0xd3: {  	_ =	swait.ge [sflag:s2], $0x68  }
0xd4: {  	[sflag:s2] =	ssyncset.done $0x0  }
0xd5: {  	[sflag:s2] =	ssyncadd.s32 $0xFFFFFF98  }
0xd6: {  	_ =	swait.ge [sflag:s2], $0x68  }
0xd7: {  	[sflag:s2] =	ssyncset.done $0x0  }
0xd8: {  	[sflag:s2] =	ssyncadd.s32 $0xFFFFFF98  }
0xd9: {  	_ =	swait.ge [sflag:s2], $0x68  }
0xda: {  	[sflag:s2] =	ssyncset.done $0x0  }
0xdb: {  	[sflag:s2] =	ssyncadd.s32 $0xFFFFFF98  }
0xdc: {  	_ =	swait.ge [sflag:s2], $0x68  }
0xdd: {  	[sflag:s2] =	ssyncset.done $0x0  }
0xde: {  	[sflag:s2] =	ssyncadd.s32 $0xFFFFFF98  }
0xdf: {  	_ =	swait.ge [sflag:s2], $0x68  }
0xe0: {  	[sflag:s2] =	ssyncset.done $0x0  }
0xe1: {  	[sflag:s2] =	ssyncadd.s32 $0xFFFFFF98  }
0xe2: {  	_ =	swait.ge [sflag:s2], $0x68  }
0xe3: {  	[sflag:s2] =	ssyncset.done $0x0  }
0xe4: {  	[sflag:s2] =	ssyncadd.s32 $0xFFFFFF98  }
0xe5: {  	_ =	swait.ge [sflag:s2], $0x68  }
0xe6: {  	[sflag:s2] =	ssyncset.done $0x0  }
0xe7: {  	[sflag:s2] =	ssyncadd.s32 $0xFFFFFF98  }
0xe8: {  	_ =	swait.ge [sflag:s2], $0x68  }
0xe9: {  	[sflag:s2] =	ssyncset.done $0x0  }
0xea: {  	[sflag:s2] =	ssyncadd.s32 $0xFFFFFF98  }
0xeb: {  	_ =	swait.ge [sflag:s2], $0x68  }
0xec: {  	[sflag:s2] =	ssyncset.done $0x0  }
0xed: {  	[sflag:s2] =	ssyncadd.s32 $0xFFFFFF98  }
0xee: {  	_ =	swait.ge [sflag:s2], $0x68  }
0xef: {  	[sflag:s2] =	ssyncset.done $0x0  }
0xf0: {  	[sflag:s2] =	ssyncadd.s32 $0xFFFFFF98  }
0xf1: {  	_ =	swait.ge [sflag:s2], $0x68  }
0xf2: {  	[sflag:s2] =	ssyncset.done $0x0  }
0xf3: {  	[sflag:s2] =	ssyncadd.s32 $0xFFFFFF98  }
0xf4: {  	_ =	swait.ge [sflag:s2], $0x68  }
0xf5: {  	[sflag:s2] =	ssyncset.done $0x0  }
0xf6: {  	[sflag:s2] =	ssyncadd.s32 $0xFFFFFF98  }
0xf7: {  	_ =	swait.ge [sflag:s2], $0x68  }
0xf8: {  	s26 =	sld [smem:$0x7E3]  }
0xf9: {  	[sflag:s2] =	ssyncset.done $0x0  }
0xfa: {  	[sflag:s2] =	ssyncadd.s32 $0xFFFFFF98  }
0xfb: {  	[tilespmem:s1], [sflag:$0x3] =	stream.linear.gather [hbm4b:s26+s1], $0x40, $0x38;
	[tilespmem:$0x8428] =	vst v63  }
0xfc: {  	_ =	swait.ge [sflag:s30], $0x40  }
0xfd: {  	[sflag:s30] =	ssyncset.done $0x0  }
0xfe: {  	[sflag:s30] =	ssyncadd.s32 $0xFFFFFFC0  }
0xff: {  	[tilespmem:s25], [sflag:$0x1] =	stream.indirect.gather [hbm4b:s0+s5], $0x20, s1, s5, $0xb8;
	[tilespmem:$0x8428] =	vst v63  }
0x100: {  	_ =	swait.ge [sflag:s20], $0x800  }
0x101: {  	s29 =	sld [smem:$0x7E8]  }
0x102: {  	[sflag:s20] =	ssyncset.done $0x0  }
0x103: {  	[sflag:s20] =	ssyncadd.s32 $0xFFFFF800  }
0x104: {  	[hbm4b:s29+s1] =	stream.linear.scatter [tilespmem:s25], [sflag:$0x2], $0x800, $0x38;
	[tilespmem:$0x8428] =	vst v63  }
0x105: {  	_ =	swait.ge [sflag:s2], $0x800  }
0x106: {  	[sflag:s2] =	ssyncset.done $0x0  }
0x107: {  	s28 =	simm.s32 $0x0;
	[sflag:s2] =	ssyncadd.s32 $0xFFFFF800  }
.LBB2_2:
0x108: {  	s18 =	smul.u32 $0x320, s28;
	_ =	sdelay $0x1  }
0x109: {  	s18 =	sadd.s32 s16, s18  }
0x10a: {  	s26 =	rddreg [dreg:$0x2];
	s24 =	sshrl.u32 s18, $0x3  }
0x10b: {  	s29 =	sadd.s32 s26, s24;
	s24 =	simm.s32 $0x0  }
0x10c: {  	[tilespmem:s24], [sflag:$0x3] =	stream.linear.gather [hbm4b:s29+s24], $0x320, $0x38;
	[tilespmem:$0x8428] =	vst v63  }
0x10d: {  	_ =	swait.ge [sflag:s30], $0x320  }
0x10e: {  	[sflag:s30] =	ssyncset.done $0x0  }
0x10f: {  	[sflag:s30] =	ssyncadd.s32 $0xFFFFFCE0  }
0x110: {  	[tilespmem:s25], [sflag:$0x1] =	stream.indirect.gather [hbm4b:s0+s6], $0x20, s24, s6, $0xb8;
	[tilespmem:$0x8428] =	vst v63  }
0x111: {  	_ = 	snop  }
0x112: {  	[tilespmem:s7], [sflag:$0x1] =	stream.indirect.gather [hbm4b:s0+s6], $0x20, s6, s6, $0xb8;
	[tilespmem:$0x8428] =	vst v63  }
0x113: {  	_ = 	snop  }
0x114: {  	[tilespmem:s9], [sflag:$0x1] =	stream.indirect.gather [hbm4b:s0+s6], $0x20, s8, s6, $0xb8;
	[tilespmem:$0x8428] =	vst v63  }
0x115: {  	_ = 	snop  }
0x116: {  	[tilespmem:s11], [sflag:$0x1] =	stream.indirect.gather [hbm4b:s0+s6], $0x20, s10, s6, $0xb8;
	[tilespmem:$0x8428] =	vst v63  }
0x117: {  	_ = 	snop  }
0x118: {  	[tilespmem:s13], [sflag:$0x1] =	stream.indirect.gather [hbm4b:s0+s6], $0x20, s12, s6, $0xb8;
	[tilespmem:$0x8428] =	vst v63  }
0x119: {  	_ = 	snop  }
0x11a: {  	[tilespmem:s15], [sflag:$0x1] =	stream.indirect.gather [hbm4b:s0+s6], $0x20, s14, s6, $0xb8;
	[tilespmem:$0x8428] =	vst v63  }
0x11b: {  	_ = 	snop  }
0x11c: {  	[tilespmem:s19], [sflag:$0x1] =	stream.indirect.gather [hbm4b:s0+s31], $0x20, s17, s31, $0xb8;
	[tilespmem:$0x8428] =	vst v63  }
0x11d: {  	_ =	swait.ge [sflag:s20], $0x1000  }
0x11e: {  	[sflag:s20] =	ssyncset.done $0x0  }
0x11f: {  	[sflag:s20] =	ssyncadd.s32 $0xFFFFF000  }
0x120: {  	_ =	swait.ge [sflag:s20], $0x1000  }
0x121: {  	[sflag:s20] =	ssyncset.done $0x0  }
0x122: {  	[sflag:s20] =	ssyncadd.s32 $0xFFFFF000  }
0x123: {  	_ =	swait.ge [sflag:s20], $0x1000  }
0x124: {  	[sflag:s20] =	ssyncset.done $0x0  }
0x125: {  	[sflag:s20] =	ssyncadd.s32 $0xFFFFF000  }
0x126: {  	_ =	swait.ge [sflag:s20], $0x1000  }
0x127: {  	[sflag:s20] =	ssyncset.done $0x0  }
0x128: {  	[sflag:s20] =	ssyncadd.s32 $0xFFFFF000  }
0x129: {  	_ =	swait.ge [sflag:s20], $0x1000  }
0x12a: {  	[sflag:s20] =	ssyncset.done $0x0  }
0x12b: {  	[sflag:s20] =	ssyncadd.s32 $0xFFFFF000  }
0x12c: {  	_ =	swait.ge [sflag:s20], $0x1000  }
0x12d: {  	[sflag:s20] =	ssyncset.done $0x0  }
0x12e: {  	[sflag:s20] =	ssyncadd.s32 $0xFFFFF000  }
0x12f: {  	_ =	swait.ge [sflag:s20], $0x400  }
0x130: {  	[sflag:s20] =	ssyncset.done $0x0  }
0x131: {  	[sflag:s20] =	ssyncadd.s32 $0xFFFFFC00  }
0x132: {  	s18 =	sshll.u32 s18, $0x2;
	s26 =	rddreg [dreg:$0x9]  }
0x133: {  	s18 =	sadd.s32 s26, s18;
	s26 =	sshll.u32 s28, $0x9  }
0x134: {  	[hbm4b:s18+s24] =	stream.linear.scatter [tilespmem:s25], [sflag:$0x2], $0x6400, $0x38;
	[tilespmem:$0x8428] =	vst v63  }
0x135: {  	s18 =	sand.u32 $0x3FFFFE00, s26  }
0x136: {  	s18 =	sadd.s32 $0x7BC0, s18  }
0x137: {  	s29 =	simm.s32 $0x3E0;
	v0 =	vmov s18  }
.LBB2_3:
0x138: {  	v3 =	vmov s29;
	_ =	sdelay $0x3  }
0x139: {  	s26 =	simm.s32 $0x0  }
0x13a: {  	v1 =	vld.idx.msk [tilespmem:v3+s26+$0x10 ss:$0x1], $0xffff  }
0x13b: {  	v4 =	vld.idx.msk [tilespmem:v3+s26+$0xFFFFFFE0 ss:$0x1], $0xffff  }
0x13c: {  	v2 =	vimm.f32 $0.0e+00;
	v5 =	vld.idx.msk [tilespmem:v3+s26+$0xFFFFFFF0 ss:$0x1], $0xffff  }
0x13d: {  	s18 =	simm.s32 $0x100;
	v9 =	vimm.f32 $0.0e+00;
	v8 =	vimm.f32 $0.0e+00;
	v7 =	vimm.f32 $0.0e+00;
	v6 =	vld.idx.msk [tilespmem:v3+s26+$0x0 ss:$0x1], $0xffff  }
.LBB2_4:
0x13e: {  	p0 =	sne.s32 s18, $0x3100  }
.Ltmp0:
0x13f: {  	s26 =	sshra.s32 s18, $0x2;
	s18 =	sadd.s32 $0x100, s18;
	(pc) =	sbr.rel @p0 .LBB2_4-.Ltmp0, $4  }
0x140: {  	v2 =	vadd.f32 v1, v2;
	v1 =	vld.idx.msk [tilespmem:v3+s26+$0x10 ss:$0x1], $0xffff  }
0x141: {  	v9 =	vadd.f32 v4, v9;
	v4 =	vld.idx.msk [tilespmem:v3+s26+$0xFFFFFFE0 ss:$0x1], $0xffff  }
0x142: {  	v8 =	vadd.f32 v5, v8;
	v5 =	vld.idx.msk [tilespmem:v3+s26+$0xFFFFFFF0 ss:$0x1], $0xffff  }
0x143: {  	v7 =	vadd.f32 v6, v7;
	v6 =	vld.idx.msk [tilespmem:v3+s26+$0x0 ss:$0x1], $0xffff  }
0x144: {  	_ = 	snop  }
0x145: {  	s18 =	sshll.u32 s24, $0x6;
	s24 =	sadd.s32 $0x1, s24  }
0x146: {  	p0 =	sne.s32 s24, $0x8;
	v3 =	vadd.f32 v4, v9  }
.Ltmp1:
0x147: {  	s18 =	sand.u32 $0x3FFFFFC0, s18;
	v62 =	vadd.f32 v5, v8;
	(pc) =	sbr.rel @p0 .LBB2_3-.Ltmp1, $4  }
0x148: {  	v63 =	vadd.f32 v6, v7;
	[tilespmem:v0+s18+$0x0 ss:$0x1] =	vst.idx.msk $0xffff, v3  }
0x149: {  	v1 =	vadd.f32 v1, v2;
	[tilespmem:v0+s18+$0x10 ss:$0x1] =	vst.idx.msk $0xffff, v62  }
0x14a: {  	[tilespmem:v0+s18+$0x20 ss:$0x1] =	vst.idx.msk $0xffff, v63  }
0x14b: {  	s29 =	sadd.s32 $0xC80, s29;
	[tilespmem:v0+s18+$0x30 ss:$0x1] =	vst.idx.msk $0xffff, v1  }
0x14c: {  	s28 =	sadd.s32 $0x1, s28  }
0x14d: {  	p0 =	sne.s32 s28, $0x4  }
.Ltmp2:
0x14e: {  	_ = 	snop;
	(pc) =	sbr.rel @p0 .LBB2_2-.Ltmp2, $4  }
0x14f: {  	_ = 	snop  }
0x150: {  	_ =	swait.ge [sflag:s2], $0x6400  }
0x151: {  	[sflag:s2] =	ssyncset.done $0x0  }
0x152: {  	[sflag:s2] =	ssyncadd.s32 $0xFFFF9C00  }
0x153: {  	s24 =	sld [smem:$0x7F9];
	_ =	sdelay $0x1  }
0x154: {  	s18 =	simm.s32 $0x0;
	s26 =	simm.s32 $0x7BC0  }
0x155: {  	[hbm4b:s24+s18] =	stream.linear.scatter [tilespmem:s26], [sflag:$0x3], $0x800, $0x38;
	[tilespmem:$0x8428] =	vst v63  }
0x156: {  	_ =	swait.ge [sflag:s30], $0x800  }
0x157: {  	[sflag:s30] =	ssyncset.done $0x0  }
0x158: {  	s24 =	sadd.s32 $0x0, s21;
	[sflag:s30] =	ssyncadd.s32 $0xFFFFF800  }
0x159: {  	[tilespmem:s1], [sflag:$0x3] =	stream.linear.gather [hbm4b:s24+s1], $0x3C0, $0x38;
	[tilespmem:$0x8428] =	vst v63  }
0x15a: {  	_ =	swait.ge [sflag:s30], $0x3C0  }
0x15b: {  	[sflag:s30] =	ssyncset.done $0x0  }
0x15c: {  	[sflag:s30] =	ssyncadd.s32 $0xFFFFFC40  }
0x15d: {  	[tilespmem:s25], [sflag:$0x1] =	stream.indirect.gather [hbm4b:s0+s6], $0x20, s1, s6, $0xb8;
	[tilespmem:$0x8428] =	vst v63  }
0x15e: {  	_ = 	snop  }
0x15f: {  	[tilespmem:s7], [sflag:$0x1] =	stream.indirect.gather [hbm4b:s0+s6], $0x20, s6, s6, $0xb8;
	[tilespmem:$0x8428] =	vst v63  }
0x160: {  	_ = 	snop  }
0x161: {  	[tilespmem:s9], [sflag:$0x1] =	stream.indirect.gather [hbm4b:s0+s6], $0x20, s8, s6, $0xb8;
	[tilespmem:$0x8428] =	vst v63  }
0x162: {  	_ = 	snop  }
0x163: {  	[tilespmem:s11], [sflag:$0x1] =	stream.indirect.gather [hbm4b:s0+s6], $0x20, s10, s6, $0xb8;
	[tilespmem:$0x8428] =	vst v63  }
0x164: {  	_ = 	snop  }
0x165: {  	[tilespmem:s13], [sflag:$0x1] =	stream.indirect.gather [hbm4b:s0+s6], $0x20, s12, s6, $0xb8;
	[tilespmem:$0x8428] =	vst v63  }
0x166: {  	_ = 	snop  }
0x167: {  	[tilespmem:s15], [sflag:$0x1] =	stream.indirect.gather [hbm4b:s0+s6], $0x20, s14, s6, $0xb8;
	[tilespmem:$0x8428] =	vst v63  }
0x168: {  	_ = 	snop  }
0x169: {  	[tilespmem:s19], [sflag:$0x1] =	stream.indirect.gather [hbm4b:s0+s6], $0x20, s17, s6, $0xb8;
	[tilespmem:$0x8428] =	vst v63  }
0x16a: {  	_ = 	snop  }
0x16b: {  	[tilespmem:s23], [sflag:$0x1] =	stream.indirect.gather [hbm4b:s0+s5], $0x20, s4, s5, $0xb8;
	[tilespmem:$0x8428] =	vst v63  }
0x16c: {  	_ =	swait.ge [sflag:s20], $0x1000  }
0x16d: {  	[sflag:s20] =	ssyncset.done $0x0  }
0x16e: {  	[sflag:s20] =	ssyncadd.s32 $0xFFFFF000  }
0x16f: {  	_ =	swait.ge [sflag:s20], $0x1000  }
0x170: {  	[sflag:s20] =	ssyncset.done $0x0  }
0x171: {  	[sflag:s20] =	ssyncadd.s32 $0xFFFFF000  }
0x172: {  	_ =	swait.ge [sflag:s20], $0x1000  }
0x173: {  	[sflag:s20] =	ssyncset.done $0x0  }
0x174: {  	[sflag:s20] =	ssyncadd.s32 $0xFFFFF000  }
0x175: {  	_ =	swait.ge [sflag:s20], $0x1000  }
0x176: {  	[sflag:s20] =	ssyncset.done $0x0  }
0x177: {  	[sflag:s20] =	ssyncadd.s32 $0xFFFFF000  }
0x178: {  	_ =	swait.ge [sflag:s20], $0x1000  }
0x179: {  	[sflag:s20] =	ssyncset.done $0x0  }
0x17a: {  	[sflag:s20] =	ssyncadd.s32 $0xFFFFF000  }
0x17b: {  	_ =	swait.ge [sflag:s20], $0x1000  }
0x17c: {  	[sflag:s20] =	ssyncset.done $0x0  }
0x17d: {  	[sflag:s20] =	ssyncadd.s32 $0xFFFFF000  }
0x17e: {  	_ =	swait.ge [sflag:s20], $0x1000  }
0x17f: {  	[sflag:s20] =	ssyncset.done $0x0  }
0x180: {  	[sflag:s20] =	ssyncadd.s32 $0xFFFFF000  }
0x181: {  	_ =	swait.ge [sflag:s20], $0x800  }
0x182: {  	s26 =	sld [smem:$0x7E6]  }
0x183: {  	[sflag:s20] =	ssyncset.done $0x0  }
0x184: {  	[sflag:s20] =	ssyncadd.s32 $0xFFFFF800  }
0x185: {  	[hbm4b:s26+s1] =	stream.linear.scatter [tilespmem:s25], [sflag:$0x2], $0x7800, $0x38;
	[tilespmem:$0x8428] =	vst v63  }
0x186: {  	s29 =	simm.s32 $0x78;
	_ =	swait.ge [sflag:s2], $0x7800  }
0x187: {  	s18 =	simm.s32 $0xF0;
	s28 =	sadd.s32 $0xF00, s26;
	[sflag:s2] =	ssyncset.done $0x0  }
.LBB2_8:
0x188: {  	s26 =	sadd.s32 s29, s21  }
0x189: {  	[sflag:s2] =	ssyncadd.s32 $0xFFFF8800;
	s29 =	smov.u32 s18;
	s24 =	sadd.s32 $0x78, s18  }
0x18a: {  	[tilespmem:s1], [sflag:$0x3] =	stream.linear.gather [hbm4b:s26+s1], $0x3C0, $0x38;
	[tilespmem:$0x8428] =	vst v63  }
0x18b: {  	p0 =	sne.s32 s18, $0xD98;
	_ =	swait.ge [sflag:s30], $0x3C0  }
0x18c: {  	[sflag:s30] =	ssyncset.done $0x0  }
0x18d: {  	[sflag:s30] =	ssyncadd.s32 $0xFFFFFC40  }
0x18e: {  	[tilespmem:s25], [sflag:$0x1] =	stream.indirect.gather [hbm4b:s0+s6], $0x20, s1, s6, $0xb8;
	[tilespmem:$0x8428] =	vst v63  }
0x18f: {  	_ = 	snop  }
0x190: {  	[tilespmem:s7], [sflag:$0x1] =	stream.indirect.gather [hbm4b:s0+s6], $0x20, s6, s6, $0xb8;
	[tilespmem:$0x8428] =	vst v63  }
0x191: {  	_ = 	snop  }
0x192: {  	[tilespmem:s9], [sflag:$0x1] =	stream.indirect.gather [hbm4b:s0+s6], $0x20, s8, s6, $0xb8;
	[tilespmem:$0x8428] =	vst v63  }
0x193: {  	_ = 	snop  }
0x194: {  	[tilespmem:s11], [sflag:$0x1] =	stream.indirect.gather [hbm4b:s0+s6], $0x20, s10, s6, $0xb8;
	[tilespmem:$0x8428] =	vst v63  }
0x195: {  	_ = 	snop  }
0x196: {  	[tilespmem:s13], [sflag:$0x1] =	stream.indirect.gather [hbm4b:s0+s6], $0x20, s12, s6, $0xb8;
	[tilespmem:$0x8428] =	vst v63  }
0x197: {  	_ = 	snop  }
0x198: {  	[tilespmem:s15], [sflag:$0x1] =	stream.indirect.gather [hbm4b:s0+s6], $0x20, s14, s6, $0xb8;
	[tilespmem:$0x8428] =	vst v63  }
0x199: {  	_ = 	snop  }
0x19a: {  	[tilespmem:s19], [sflag:$0x1] =	stream.indirect.gather [hbm4b:s0+s6], $0x20, s17, s6, $0xb8;
	[tilespmem:$0x8428] =	vst v63  }
0x19b: {  	_ = 	snop  }
0x19c: {  	[tilespmem:s23], [sflag:$0x1] =	stream.indirect.gather [hbm4b:s0+s5], $0x20, s4, s5, $0xb8;
	[tilespmem:$0x8428] =	vst v63  }
0x19d: {  	_ =	swait.ge [sflag:s20], $0x1000  }
0x19e: {  	[sflag:s20] =	ssyncset.done $0x0  }
0x19f: {  	[sflag:s20] =	ssyncadd.s32 $0xFFFFF000  }
0x1a0: {  	_ =	swait.ge [sflag:s20], $0x1000  }
0x1a1: {  	[sflag:s20] =	ssyncset.done $0x0  }
0x1a2: {  	[sflag:s20] =	ssyncadd.s32 $0xFFFFF000  }
0x1a3: {  	_ =	swait.ge [sflag:s20], $0x1000  }
0x1a4: {  	[sflag:s20] =	ssyncset.done $0x0  }
0x1a5: {  	[sflag:s20] =	ssyncadd.s32 $0xFFFFF000  }
0x1a6: {  	_ =	swait.ge [sflag:s20], $0x1000  }
0x1a7: {  	[sflag:s20] =	ssyncset.done $0x0  }
0x1a8: {  	[sflag:s20] =	ssyncadd.s32 $0xFFFFF000  }
0x1a9: {  	_ =	swait.ge [sflag:s20], $0x1000  }
0x1aa: {  	[sflag:s20] =	ssyncset.done $0x0  }
0x1ab: {  	[sflag:s20] =	ssyncadd.s32 $0xFFFFF000  }
0x1ac: {  	_ =	swait.ge [sflag:s20], $0x1000  }
0x1ad: {  	[sflag:s20] =	ssyncset.done $0x0  }
0x1ae: {  	[sflag:s20] =	ssyncadd.s32 $0xFFFFF000  }
0x1af: {  	_ =	swait.ge [sflag:s20], $0x1000  }
0x1b0: {  	[sflag:s20] =	ssyncset.done $0x0  }
0x1b1: {  	[sflag:s20] =	ssyncadd.s32 $0xFFFFF000  }
0x1b2: {  	_ =	swait.ge [sflag:s20], $0x800  }
.Ltmp3:
0x1b3: {  	[sflag:s20] =	ssyncset.done $0x0;
	(pc) =	sbr.rel @p0 .LBB2_8-.Ltmp3, $4  }
0x1b4: {  	[sflag:s20] =	ssyncadd.s32 $0xFFFFF800  }
0x1b5: {  	[hbm4b:s28+s1] =	stream.linear.scatter [tilespmem:s25], [sflag:$0x2], $0x7800, $0x38;
	[tilespmem:$0x8428] =	vst v63  }
0x1b6: {  	_ =	swait.ge [sflag:s2], $0x7800  }
0x1b7: {  	s18 =	smov.u32 s24;
	s28 =	sadd.s32 $0xF00, s28;
	[sflag:s2] =	ssyncset.done $0x0  }
0x1b8: {  	s18 =	sadd.s32 s29, s21;
	[sflag:s2] =	ssyncadd.s32 $0xFFFF8800  }
0x1b9: {  	[tilespmem:s1], [sflag:$0x3] =	stream.linear.gather [hbm4b:s18+s1], $0x3C0, $0x38;
	[tilespmem:$0x8428] =	vst v63  }
0x1ba: {  	_ =	swait.ge [sflag:s30], $0x3C0  }
0x1bb: {  	[sflag:s30] =	ssyncset.done $0x0  }
0x1bc: {  	[sflag:s30] =	ssyncadd.s32 $0xFFFFFC40  }
0x1bd: {  	[tilespmem:s25], [sflag:$0x1] =	stream.indirect.gather [hbm4b:s0+s6], $0x20, s1, s6, $0xb8;
	[tilespmem:$0x8428] =	vst v63  }
0x1be: {  	_ = 	snop  }
0x1bf: {  	[tilespmem:s7], [sflag:$0x1] =	stream.indirect.gather [hbm4b:s0+s6], $0x20, s6, s6, $0xb8;
	[tilespmem:$0x8428] =	vst v63  }
0x1c0: {  	_ = 	snop  }
0x1c1: {  	[tilespmem:s9], [sflag:$0x1] =	stream.indirect.gather [hbm4b:s0+s6], $0x20, s8, s6, $0xb8;
	[tilespmem:$0x8428] =	vst v63  }
0x1c2: {  	_ = 	snop  }
0x1c3: {  	[tilespmem:s11], [sflag:$0x1] =	stream.indirect.gather [hbm4b:s0+s6], $0x20, s10, s6, $0xb8;
	[tilespmem:$0x8428] =	vst v63  }
0x1c4: {  	_ = 	snop  }
0x1c5: {  	[tilespmem:s13], [sflag:$0x1] =	stream.indirect.gather [hbm4b:s0+s6], $0x20, s12, s6, $0xb8;
	[tilespmem:$0x8428] =	vst v63  }
0x1c6: {  	_ = 	snop  }
0x1c7: {  	[tilespmem:s15], [sflag:$0x1] =	stream.indirect.gather [hbm4b:s0+s6], $0x20, s14, s6, $0xb8;
	[tilespmem:$0x8428] =	vst v63  }
0x1c8: {  	_ = 	snop  }
0x1c9: {  	[tilespmem:s19], [sflag:$0x1] =	stream.indirect.gather [hbm4b:s0+s6], $0x20, s17, s6, $0xb8;
	[tilespmem:$0x8428] =	vst v63  }
0x1ca: {  	_ = 	snop  }
0x1cb: {  	[tilespmem:s23], [sflag:$0x1] =	stream.indirect.gather [hbm4b:s0+s5], $0x20, s4, s5, $0xb8;
	[tilespmem:$0x8428] =	vst v63  }
0x1cc: {  	_ =	swait.ge [sflag:s20], $0x1000  }
0x1cd: {  	[sflag:s20] =	ssyncset.done $0x0  }
0x1ce: {  	[sflag:s20] =	ssyncadd.s32 $0xFFFFF000  }
0x1cf: {  	_ =	swait.ge [sflag:s20], $0x1000  }
0x1d0: {  	[sflag:s20] =	ssyncset.done $0x0  }
0x1d1: {  	[sflag:s20] =	ssyncadd.s32 $0xFFFFF000  }
0x1d2: {  	_ =	swait.ge [sflag:s20], $0x1000  }
0x1d3: {  	[sflag:s20] =	ssyncset.done $0x0  }
0x1d4: {  	[sflag:s20] =	ssyncadd.s32 $0xFFFFF000  }
0x1d5: {  	_ =	swait.ge [sflag:s20], $0x1000  }
0x1d6: {  	[sflag:s20] =	ssyncset.done $0x0  }
0x1d7: {  	[sflag:s20] =	ssyncadd.s32 $0xFFFFF000  }
0x1d8: {  	_ =	swait.ge [sflag:s20], $0x1000  }
0x1d9: {  	[sflag:s20] =	ssyncset.done $0x0  }
0x1da: {  	[sflag:s20] =	ssyncadd.s32 $0xFFFFF000  }
0x1db: {  	_ =	swait.ge [sflag:s20], $0x1000  }
0x1dc: {  	[sflag:s20] =	ssyncset.done $0x0  }
0x1dd: {  	[sflag:s20] =	ssyncadd.s32 $0xFFFFF000  }
0x1de: {  	_ =	swait.ge [sflag:s20], $0x1000  }
0x1df: {  	[sflag:s20] =	ssyncset.done $0x0  }
0x1e0: {  	[sflag:s20] =	ssyncadd.s32 $0xFFFFF000  }
0x1e1: {  	_ =	swait.ge [sflag:s20], $0x800  }
0x1e2: {  	[sflag:s20] =	ssyncset.done $0x0  }
0x1e3: {  	[sflag:s20] =	ssyncadd.s32 $0xFFFFF800  }
0x1e4: {  	[hbm4b:s28+s1] =	stream.linear.scatter [tilespmem:s25], [sflag:$0x2], $0x7800, $0x38;
	[tilespmem:$0x8428] =	vst v63  }
0x1e5: {  	_ =	swait.ge [sflag:s2], $0x7800  }
0x1e6: {  	s24 =	sld [smem:$0x7E4]  }
0x1e7: {  	[sflag:s2] =	ssyncset.done $0x0  }
0x1e8: {  	s18 =	simm.s32 $0x0;
	[sflag:s2] =	ssyncadd.s32 $0xFFFF8800  }
0x1e9: {  	[tilespmem:s18], [sflag:$0x3] =	stream.linear.gather [hbm4b:s24+s18], $0x240, $0x38;
	[tilespmem:$0x8428] =	vst v63  }
0x1ea: {  	_ =	swait.ge [sflag:s30], $0x240  }
0x1eb: {  	[sflag:s30] =	ssyncset.done $0x0  }
0x1ec: {  	[sflag:s30] =	ssyncadd.s32 $0xFFFFFDC0  }
0x1ed: {  	[tilespmem:s25], [sflag:$0x1] =	stream.indirect.gather [hbm4b:s0+s6], $0x20, s18, s6, $0xb8;
	[tilespmem:$0x8428] =	vst v63  }
0x1ee: {  	_ = 	snop  }
0x1ef: {  	[tilespmem:s7], [sflag:$0x1] =	stream.indirect.gather [hbm4b:s0+s6], $0x20, s6, s6, $0xb8;
	[tilespmem:$0x8428] =	vst v63  }
0x1f0: {  	_ = 	snop  }
0x1f1: {  	[tilespmem:s9], [sflag:$0x1] =	stream.indirect.gather [hbm4b:s0+s6], $0x20, s8, s6, $0xb8;
	[tilespmem:$0x8428] =	vst v63  }
0x1f2: {  	_ = 	snop  }
0x1f3: {  	[tilespmem:s11], [sflag:$0x1] =	stream.indirect.gather [hbm4b:s0+s6], $0x20, s10, s6, $0xb8;
	[tilespmem:$0x8428] =	vst v63  }
0x1f4: {  	_ = 	snop  }
0x1f5: {  	[tilespmem:s13], [sflag:$0x1] =	stream.indirect.gather [hbm4b:s0+s5], $0x20, s12, s5, $0xb8;
	[tilespmem:$0x8428] =	vst v63  }
0x1f6: {  	_ =	swait.ge [sflag:s20], $0x1000  }
0x1f7: {  	[sflag:s20] =	ssyncset.done $0x0  }
0x1f8: {  	[sflag:s20] =	ssyncadd.s32 $0xFFFFF000  }
0x1f9: {  	_ =	swait.ge [sflag:s20], $0x1000  }
0x1fa: {  	[sflag:s20] =	ssyncset.done $0x0  }
0x1fb: {  	[sflag:s20] =	ssyncadd.s32 $0xFFFFF000  }
0x1fc: {  	_ =	swait.ge [sflag:s20], $0x1000  }
0x1fd: {  	[sflag:s20] =	ssyncset.done $0x0  }
0x1fe: {  	[sflag:s20] =	ssyncadd.s32 $0xFFFFF000  }
0x1ff: {  	_ =	swait.ge [sflag:s20], $0x1000  }
0x200: {  	[sflag:s20] =	ssyncset.done $0x0  }
0x201: {  	[sflag:s20] =	ssyncadd.s32 $0xFFFFF000  }
0x202: {  	_ =	swait.ge [sflag:s20], $0x800  }
0x203: {  	s26 =	sld [smem:$0x7E9]  }
0x204: {  	[sflag:s20] =	ssyncset.done $0x0  }
0x205: {  	[sflag:s20] =	ssyncadd.s32 $0xFFFFF800  }
0x206: {  	[hbm4b:s26+s18] =	stream.linear.scatter [tilespmem:s25], [sflag:$0x2], $0x4800, $0x38;
	[tilespmem:$0x8428] =	vst v63  }
0x207: {  	_ =	swait.ge [sflag:s2], $0x4800  }
0x208: {  	[sflag:s2] =	ssyncset.done $0x0  }
0x209: {  	s24 =	sadd.s32 $0x0, s22;
	[sflag:s2] =	ssyncadd.s32 $0xFFFFB800  }
0x20a: {  	[tilespmem:s1], [sflag:$0x3] =	stream.linear.gather [hbm4b:s24+s1], $0x3C0, $0x38;
	[tilespmem:$0x8428] =	vst v63  }
0x20b: {  	_ =	swait.ge [sflag:s30], $0x3C0  }
0x20c: {  	[sflag:s30] =	ssyncset.done $0x0  }
0x20d: {  	[sflag:s30] =	ssyncadd.s32 $0xFFFFFC40  }
0x20e: {  	[tilespmem:s25], [sflag:$0x1] =	stream.indirect.gather [hbm4b:s0+s6], $0x20, s1, s6, $0xb8;
	[tilespmem:$0x8428] =	vst v63  }
0x20f: {  	_ = 	snop  }
0x210: {  	[tilespmem:s7], [sflag:$0x1] =	stream.indirect.gather [hbm4b:s0+s6], $0x20, s6, s6, $0xb8;
	[tilespmem:$0x8428] =	vst v63  }
0x211: {  	_ = 	snop  }
0x212: {  	[tilespmem:s9], [sflag:$0x1] =	stream.indirect.gather [hbm4b:s0+s6], $0x20, s8, s6, $0xb8;
	[tilespmem:$0x8428] =	vst v63  }
0x213: {  	_ = 	snop  }
0x214: {  	[tilespmem:s11], [sflag:$0x1] =	stream.indirect.gather [hbm4b:s0+s6], $0x20, s10, s6, $0xb8;
	[tilespmem:$0x8428] =	vst v63  }
0x215: {  	_ = 	snop  }
0x216: {  	[tilespmem:s13], [sflag:$0x1] =	stream.indirect.gather [hbm4b:s0+s6], $0x20, s12, s6, $0xb8;
	[tilespmem:$0x8428] =	vst v63  }
0x217: {  	_ = 	snop  }
0x218: {  	[tilespmem:s15], [sflag:$0x1] =	stream.indirect.gather [hbm4b:s0+s6], $0x20, s14, s6, $0xb8;
	[tilespmem:$0x8428] =	vst v63  }
0x219: {  	_ = 	snop  }
0x21a: {  	[tilespmem:s19], [sflag:$0x1] =	stream.indirect.gather [hbm4b:s0+s6], $0x20, s17, s6, $0xb8;
	[tilespmem:$0x8428] =	vst v63  }
0x21b: {  	_ = 	snop  }
0x21c: {  	[tilespmem:s23], [sflag:$0x1] =	stream.indirect.gather [hbm4b:s0+s5], $0x20, s4, s5, $0xb8;
	[tilespmem:$0x8428] =	vst v63  }
0x21d: {  	_ =	swait.ge [sflag:s20], $0x1000  }
0x21e: {  	[sflag:s20] =	ssyncset.done $0x0  }
0x21f: {  	[sflag:s20] =	ssyncadd.s32 $0xFFFFF000  }
0x220: {  	_ =	swait.ge [sflag:s20], $0x1000  }
0x221: {  	[sflag:s20] =	ssyncset.done $0x0  }
0x222: {  	[sflag:s20] =	ssyncadd.s32 $0xFFFFF000  }
0x223: {  	_ =	swait.ge [sflag:s20], $0x1000  }
0x224: {  	[sflag:s20] =	ssyncset.done $0x0  }
0x225: {  	[sflag:s20] =	ssyncadd.s32 $0xFFFFF000  }
0x226: {  	_ =	swait.ge [sflag:s20], $0x1000  }
0x227: {  	[sflag:s20] =	ssyncset.done $0x0  }
0x228: {  	[sflag:s20] =	ssyncadd.s32 $0xFFFFF000  }
0x229: {  	_ =	swait.ge [sflag:s20], $0x1000  }
0x22a: {  	[sflag:s20] =	ssyncset.done $0x0  }
0x22b: {  	[sflag:s20] =	ssyncadd.s32 $0xFFFFF000  }
0x22c: {  	_ =	swait.ge [sflag:s20], $0x1000  }
0x22d: {  	[sflag:s20] =	ssyncset.done $0x0  }
0x22e: {  	[sflag:s20] =	ssyncadd.s32 $0xFFFFF000  }
0x22f: {  	_ =	swait.ge [sflag:s20], $0x1000  }
0x230: {  	[sflag:s20] =	ssyncset.done $0x0  }
0x231: {  	[sflag:s20] =	ssyncadd.s32 $0xFFFFF000  }
0x232: {  	_ =	swait.ge [sflag:s20], $0x800  }
0x233: {  	s26 =	sld [smem:$0x7E7]  }
0x234: {  	[sflag:s20] =	ssyncset.done $0x0  }
0x235: {  	[sflag:s20] =	ssyncadd.s32 $0xFFFFF800  }
0x236: {  	[hbm4b:s26+s1] =	stream.linear.scatter [tilespmem:s25], [sflag:$0x2], $0x7800, $0x38;
	[tilespmem:$0x8428] =	vst v63  }
0x237: {  	s29 =	simm.s32 $0x78;
	_ =	swait.ge [sflag:s2], $0x7800  }
0x238: {  	s18 =	simm.s32 $0xF0;
	s28 =	sadd.s32 $0xF00, s26;
	[sflag:s2] =	ssyncset.done $0x0  }
.LBB2_10:
0x239: {  	s26 =	sadd.s32 s29, s22  }
0x23a: {  	[sflag:s2] =	ssyncadd.s32 $0xFFFF8800;
	s29 =	smov.u32 s18;
	s24 =	sadd.s32 $0x78, s18  }
0x23b: {  	[tilespmem:s1], [sflag:$0x3] =	stream.linear.gather [hbm4b:s26+s1], $0x3C0, $0x38;
	[tilespmem:$0x8428] =	vst v63  }
0x23c: {  	p0 =	sne.s32 s18, $0xD98;
	_ =	swait.ge [sflag:s30], $0x3C0  }
0x23d: {  	[sflag:s30] =	ssyncset.done $0x0  }
0x23e: {  	[sflag:s30] =	ssyncadd.s32 $0xFFFFFC40  }
0x23f: {  	[tilespmem:s25], [sflag:$0x1] =	stream.indirect.gather [hbm4b:s0+s6], $0x20, s1, s6, $0xb8;
	[tilespmem:$0x8428] =	vst v63  }
0x240: {  	_ = 	snop  }
0x241: {  	[tilespmem:s7], [sflag:$0x1] =	stream.indirect.gather [hbm4b:s0+s6], $0x20, s6, s6, $0xb8;
	[tilespmem:$0x8428] =	vst v63  }
0x242: {  	_ = 	snop  }
0x243: {  	[tilespmem:s9], [sflag:$0x1] =	stream.indirect.gather [hbm4b:s0+s6], $0x20, s8, s6, $0xb8;
	[tilespmem:$0x8428] =	vst v63  }
0x244: {  	_ = 	snop  }
0x245: {  	[tilespmem:s11], [sflag:$0x1] =	stream.indirect.gather [hbm4b:s0+s6], $0x20, s10, s6, $0xb8;
	[tilespmem:$0x8428] =	vst v63  }
0x246: {  	_ = 	snop  }
0x247: {  	[tilespmem:s13], [sflag:$0x1] =	stream.indirect.gather [hbm4b:s0+s6], $0x20, s12, s6, $0xb8;
	[tilespmem:$0x8428] =	vst v63  }
0x248: {  	_ = 	snop  }
0x249: {  	[tilespmem:s15], [sflag:$0x1] =	stream.indirect.gather [hbm4b:s0+s6], $0x20, s14, s6, $0xb8;
	[tilespmem:$0x8428] =	vst v63  }
0x24a: {  	_ = 	snop  }
0x24b: {  	[tilespmem:s19], [sflag:$0x1] =	stream.indirect.gather [hbm4b:s0+s6], $0x20, s17, s6, $0xb8;
	[tilespmem:$0x8428] =	vst v63  }
0x24c: {  	_ = 	snop  }
0x24d: {  	[tilespmem:s23], [sflag:$0x1] =	stream.indirect.gather [hbm4b:s0+s5], $0x20, s4, s5, $0xb8;
	[tilespmem:$0x8428] =	vst v63  }
0x24e: {  	_ =	swait.ge [sflag:s20], $0x1000  }
0x24f: {  	[sflag:s20] =	ssyncset.done $0x0  }
0x250: {  	[sflag:s20] =	ssyncadd.s32 $0xFFFFF000  }
0x251: {  	_ =	swait.ge [sflag:s20], $0x1000  }
0x252: {  	[sflag:s20] =	ssyncset.done $0x0  }
0x253: {  	[sflag:s20] =	ssyncadd.s32 $0xFFFFF000  }
0x254: {  	_ =	swait.ge [sflag:s20], $0x1000  }
0x255: {  	[sflag:s20] =	ssyncset.done $0x0  }
0x256: {  	[sflag:s20] =	ssyncadd.s32 $0xFFFFF000  }
0x257: {  	_ =	swait.ge [sflag:s20], $0x1000  }
0x258: {  	[sflag:s20] =	ssyncset.done $0x0  }
0x259: {  	[sflag:s20] =	ssyncadd.s32 $0xFFFFF000  }
0x25a: {  	_ =	swait.ge [sflag:s20], $0x1000  }
0x25b: {  	[sflag:s20] =	ssyncset.done $0x0  }
0x25c: {  	[sflag:s20] =	ssyncadd.s32 $0xFFFFF000  }
0x25d: {  	_ =	swait.ge [sflag:s20], $0x1000  }
0x25e: {  	[sflag:s20] =	ssyncset.done $0x0  }
0x25f: {  	[sflag:s20] =	ssyncadd.s32 $0xFFFFF000  }
0x260: {  	_ =	swait.ge [sflag:s20], $0x1000  }
0x261: {  	[sflag:s20] =	ssyncset.done $0x0  }
0x262: {  	[sflag:s20] =	ssyncadd.s32 $0xFFFFF000  }
0x263: {  	_ =	swait.ge [sflag:s20], $0x800  }
.Ltmp4:
0x264: {  	[sflag:s20] =	ssyncset.done $0x0;
	(pc) =	sbr.rel @p0 .LBB2_10-.Ltmp4, $4  }
0x265: {  	[sflag:s20] =	ssyncadd.s32 $0xFFFFF800  }
0x266: {  	[hbm4b:s28+s1] =	stream.linear.scatter [tilespmem:s25], [sflag:$0x2], $0x7800, $0x38;
	[tilespmem:$0x8428] =	vst v63  }
0x267: {  	_ =	swait.ge [sflag:s2], $0x7800  }
0x268: {  	s18 =	smov.u32 s24;
	s28 =	sadd.s32 $0xF00, s28;
	[sflag:s2] =	ssyncset.done $0x0  }
0x269: {  	s18 =	sadd.s32 s29, s22;
	[sflag:s2] =	ssyncadd.s32 $0xFFFF8800  }
0x26a: {  	[tilespmem:s1], [sflag:$0x3] =	stream.linear.gather [hbm4b:s18+s1], $0x3C0, $0x38;
	[tilespmem:$0x8428] =	vst v63  }
0x26b: {  	_ =	swait.ge [sflag:s30], $0x3C0  }
0x26c: {  	[sflag:s30] =	ssyncset.done $0x0  }
0x26d: {  	[sflag:s30] =	ssyncadd.s32 $0xFFFFFC40  }
0x26e: {  	[tilespmem:s25], [sflag:$0x1] =	stream.indirect.gather [hbm4b:s0+s6], $0x20, s1, s6, $0xb8;
	[tilespmem:$0x8428] =	vst v63  }
0x26f: {  	_ = 	snop  }
0x270: {  	[tilespmem:s7], [sflag:$0x1] =	stream.indirect.gather [hbm4b:s0+s6], $0x20, s6, s6, $0xb8;
	[tilespmem:$0x8428] =	vst v63  }
0x271: {  	_ = 	snop  }
0x272: {  	[tilespmem:s9], [sflag:$0x1] =	stream.indirect.gather [hbm4b:s0+s6], $0x20, s8, s6, $0xb8;
	[tilespmem:$0x8428] =	vst v63  }
0x273: {  	_ = 	snop  }
0x274: {  	[tilespmem:s11], [sflag:$0x1] =	stream.indirect.gather [hbm4b:s0+s6], $0x20, s10, s6, $0xb8;
	[tilespmem:$0x8428] =	vst v63  }
0x275: {  	_ = 	snop  }
0x276: {  	[tilespmem:s13], [sflag:$0x1] =	stream.indirect.gather [hbm4b:s0+s6], $0x20, s12, s6, $0xb8;
	[tilespmem:$0x8428] =	vst v63  }
0x277: {  	_ = 	snop  }
0x278: {  	[tilespmem:s15], [sflag:$0x1] =	stream.indirect.gather [hbm4b:s0+s6], $0x20, s14, s6, $0xb8;
	[tilespmem:$0x8428] =	vst v63  }
0x279: {  	_ = 	snop  }
0x27a: {  	[tilespmem:s19], [sflag:$0x1] =	stream.indirect.gather [hbm4b:s0+s6], $0x20, s17, s6, $0xb8;
	[tilespmem:$0x8428] =	vst v63  }
0x27b: {  	_ = 	snop  }
0x27c: {  	[tilespmem:s23], [sflag:$0x1] =	stream.indirect.gather [hbm4b:s0+s5], $0x20, s4, s5, $0xb8;
	[tilespmem:$0x8428] =	vst v63  }
0x27d: {  	_ =	swait.ge [sflag:s20], $0x1000  }
0x27e: {  	[sflag:s20] =	ssyncset.done $0x0  }
0x27f: {  	[sflag:s20] =	ssyncadd.s32 $0xFFFFF000  }
0x280: {  	_ =	swait.ge [sflag:s20], $0x1000  }
0x281: {  	[sflag:s20] =	ssyncset.done $0x0  }
0x282: {  	[sflag:s20] =	ssyncadd.s32 $0xFFFFF000  }
0x283: {  	_ =	swait.ge [sflag:s20], $0x1000  }
0x284: {  	[sflag:s20] =	ssyncset.done $0x0  }
0x285: {  	[sflag:s20] =	ssyncadd.s32 $0xFFFFF000  }
0x286: {  	_ =	swait.ge [sflag:s20], $0x1000  }
0x287: {  	[sflag:s20] =	ssyncset.done $0x0  }
0x288: {  	[sflag:s20] =	ssyncadd.s32 $0xFFFFF000  }
0x289: {  	_ =	swait.ge [sflag:s20], $0x1000  }
0x28a: {  	[sflag:s20] =	ssyncset.done $0x0  }
0x28b: {  	[sflag:s20] =	ssyncadd.s32 $0xFFFFF000  }
0x28c: {  	_ =	swait.ge [sflag:s20], $0x1000  }
0x28d: {  	[sflag:s20] =	ssyncset.done $0x0  }
0x28e: {  	[sflag:s20] =	ssyncadd.s32 $0xFFFFF000  }
0x28f: {  	_ =	swait.ge [sflag:s20], $0x1000  }
0x290: {  	[sflag:s20] =	ssyncset.done $0x0  }
0x291: {  	[sflag:s20] =	ssyncadd.s32 $0xFFFFF000  }
0x292: {  	_ =	swait.ge [sflag:s20], $0x800  }
0x293: {  	[sflag:s20] =	ssyncset.done $0x0  }
0x294: {  	[sflag:s20] =	ssyncadd.s32 $0xFFFFF800  }
0x295: {  	[hbm4b:s28+s1] =	stream.linear.scatter [tilespmem:s25], [sflag:$0x2], $0x7800, $0x38;
	[tilespmem:$0x8428] =	vst v63  }
0x296: {  	_ =	swait.ge [sflag:s2], $0x7800  }
0x297: {  	s26 =	sld [smem:$0x7E5]  }
0x298: {  	[sflag:s2] =	ssyncset.done $0x0  }
0x299: {  	[sflag:s2] =	ssyncadd.s32 $0xFFFF8800  }
0x29a: {  	[tilespmem:s1], [sflag:$0x3] =	stream.linear.gather [hbm4b:s26+s1], $0x240, $0x38;
	[tilespmem:$0x8428] =	vst v63  }
0x29b: {  	_ =	swait.ge [sflag:s30], $0x240  }
0x29c: {  	[sflag:s30] =	ssyncset.done $0x0  }
0x29d: {  	[sflag:s30] =	ssyncadd.s32 $0xFFFFFDC0  }
0x29e: {  	[tilespmem:s25], [sflag:$0x1] =	stream.indirect.gather [hbm4b:s0+s6], $0x20, s1, s6, $0xb8;
	[tilespmem:$0x8428] =	vst v63  }
0x29f: {  	_ = 	snop  }
0x2a0: {  	[tilespmem:s7], [sflag:$0x1] =	stream.indirect.gather [hbm4b:s0+s6], $0x20, s6, s6, $0xb8;
	[tilespmem:$0x8428] =	vst v63  }
0x2a1: {  	_ = 	snop  }
0x2a2: {  	[tilespmem:s9], [sflag:$0x1] =	stream.indirect.gather [hbm4b:s0+s6], $0x20, s8, s6, $0xb8;
	[tilespmem:$0x8428] =	vst v63  }
0x2a3: {  	_ = 	snop  }
0x2a4: {  	[tilespmem:s11], [sflag:$0x1] =	stream.indirect.gather [hbm4b:s0+s6], $0x20, s10, s6, $0xb8;
	[tilespmem:$0x8428] =	vst v63  }
0x2a5: {  	_ = 	snop  }
0x2a6: {  	[tilespmem:s13], [sflag:$0x1] =	stream.indirect.gather [hbm4b:s0+s5], $0x20, s12, s5, $0xb8;
	[tilespmem:$0x8428] =	vst v63  }
0x2a7: {  	_ =	swait.ge [sflag:s20], $0x1000  }
0x2a8: {  	[sflag:s20] =	ssyncset.done $0x0  }
0x2a9: {  	[sflag:s20] =	ssyncadd.s32 $0xFFFFF000  }
0x2aa: {  	_ =	swait.ge [sflag:s20], $0x1000  }
0x2ab: {  	[sflag:s20] =	ssyncset.done $0x0  }
0x2ac: {  	[sflag:s20] =	ssyncadd.s32 $0xFFFFF000  }
0x2ad: {  	_ =	swait.ge [sflag:s20], $0x1000  }
0x2ae: {  	[sflag:s20] =	ssyncset.done $0x0  }
0x2af: {  	[sflag:s20] =	ssyncadd.s32 $0xFFFFF000  }
0x2b0: {  	_ =	swait.ge [sflag:s20], $0x1000  }
0x2b1: {  	[sflag:s20] =	ssyncset.done $0x0  }
0x2b2: {  	[sflag:s20] =	ssyncadd.s32 $0xFFFFF000  }
0x2b3: {  	_ =	swait.ge [sflag:s20], $0x800  }
0x2b4: {  	s28 =	sld [smem:$0x7FA]  }
0x2b5: {  	[sflag:s20] =	ssyncset.done $0x0  }
0x2b6: {  	[sflag:s20] =	ssyncadd.s32 $0xFFFFF800  }
0x2b7: {  	[hbm4b:s28+s1] =	stream.linear.scatter [tilespmem:s25], [sflag:$0x2], $0x4800, $0x38;
	[tilespmem:$0x8428] =	vst v63  }
0x2b8: {  	_ =	swait.ge [sflag:s2], $0x4800  }
0x2b9: {  	s24 =	sld [smem:$0x7E2]  }
0x2ba: {  	s29 =	sld [smem:$0x7FB];
	_ =	sdelay $0x1  }
0x2bb: {  	s24 =	sadd.s32 $0x1, s24  }
0x2bc: {  	p0 =	sne.s32 s24, s29  }
.Ltmp5:
0x2bd: {  	_ = 	snop;
	(pc) =	sbr.rel @p0 .LBB2_1-.Ltmp5, $3  }
0x2be: {  	_ =	sdelay $0x1  }
0x2bf: {  	[sflag:s2] =	ssyncset.done $0x0  }
0x2c0: {  	[sflag:s2] =	ssyncadd.s32 $0xFFFFB800  }
0x2c1: {  	_ =	sfence.sel $0x180000  }
0x2c2: {  	[bflag:$0x0] =	sbarrier.arrive $0xFFFF  }
0x2c3: {  	_ =	strace $0x9000004A  }
0x2c4: {  	s0 =	stileid.u32;
	[bflag:$0x2] =	sbarrier.arrive $0xFFFF  }
0x2c5: {  	p0 =	sne.s32 s0, $0x0;
	s0 =	rddreg [dreg:$0xd]  }
0x2c6: {  	s0 =	sadd.s32 @!p0 $0x100000, s0  }
0x2c7: {  	[sflag:s0] =	ssyncadd.tile.s32 @!p0 $0x1;
	_ =	shalt  }
.Lfunc_end2:
_tile_overlayer_lowered:
.L_overlay_start_2:
0x2c8: {  	(tag) =	ssettag $0x2  }
0x2c9: {  	s0 =	rddreg [dreg:$0x0];
	s2 =	stileid.u32  }
0x2ca: {  	s1 =	rddreg [dreg:$0x1];
	p0 =	sne.s32 s2, $0x0  }
0x2cb: {  	s3 =	rddreg [dreg:$0x2];
	[bflag:$0x3] =	sbarrier.arrive $0xFFFF;
	s2 =	simm.s32 @!p0 $0x1C03  }
0x2cc: {  	[timem:s3], [sflag:s2] =	dma.local @!p0 [hbm:s0], s1  }
0x2cd: {  	s0 =	simm.s32 @!p0 $0x3  }
0x2ce: {  	_ =	swait.ge @!p0 [sflag:s0], s1  }
0x2cf: {  	s1 =	ssub.s32 @!p0 $0x0, s1;
	[sflag:s0] =	ssyncset.done @!p0 $0x0  }
0x2d0: {  	[sflag:s0] =	ssyncadd.s32 @!p0 s1  }
0x2d1: {  	[bflag:$0x3] =	sbarrier.arrive $0xFFFF  }
0x2d2: {  	_ =	shalt  }

// kernel: sparse-core-data-format-call.1.cloned.1.call-start
scs
called_computation.1_lowered:
.L_overlay_start_0:
0x0: {  	s2 =	sld [smem:$0x3FD9]  }
0x1: {  	s3 =	sld [smem:$0x3FFE];
	_ =	sdelay $0x1  }
0x2: {  	s1 =	srdreg.scid  }
0x3: {  	s0 =	sand.u32 $0x1, s1  }
0x4: {  	s15 =	sshll.u32 s0, $0xA;
	s2 =	sadd.s32 s3, s2  }
0x5: {  	s2 =	sadd.s32 s2, s15  }
0x6: {  	[smem:$0x3FB3] =	sst s2  }
0x7: {  	_ = 	snop  }
0x8: {  	s2 =	sld [smem:$0x3FD0];
	_ =	sdelay $0x2  }
0x9: {  	s16 =	simm.s32 $0xB;
	s4 =	simm.s32 $0x10  }
0xa: {  	[smem:s4], [sflag:s16] =	dma.local [hbm:s2], $0x1  }
0xb: {  	_ =	swait.eq [sflag:s16], $0x1  }
0xc: {  	[sflag:s16] =	ssyncset.done $0x0  }
0xd: {  	[sflag:s16] =	ssyncadd.s32 $0xFFFFFFFF  }
0xe: {  	s17 =	sld [smem:$0x15];
	(tm) =	ssettm $0x1  }
0xf: {  	s18 =	sld [smem:$0x3FFB];
	_ =	sdelay $0x3  }
0x10: {  	_ =	strace s18  }
0x11: {  	s3 =	sld [smem:$0x3FFC];
	_ =	sdelay $0x3  }
0x12: {  	_ =	strace s3  }
0x13: {  	s3 =	sld [smem:$0x3FFD];
	_ =	sdelay $0x3  }
0x14: {  	_ =	strace s3  }
0x15: {  	_ =	strace $0x8FFFFFFF  }
0x16: {  	s19 =	sld [smem:$0x3FDB];
	_ =	sdelay $0x1  }
0x17: {  	s20 =	simm.s32 $_scs_section_size  }
0x18: {  	s5 =	simm.s32 $_size__tile_overlayer_lowered;
	s6 =	simm.s32 $_tile_overlayer_lowered  }
0x19: {  	s23 =	simm.s32 $0x1BFF;
	s22 =	sshll.u32 s6, $0x1;
	s3 =	sadd.s32 s20, s19  }
0x1a: {  	s7 =	simm.s32 $0x0;
	s21 =	sshll.u32 s5, $0x1;
	s5 =	sadd.s32 s22, s3  }
0x1b: {  	[timem:s7], [sflag:s23] =	dma.local [hbm:s5], s21  }
0x1c: {  	_ =	swait.ge [sflag:s23], s21  }
0x1d: {  	s4 =	ssub.s32 $0x0, s21;
	[sflag:s23] =	ssyncset.done $0x0  }
0x1e: {  	[sflag:s23] =	ssyncadd.s32 s4;
	_ =	sdelay $0x1  }
0x1f: {  	s24 =	simm.s32 $0x1B8B  }
0x20: {  	_ =	swait.ge [sflag:s24], $0x1  }
0x21: {  	[sflag:s24] =	ssyncset.done $0x0  }
0x22: {  	s26 =	simm.s32 $0x1B8E;
	s25 =	sld [smem:$0x3FFE];
	[sflag:s24] =	ssyncadd.s32 $0xFFFFFFFF  }
0x23: {  	s27 =	simm.s32 $execute0_lowered;
	[smem:$0x3FD2] =	sst s26  }
0x24: {  	s5 =	sshll.u32 s27, $0x1;
	_ =	strace $0x8000004C;
	[dreg:$0x1] =	wrdreg $0xFFFFFFFF  }
0x25: {  	s28 =	simm.s32 $_size_execute0_lowered;
	s3 =	sadd.s32 s3, s5;
	[dreg:$0x0] =	wrdreg $0x0  }
0x26: {  	s5 =	sshll.u32 s28, $0x1;
	[dreg:$0x2] =	wrdreg s3  }
0x27: {  	[dreg:$0x3] =	wrdreg s5  }
0x28: {  	[dreg:$0x4] =	wrdreg $0xC0  }
0x29: {  	_ =	task [dreg:s7], $0x5FFFF  }
0x2a: {  	[dreg:$0x1] =	wrdreg $0xFFFFFFFF  }
0x2b: {  	[dreg:$0x0] =	wrdreg $0x60  }
0x2c: {  	[dreg:$0x2] =	wrdreg s25  }
0x2d: {  	[dreg:$0x3] =	wrdreg s17  }
0x2e: {  	[dreg:$0x4] =	wrdreg $0xA  }
0x2f: {  	_ =	task.clear_ibuf [dreg:s7], $0x5FFFF;
	_ =	strace $0x9000004C  }
0x30: {  	s29 =	simm.s32 $0xA;
	_ =	strace $0x8000004E  }
0x31: {  	_ =	swait.ge [sflag:s29], $0x1  }
0x32: {  	[sflag:s29] =	ssyncadd.s32 $0xFFFFFFFF  }
0x33: {  	_ =	strace $0x9000004E  }
0x34: {  	_ =	sfence  }
0x35: {  	s30 =	sld [smem:$0x0];
	_ =	sdelay $0x2  }
0x36: {  	s31 =	sshll.u32 s1, $0xD;
	s1 =	sshrl.u32 s1, $0x2  }
0x37: {  	s3 =	sand.u32 $0x4000, s31;
	s1 =	sadd.s32 s1, s30  }
0x38: {  	s0 =	sor.u32 s3, s0;
	s1 =	sshll.u32 s1, $0x11  }
0x39: {  	s0 =	sor.u32 s1, s0  }
0x3a: {  	s0 =	sadd.s32 $0x8F2B, s0  }
0x3b: {  	[sflag:s0] =	ssyncadd.remote.s32 $0x1  }
0x3c: {  	_ =	sfence.sel $0xFFFF  }
0x3d: {  	[dreg:$0x0] =	wrdreg $0xFFFFFFFF;
	(pc) =	sbr.abs _section_cstart, $3  }
0x3e: {  	[dreg:$0x1] =	wrdreg $0xFFFFFFFF  }
0x3f: {  	_ =	task.clear_ibuf [dreg:s7], $0x2FFFF;
	_ =	strace $0x9FFFFFFF  }
0x40: {  	(tm) =	ssettm $0x7FFFFFFF  }
0x41: {  	_ =	shalt  }
tec
execute0_lowered:
.L_overlay_start_1:
0x0: {  	(tag) =	ssettag $0x1  }
0x1: {  	s0 =	stileid.u32  }
0x2: {  	s1 =	srdreg.scid;
	s2 =	sshll.u32 s0, $0x7  }
0x3: {  	s7 =	rddreg [dreg:$0x0];
	s3 =	sshll.u32 s1, $0x4;
	s1 =	sand.u32 $0x380, s2  }
0x4: {  	s8 =	simm.s32 $0x2;
	s30 =	sand.u32 $0x10, s3;
	s31 =	ssub.s32 $0x400, s1  }
0x5: {  	s14 =	simm.s32 $0x0;
	s2 =	sor.u32 s0, s30;
	s4 =	sand.u32 $0x380, s31  }
0x6: {  	s2 =	sshrl.u32 s2, $0x3;
	p0 =	sne.s32 s4, $0x0;
	s4 =	simm.s32 $0x1  }
0x7: {  	s3 =	sshrl.u32 s31, $0xA;
	s5 =	ssub.s32 $0x35, s2;
	s4 =	simm.s32 @!p0 $0x0  }
0x8: {  	s9 =	simm.s32 $0x2000;
	s5 =	sshrl.u32 s5, $0x2;
	s3 =	sadd.s32 s4, s3  }
0x9: {  	s16 =	simm.s32 $0x0;
	s15 =	simm.s32 $0x0;
	s6 =	smul.u32 s3, s5  }
.Ltmp0:
0xa: {  	s10 =	simm.s32 $0x0;
	s4 =	rddreg [dreg:$0x1];
	(pc) =	sbr.rel .LBB1_1-.Ltmp0, $4  }
0xb: {  	s13 =	simm.s32 $0x0;
	s7 =	sadd.s32 $0x5200, s7;
	s3 =	rddreg [dreg:$0x2]  }
0xc: {  	_ =	strace $0x8000004D;
	s5 =	simm.s32 $0x1;
	s6 =	smul.u32 $0x9, s6  }
0xd: {  	s12 =	smov.u32 s1;
	s11 =	smov.u32 s2;
	[sflag:s5] =	ssyncpa.u1 $0x0  }
0xe: {  	p0 =	por $0x0, $0x0;
	[sflag:s8] =	ssyncpa.u1 $0x0;
	s8 =	sadd.s32 $0x1, s6  }
.LBB1_4:
0xf: {  	s19 =	sand.u32 $0x1F80, s15;
	s16 =	smul.u32 $0x12000, s16  }
0x10: {  	s20 =	sshrl.u32 s15, $0x3;
	s19 =	sadd.s32 s4, s19  }
0x11: {  	[tilespmem:s18+$0x810 ss:$0x81] =	vst.msk $0xffff, v2;
	s31 =	sand.u32 $0x7, s15;
	s20 =	sand.u32 $0xF, s20;
	s16 =	sadd.s32 s16, s19  }
0x12: {  	[tilespmem:s18+$0x1020 ss:$0x81] =	vst.msk $0xffff, v0;
	s14 =	sshll.u32 s14, $0xD;
	s15 =	sshll.u32 s31, $0x12;
	s16 =	sadd.s32 s20, s16  }
0x13: {  	[tilespmem:s18+$0x0 ss:$0x81] =	vst.msk $0xffff, v1;
	s15 =	sor.u32 $0x400, s15;
	s14 =	sadd.s32 s14, s16  }
0x14: {  	[hbm4b:s14+s15] =	stream.strided.scatter [tilespmem:s17], [sflag:$0x2], $0x2000, s9, s15, $0x20;
	[tilespmem:$0x8080] =	vst v63  }
.LBB1_5:
0x15: {  	s17 =	sadd.s32 $0x1, s10  }
0x16: {  	s14 =	sadd.s32 $0x4, s11;
	s18 =	smov.u32 s11;
	p2 =	sgt.s32 s17, $0x8  }
0x17: {  	s18 =	smov.u32 @p2 s14  }
0x18: {  	s20 =	smov.u32 s12;
	s14 =	sadd.s32 $0x400, s12;
	p3 =	sgt.s32 s18, $0x31  }
0x19: {  	s20 =	smov.u32 @p3 s14  }
0x1a: {  	s17 =	simm.s32 @p2 $0x0;
	p2 =	sgt.s32 s20, $0x3FF  }
0x1b: {  	p1 =	slt.u32 s13, $0x2;
	s20 =	smov.u32 @p2 s1;
	p2 =	sne.s32 s13, s8  }
.Ltmp1:
0x1c: {  	s19 =	simm.s32 @!p1 $0x2;
	(pc) =	sbr.rel @!p2 .LBB1_6-.Ltmp1, $4  }
0x1d: {  	s16 =	smov.u32 s11;
	s15 =	smov.u32 s12;
	_ =	swait.ge @!p1 [sflag:s19], $0x2000  }
0x1e: {  	p0 =	por !p0, !p0;
	[sflag:s19] =	ssyncset.done @!p1 $0x0;
	s18 =	smov.u32 @p3 s2  }
0x1f: {  	s14 =	smov.u32 s10;
	[sflag:s19] =	ssyncadd.s32 @!p1 $0xFFFFE000;
	s10 =	smov.u32 s17  }
0x20: {  	s11 =	smov.u32 s18;
	s13 =	sadd.s32 $0x1, s13;
	s12 =	smov.u32 s20  }
.LBB1_1:
0x21: {  	p1 =	sge.u32 s13, s6  }
0x22: {  	s18 =	smul.u32 @!p1 $0x3200, s12  }
0x23: {  	s31 =	sadd.s32 $0xFFFFFFFF, s13;
	s17 =	sxor.u32 @!p1 $0xFFFFFFFF, s13;
	s19 =	sshll.u32 @!p1 s11, $0x8  }
0x24: {  	s20 =	sshll.u32 @!p1 s10, $0x4;
	s17 =	sshll.u32 @!p1 s17, $0xD;
	s18 =	sadd.s32 @!p1 s7, s18  }
0x25: {  	s20 =	sand.u32 @!p1 $0xF0, s20;
	s17 =	sand.u32 @!p1 $0x2000, s17;
	s18 =	sadd.s32 @!p1 s19, s18  }
0x26: {  	s19 =	simm.s32 @!p1 $0x40;
	s18 =	sadd.s32 @!p1 s20, s18;
	s20 =	simm.s32 @!p1 $0x19000  }
0x27: {  	[tilespmem:s17], [sflag:$0x1] =	stream.strided.gather @!p1 [hbm4b:s18+s19], $0x2000, s20, s19, $0x38;
	[tilespmem:$0x8080] =	vst v63  }
0x28: {  	p1 =	sge.u32 s31, s6  }
.Ltmp2:
0x29: {  	_ = 	snop;
	(pc) =	sbr.rel @p1 .LBB1_5-.Ltmp2, $1  }
0x2a: {  	_ =	sdelay $0x3  }
0x2b: {  	s17 =	simm.s32 $0x1  }
0x2c: {  	_ =	swait.ge [sflag:s5], $0x2000;
	s17 =	simm.s32 @!p0 $0x0  }
0x2d: {  	[sflag:s5] =	ssyncset.done $0x0;
	s18 =	sshll.u32 s17, $0xD  }
0x2e: {  	[sflag:s5] =	ssyncadd.s32 $0xFFFFE000;
	s21 =	sor.u32 $0x20, s18  }
0x2f: {  	s17 =	smul.u32 $0x8100, s17;
	v3 =	vld [tilespmem:s21+$0x10]  }
0x30: {  	s30 =	sand.u32 $0x1, s13;
	v2 =	vld [tilespmem:s21+$0xFFFFFFF0]  }
0x31: {  	s18 =	smul.u32 $0x8100, s30;
	s17 =	sshrl.u32 s17, $0x2;
	v0 =	vld [tilespmem:s21+$0x0]  }
0x32: {  	v1 =	vld [tilespmem:s21+$0xFFFFFFE0];
	s19 =	sor.u32 $0x4000, s17  }
0x33: {  	s31 =	sshrl.u32 s18, $0x2;
	s18 =	sadd.s32 $0x0, s19  }
0x34: {  	s20 =	simm.s32 $0x4;
	s21 =	sadd.s32 $0x40, s21;
	s17 =	sor.u32 $0x4000, s31;
	[tilespmem:s18+$0x1830 ss:$0x81] =	vst.msk $0xffff, v3  }
.LBB1_3:
0x35: {  	v3 =	vld [tilespmem:s21+$0x10];
	p1 =	sne.s32 s20, $0x1FC;
	[tilespmem:s18+$0x810 ss:$0x81] =	vst.msk $0xffff, v2;
	s22 =	smov.u32 s20;
	s20 =	sadd.s32 $0x4, s20  }
.Ltmp3:
0x36: {  	v2 =	vld [tilespmem:s21+$0xFFFFFFF0];
	[tilespmem:s18+$0x1020 ss:$0x81] =	vst.msk $0xffff, v0;
	(pc) =	sbr.rel @p1 .LBB1_3-.Ltmp3, $4  }
0x37: {  	v0 =	vld [tilespmem:s21+$0x0];
	[tilespmem:s18+$0x0 ss:$0x81] =	vst.msk $0xffff, v1  }
0x38: {  	s18 =	sshra.s32 s22, $0x2;
	v1 =	vld [tilespmem:s21+$0xFFFFFFE0]  }
0x39: {  	s18 =	sadd.s32 s18, s19  }
0x3a: {  	s21 =	sadd.s32 $0x40, s21;
	[tilespmem:s18+$0x1830 ss:$0x81] =	vst.msk $0xffff, v3  }
.Ltmp4:
0x3b: {  	_ = 	snop;
	(pc) =	sbr.rel .LBB1_4-.Ltmp4, $1  }
0x3c: {  	_ =	sdelay $0x3  }
.LBB1_6:
0x3d: {  	_ =	sfence.sel $0x180000  }
0x3e: {  	s1 =	simm.s32 $0x1;
	[bflag:$0x0] =	sbarrier.arrive $0xFFFF  }
0x3f: {  	s31 =	simm.s32 $0x2;
	[sflag:s1] =	ssyncpa.u1 $0x1  }
0x40: {  	[sflag:s31] =	ssyncpa.u1 $0x1  }
0x41: {  	p0 =	sne.s32 s0, $0x0;
	_ =	strace $0x9000004D  }
0x42: {  	s0 =	sadd.s32 @!p0 $0x100000, s3;
	[bflag:$0x2] =	sbarrier.arrive $0xFFFF  }
0x43: {  	[sflag:s0] =	ssyncadd.tile.s32 @!p0 $0x1;
	_ =	shalt  }
.Lfunc_end1:
_tile_overlayer_lowered:
.L_overlay_start_2:
0x44: {  	(tag) =	ssettag $0x2  }
0x45: {  	s0 =	rddreg [dreg:$0x0];
	s2 =	stileid.u32  }
0x46: {  	s1 =	rddreg [dreg:$0x1];
	p0 =	sne.s32 s2, $0x0  }
0x47: {  	s3 =	rddreg [dreg:$0x2];
	[bflag:$0x3] =	sbarrier.arrive $0xFFFF;
	s2 =	simm.s32 @!p0 $0x1C01  }
0x48: {  	[timem:s3], [sflag:s2] =	dma.local @!p0 [hbm:s0], s1  }
0x49: {  	s0 =	simm.s32 @!p0 $0x1  }
0x4a: {  	_ =	swait.ge @!p0 [sflag:s0], s1  }
0x4b: {  	s1 =	ssub.s32 @!p0 $0x0, s1;
	[sflag:s0] =	ssyncset.done @!p0 $0x0  }
0x4c: {  	[sflag:s0] =	ssyncadd.s32 @!p0 s1  }
0x4d: {  	[bflag:$0x3] =	sbarrier.arrive $0xFFFF  }
0x4e: {  	_ =	shalt  }

// kernel: sparse-core-data-format-call.2.cloned.1.call-start
scs
called_computation.2_lowered:
.L_overlay_start_0:
0x0: {  	s1 =	sld [smem:$0x3FD9]  }
0x1: {  	s2 =	sld [smem:$0x3FFE];
	_ =	sdelay $0x1  }
0x2: {  	s3 =	srdreg.scid  }
0x3: {  	s0 =	sand.u32 $0x1, s3  }
0x4: {  	s17 =	sshll.u32 s0, $0xA;
	s1 =	sadd.s32 s2, s1  }
0x5: {  	s1 =	sadd.s32 s1, s17  }
0x6: {  	[smem:$0x3FB3] =	sst s1  }
0x7: {  	_ = 	snop  }
0x8: {  	(tm) =	ssettm $0x1  }
0x9: {  	s18 =	sld [smem:$0x3FFB];
	_ =	sdelay $0x3  }
0xa: {  	_ =	strace s18  }
0xb: {  	s1 =	sld [smem:$0x3FFC];
	_ =	sdelay $0x3  }
0xc: {  	_ =	strace s1  }
0xd: {  	s1 =	sld [smem:$0x3FFD];
	_ =	sdelay $0x3  }
0xe: {  	_ =	strace s1  }
0xf: {  	_ =	strace $0x8FFFFFFF  }
0x10: {  	s19 =	sld [smem:$0x3FDB];
	_ =	sdelay $0x1  }
0x11: {  	s20 =	simm.s32 $_scs_section_size  }
0x12: {  	s4 =	simm.s32 $_size__tile_overlayer_lowered;
	s5 =	simm.s32 $_tile_overlayer_lowered  }
0x13: {  	s23 =	simm.s32 $0x1BFF;
	s22 =	sshll.u32 s5, $0x1;
	s1 =	sadd.s32 s20, s19  }
0x14: {  	s6 =	simm.s32 $0x0;
	s21 =	sshll.u32 s4, $0x1;
	s4 =	sadd.s32 s22, s1  }
0x15: {  	[timem:s6], [sflag:s23] =	dma.local [hbm:s4], s21  }
0x16: {  	_ =	swait.ge [sflag:s23], s21  }
0x17: {  	s2 =	ssub.s32 $0x0, s21;
	[sflag:s23] =	ssyncset.done $0x0  }
0x18: {  	[sflag:s23] =	ssyncadd.s32 s2;
	_ =	sdelay $0x1  }
0x19: {  	s24 =	simm.s32 $0x1B8B  }
0x1a: {  	_ =	swait.ge [sflag:s24], $0x1  }
0x1b: {  	[sflag:s24] =	ssyncset.done $0x0  }
0x1c: {  	s26 =	simm.s32 $0x1B8E;
	s25 =	sld [smem:$0x3FFE];
	[sflag:s24] =	ssyncadd.s32 $0xFFFFFFFF  }
0x1d: {  	s27 =	simm.s32 $execute0_lowered;
	[smem:$0x3FD2] =	sst s26  }
0x1e: {  	s4 =	sshll.u32 s27, $0x1;
	_ =	strace $0x80000046;
	[dreg:$0x1] =	wrdreg $0xFFFFFFFF  }
0x1f: {  	s28 =	simm.s32 $_size_execute0_lowered;
	s1 =	sadd.s32 s1, s4;
	[dreg:$0x0] =	wrdreg $0x0  }
0x20: {  	s4 =	sshll.u32 s28, $0x1;
	[dreg:$0x2] =	wrdreg s1  }
0x21: {  	[dreg:$0x3] =	wrdreg s4  }
0x22: {  	[dreg:$0x4] =	wrdreg $0xC0  }
0x23: {  	_ =	task [dreg:s6], $0x5FFFF  }
0x24: {  	[dreg:$0x1] =	wrdreg $0xFFFFFFFF  }
0x25: {  	[dreg:$0x0] =	wrdreg $0x60  }
0x26: {  	[dreg:$0x2] =	wrdreg s25  }
0x27: {  	[dreg:$0x3] =	wrdreg $0x9  }
0x28: {  	_ =	task.clear_ibuf [dreg:s6], $0x4FFFF;
	_ =	strace $0x90000046  }
0x29: {  	s29 =	simm.s32 $0x9;
	_ =	strace $0x80000048  }
0x2a: {  	_ =	swait.ge [sflag:s29], $0x1  }
0x2b: {  	[sflag:s29] =	ssyncadd.s32 $0xFFFFFFFF  }
0x2c: {  	_ =	strace $0x90000048  }
0x2d: {  	_ =	sfence  }
0x2e: {  	s30 =	sld [smem:$0x0];
	_ =	sdelay $0x2  }
0x2f: {  	s31 =	sshll.u32 s3, $0xD;
	s3 =	sshrl.u32 s3, $0x2  }
0x30: {  	s2 =	sand.u32 $0x4000, s31;
	s1 =	sadd.s32 s3, s30  }
0x31: {  	s0 =	sor.u32 s2, s0;
	s1 =	sshll.u32 s1, $0x11  }
0x32: {  	s0 =	sor.u32 s1, s0  }
0x33: {  	s0 =	sadd.s32 $0x8F2B, s0  }
0x34: {  	[sflag:s0] =	ssyncadd.remote.s32 $0x1  }
0x35: {  	_ =	sfence.sel $0xFFFF  }
0x36: {  	[dreg:$0x0] =	wrdreg $0xFFFFFFFF;
	(pc) =	sbr.abs _section_cstart, $3  }
0x37: {  	[dreg:$0x1] =	wrdreg $0xFFFFFFFF  }
0x38: {  	_ =	task.clear_ibuf [dreg:s6], $0x2FFFF;
	_ =	strace $0x9FFFFFFF  }
0x39: {  	(tm) =	ssettm $0x7FFFFFFF  }
tec
execute0_lowered:
.L_overlay_start_1:
0x0: {  	(tag) =	ssettag $0x1  }
0x1: {  	s0 =	srdreg.scid  }
0x2: {  	s5 =	rddreg [dreg:$0x0];
	s1 =	stileid.u32;
	s4 =	simm.s32 $0x1  }
0x3: {  	s6 =	simm.s32 $0x2;
	s15 =	simm.s32 $0x0;
	p0 =	por $0x0, $0x0  }
0x4: {  	s8 =	simm.s32 $0x80;
	s14 =	simm.s32 $0x0;
	s2 =	sshll.u32 s0, $0x4  }
0x5: {  	s9 =	simm.s32 $0x0;
	s10 =	simm.s32 $0x0;
	s2 =	sand.u32 $0x10, s2  }
.Ltmp0:
0x6: {  	s12 =	simm.s32 $0x0;
	s3 =	sor.u32 s1, s2;
	(pc) =	sbr.rel .LBB1_1-.Ltmp0, $4  }
0x7: {  	s0 =	rddreg [dreg:$0x1];
	_ =	strace $0x80000047;
	s3 =	sshll.u32 s3, $0x7  }
0x8: {  	s13 =	simm.s32 $0x0;
	[sflag:s4] =	ssyncpa.u1 $0x0;
	s7 =	ssub.s32 $0xF4600, s3  }
0x9: {  	s2 =	sadd.s32 $0x5200, s5;
	[sflag:s6] =	ssyncpa.u1 $0x0;
	s6 =	sshrl.u32 s7, $0xC  }
0xa: {  	s5 =	sadd.s32 $0x3D6C00, s5;
	s11 =	smov.u32 s3;
	s7 =	sadd.s32 $0x2, s6  }
.LBB1_5:
0xb: {  	p1 =	slt.u32 s13, $0x2  }
0xc: {  	s17 =	smov.u32 s15;
	p2 =	sgt.s32 @!p1 s15, $0xF45A8;
	s16 =	sshra.s32 @!p1 s15, $0x1F  }
0xd: {  	p3 =	sgt.s32 @!p1 s14, $0x60;
	s18 =	sshra.s32 @!p1 s14, $0x1F;
	p2 =	por !p2, p1  }
0xe: {  	s15 =	sand.u32 @!p1 s16, s15;
	p3 =	por !p3, p1;
	s16 =	smov.u32 s14  }
0xf: {  	s14 =	sand.u32 @!p1 s18, s14;
	s17 =	simm.s32 @p2 $0xF45A8;
	s16 =	simm.s32 @p3 $0x60  }
0x10: {  	s15 =	ssub.s32 @!p1 s17, s15;
	s14 =	ssub.s32 @!p1 s16, s14  }
0x11: {  	s18 =	smov.u32 s12;
	s16 =	sadd.s32 @!p1 $0xFFF0BA58, s15;
	s17 =	sadd.s32 @!p1 $0xFFFFFFA0, s14  }
0x12: {  	s15 =	ssub.s32 @!p1 $0xF4628, s15;
	p2 =	sgt.s32 @!p1 s16, $0x7F;
	p3 =	sgt.s32 @!p1 s17, $0x1F  }
0x13: {  	s14 =	ssub.s32 @!p1 $0x80, s14;
	p2 =	por !p2, p1;
	p3 =	por !p3, p1  }
0x14: {  	s16 =	sadd.s32 $0x1000, s11;
	s15 =	simm.s32 @!p2 $0x0;
	s14 =	simm.s32 @!p3 $0x0  }
0x15: {  	p2 =	sgt.s32 s16, $0xF4627;
	s14 =	smul.u32 @!p1 s14, s15;
	s15 =	sadd.s32 $0x20, s12  }
0x16: {  	s18 =	smov.u32 @p2 s15  }
0x17: {  	s16 =	smov.u32 @p2 s3;
	p2 =	sgt.s32 s18, $0x1F  }
0x18: {  	s18 =	simm.s32 @p2 $0x0;
	p2 =	sne.s32 s13, s7  }
.Ltmp1:
0x19: {  	p0 =	por !p0, !p0;
	s17 =	simm.s32 @!p1 $0x2;
	(pc) =	sbr.rel @!p2 .LBB1_6-.Ltmp1, $4  }
0x1a: {  	s15 =	smov.u32 s9;
	s9 =	smov.u32 s11;
	s14 =	sand.u32 @!p1 $0x3FFFFFFF, s14  }
0x1b: {  	s11 =	smov.u32 s16;
	_ =	swait.ge @!p1 [sflag:s17], s14;
	s19 =	ssub.s32 @!p1 $0x0, s14  }
0x1c: {  	s14 =	smov.u32 s10;
	s13 =	sadd.s32 $0x1, s13;
	[sflag:s17] =	ssyncset.done @!p1 $0x0  }
0x1d: {  	s10 =	smov.u32 s12;
	s12 =	smov.u32 s18;
	[sflag:s17] =	ssyncadd.s32 @!p1 s19  }
.LBB1_1:
0x1e: {  	p1 =	sgt.u32 s13, s6  }
0x1f: {  	s16 =	sshrl.u32 @!p1 s12, $0x3  }
0x20: {  	s17 =	sshll.u32 @!p1 s11, $0x3;
	s16 =	smul.u32 @!p1 $0x7A3400, s16  }
0x21: {  	s18 =	sshll.u32 @!p1 s12, $0x7;
	s17 =	sand.u32 @!p1 $0xFFFFFC00, s17  }
0x22: {  	s16 =	sadd.s32 @!p1 s16, s17;
	s17 =	sand.u32 @!p1 $0x380, s18  }
0x23: {  	s16 =	sor.u32 @!p1 s17, s16  }
0x24: {  	s17 =	sshrl.u32 @!p1 s16, $0x7  }
0x25: {  	s17 =	smulhi.u32 @!p1 $0x10C24CB, s17;
	_ =	sdelay $0x1  }
0x26: {  	s17 =	sshrl.u32 @!p1 s17, $0x5  }
0x27: {  	s18 =	sand.u32 @!p1 $0x7F, s11;
	s19 =	smul.u32 @!p1 $0xF4680, s17  }
0x28: {  	s16 =	sor.u32 @!p1 s18, s16;
	s18 =	sxor.u32 @!p1 $0xFFFFFFFF, s13  }
0x29: {  	s18 =	sshll.u32 @!p1 s18, $0xC;
	s17 =	sand.u32 @!p1 $0x1F, s17;
	s16 =	ssub.s32 @!p1 s16, s19  }
0x2a: {  	s17 =	smul.u32 @!p1 $0x1E8D0, s17;
	s19 =	sshrl.u32 @!p1 s16, $0x3;
	s16 =	sand.u32 @!p1 $0x7, s16  }
0x2b: {  	s18 =	sand.u32 @!p1 $0x1000, s18;
	s19 =	sadd.s32 @!p1 s2, s19;
	s16 =	sshll.u32 @!p1 s16, $0x12  }
0x2c: {  	s17 =	sadd.s32 @!p1 s17, s19;
	s16 =	sor.u32 @!p1 $0x400, s16;
	s19 =	simm.s32 @!p1 $0x7A3400  }
0x2d: {  	[tilespmem:s18], [sflag:$0x1] =	stream.strided.gather @!p1 [hbm4b:s17+s16], $0x1000, s19, s16, $0x38;
	[tilespmem:$0x4100] =	vst v63  }
0x2e: {  	p1 =	seq.s32 s13, $0x0  }
0x2f: {  	p2 =	sge.u32 @!p1 s13, s7  }
0x30: {  	p1 =	por p1, p2  }
.Ltmp2:
0x31: {  	_ = 	snop;
	(pc) =	sbr.rel @p1 .LBB1_5-.Ltmp2, $1  }
0x32: {  	_ =	sdelay $0x3  }
0x33: {  	s16 =	simm.s32 $0x1  }
0x34: {  	_ =	swait.ge [sflag:s4], $0x1000;
	s16 =	simm.s32 @!p0 $0x0  }
0x35: {  	[sflag:s4] =	ssyncset.done $0x0;
	s17 =	sshll.u32 s16, $0xC  }
0x36: {  	[sflag:s4] =	ssyncadd.s32 $0xFFFFF000;
	s17 =	sor.u32 $0x40, s17  }
0x37: {  	s16 =	smul.u32 $0x4200, s16;
	v0 =	vld [tilespmem:s17+$0x30]  }
0x38: {  	v1 =	vld [tilespmem:s17+$0xFFFFFFD0]  }
0x39: {  	s16 =	sshrl.u32 s16, $0x2;
	v5 =	vld [tilespmem:s17+$0xFFFFFFE0]  }
0x3a: {  	v6 =	vld [tilespmem:s17+$0xFFFFFFF0];
	s19 =	sor.u32 $0x2000, s16  }
0x3b: {  	s31 =	sand.u32 $0x1, s13;
	v4 =	vld [tilespmem:s17+$0x0];
	s18 =	sadd.s32 $0x0, s19  }
0x3c: {  	v3 =	vld [tilespmem:s17+$0x10];
	s16 =	smul.u32 $0x4200, s31;
	[tilespmem:s18+$0xE70 ss:$0x21] =	vst.msk $0xffff, v0  }
0x3d: {  	v2 =	vld [tilespmem:s17+$0x20];
	[tilespmem:s18+$0x210 ss:$0x21] =	vst.msk $0xffff, v1  }
0x3e: {  	s16 =	sshrl.u32 s16, $0x2;
	v1 =	vld [tilespmem:s17+$0xFFFFFFC0];
	[tilespmem:s18+$0x420 ss:$0x21] =	vst.msk $0xffff, v5;
	s17 =	sadd.s32 $0x80, s17  }
0x3f: {  	s20 =	simm.s32 $0x4;
	s21 =	simm.s32 $0x8;
	s16 =	sor.u32 $0x2000, s16;
	[tilespmem:s18+$0x630 ss:$0x21] =	vst.msk $0xffff, v6;
	v0 =	vld [tilespmem:s17+$0x30]  }
.LBB1_3:
0x40: {  	p1 =	sne.s32 s21, $0x7C;
	v5 =	vld [tilespmem:s17+$0xFFFFFFD0];
	[tilespmem:s18+$0x840 ss:$0x21] =	vst.msk $0xffff, v4  }
0x41: {  	v6 =	vld [tilespmem:s17+$0xFFFFFFE0];
	[tilespmem:s18+$0xA50 ss:$0x21] =	vst.msk $0xffff, v3  }
0x42: {  	s22 =	sshra.s32 s20, $0x2;
	s20 =	smov.u32 s21;
	v7 =	vld [tilespmem:s17+$0xFFFFFFF0];
	[tilespmem:s18+$0xC60 ss:$0x21] =	vst.msk $0xffff, v2  }
.Ltmp3:
0x43: {  	v4 =	vld [tilespmem:s17+$0x0];
	[tilespmem:s18+$0x0 ss:$0x21] =	vst.msk $0xffff, v1;
	s18 =	sadd.s32 s22, s19;
	(pc) =	sbr.rel @p1 .LBB1_3-.Ltmp3, $4  }
0x44: {  	v3 =	vld [tilespmem:s17+$0x10];
	[tilespmem:s18+$0xE70 ss:$0x21] =	vst.msk $0xffff, v0  }
0x45: {  	[tilespmem:s18+$0x210 ss:$0x21] =	vst.msk $0xffff, v5;
	v2 =	vld [tilespmem:s17+$0x20]  }
0x46: {  	v1 =	vld [tilespmem:s17+$0xFFFFFFC0];
	[tilespmem:s18+$0x420 ss:$0x21] =	vst.msk $0xffff, v6;
	s17 =	sadd.s32 $0x80, s17  }
0x47: {  	s21 =	sadd.s32 $0x4, s21;
	v0 =	vld [tilespmem:s17+$0x30];
	[tilespmem:s18+$0x630 ss:$0x21] =	vst.msk $0xffff, v7  }
0x48: {  	s21 =	sshll.u32 s9, $0x7;
	s22 =	sshll.u32 s10, $0x3;
	s20 =	sshra.s32 s20, $0x2  }
0x49: {  	p1 =	sgt.s32 s9, $0xF45A8;
	s30 =	sshra.s32 s9, $0x1F;
	s25 =	sshra.s32 s10, $0x1F  }
0x4a: {  	v5 =	vld [tilespmem:s17+$0xFFFFFFD0];
	s28 =	sshrl.u32 s10, $0x3;
	s23 =	sand.u32 $0xFFFFFC00, s21;
	s22 =	sand.u32 $0xFFFFFC00, s22  }
0x4b: {  	[tilespmem:s18+$0x840 ss:$0x21] =	vst.msk $0xffff, v4;
	v58 =	vld [tilespmem:s17+$0xFFFFFFE0];
	s21 =	sand.u32 $0x380, s21;
	s19 =	sadd.s32 s20, s19;
	s22 =	sadd.s32 s22, s23  }
0x4c: {  	v59 =	vld [tilespmem:s17+$0xFFFFFFF0];
	[tilespmem:s18+$0xA50 ss:$0x21] =	vst.msk $0xffff, v3;
	s29 =	sor.u32 s21, s22;
	s21 =	smov.u32 s9;
	s22 =	sand.u32 s30, s9  }
0x4d: {  	v60 =	vld [tilespmem:s17+$0x0];
	[tilespmem:s18+$0xC60 ss:$0x21] =	vst.msk $0xffff, v2;
	s30 =	sand.u32 $0x7, s10;
	s20 =	sshrl.u32 s29, $0x7;
	s21 =	simm.s32 @!p1 $0xF45A8  }
0x4e: {  	v61 =	vld [tilespmem:s17+$0x10];
	[tilespmem:s18+$0x0 ss:$0x21] =	vst.msk $0xffff, v1;
	p1 =	sgt.s32 s10, $0x60;
	s24 =	ssub.s32 s21, s22;
	s21 =	smov.u32 s10  }
0x4f: {  	v62 =	vld [tilespmem:s17+$0x20];
	[tilespmem:s19+$0xE70 ss:$0x21] =	vst.msk $0xffff, v0;
	s31 =	smulhi.u32 $0x21855A7, s20;
	s22 =	sand.u32 s25, s10;
	s21 =	simm.s32 @!p1 $0x60  }
0x50: {  	v63 =	vld [tilespmem:s17+$0xFFFFFFC0];
	[tilespmem:s19+$0x210 ss:$0x21] =	vst.msk $0xffff, v5;
	s26 =	sadd.s32 $0xFFF0BA58, s24;
	s17 =	ssub.s32 $0xF4628, s24;
	s21 =	ssub.s32 s21, s22  }
0x51: {  	[tilespmem:s19+$0x420 ss:$0x21] =	vst.msk $0xffff, v58;
	s23 =	sshrl.u32 s31, $0xD;
	p1 =	sgt.s32 s26, $0x7F;
	s27 =	sadd.s32 $0xFFFFFFA0, s21  }
0x52: {  	[tilespmem:s19+$0x630 ss:$0x21] =	vst.msk $0xffff, v59;
	s23 =	smul.u32 $0xF4628, s23;
	s18 =	ssub.s32 $0x80, s21;
	p2 =	sgt.s32 s27, $0x1F  }
.Ltmp4:
0x53: {  	[tilespmem:s19+$0x840 ss:$0x21] =	vst.msk $0xffff, v60;
	s17 =	simm.s32 @p1 $0x0;
	s18 =	simm.s32 @p2 $0x0;
	(pc) =	sbr.rel .LBB1_5-.Ltmp4, $4  }
0x54: {  	s29 =	sand.u32 $0xF, s28;
	[tilespmem:s19+$0xA50 ss:$0x21] =	vst.msk $0xffff, v61;
	s20 =	ssub.s32 s20, s23;
	s17 =	smul.u32 s18, s17  }
0x55: {  	[tilespmem:s19+$0xC60 ss:$0x21] =	vst.msk $0xffff, v62;
	s21 =	sshll.u32 s30, $0x12;
	s20 =	sshll.u32 s20, $0x4;
	s18 =	sadd.s32 s5, s29  }
0x56: {  	[tilespmem:s19+$0x0 ss:$0x21] =	vst.msk $0xffff, v63;
	s31 =	sor.u32 $0x20, s21;
	s18 =	sadd.s32 s20, s18;
	s17 =	sand.u32 $0x3FFFFFFF, s17  }
0x57: {  	[hbm4b:s18+s31] =	stream.strided.scatter [tilespmem:s16], [sflag:$0x2], s17, s8, s31, $0x10;
	[tilespmem:$0x4100] =	vst v63  }
.LBB1_6:
0x58: {  	_ =	sfence.sel $0x180000  }
0x59: {  	s2 =	simm.s32 $0x1;
	[bflag:$0x0] =	sbarrier.arrive $0xFFFF  }
0x5a: {  	s31 =	simm.s32 $0x2;
	[sflag:s2] =	ssyncpa.u1 $0x1  }
0x5b: {  	[sflag:s31] =	ssyncpa.u1 $0x1  }
0x5c: {  	p0 =	sne.s32 s1, $0x0;
	_ =	strace $0x90000047  }
0x5d: {  	s0 =	sadd.s32 @!p0 $0x100000, s0;
	[bflag:$0x2] =	sbarrier.arrive $0xFFFF  }
0x5e: {  	[sflag:s0] =	ssyncadd.tile.s32 @!p0 $0x1;
	_ =	shalt  }
.Lfunc_end1:
_tile_overlayer_lowered:
.L_overlay_start_2:
0x5f: {  	(tag) =	ssettag $0x2  }
0x60: {  	s0 =	rddreg [dreg:$0x0];
	s2 =	stileid.u32  }
0x61: {  	s1 =	rddreg [dreg:$0x1];
	p0 =	sne.s32 s2, $0x0  }
0x62: {  	s3 =	rddreg [dreg:$0x2];
	[bflag:$0x3] =	sbarrier.arrive $0xFFFF;
	s2 =	simm.s32 @!p0 $0x1C01  }
0x63: {  	[timem:s3], [sflag:s2] =	dma.local @!p0 [hbm:s0], s1  }
0x64: {  	s0 =	simm.s32 @!p0 $0x1  }
0x65: {  	_ =	swait.ge @!p0 [sflag:s0], s1  }
0x66: {  	s1 =	ssub.s32 @!p0 $0x0, s1;
	[sflag:s0] =	ssyncset.done @!p0 $0x0  }
0x67: {  	[sflag:s0] =	ssyncadd.s32 @!p0 s1  }
0x68: {  	[bflag:$0x3] =	sbarrier.arrive $0xFFFF  }
0x69: {  	_ =	shalt  }

// kernel: sparse-core-data-format-call.cloned.1.call-start
scs
called_computation_lowered:
.L_overlay_start_0:
0x0: {  	s2 =	sld [smem:$0x3FD9]  }
0x1: {  	s3 =	sld [smem:$0x3FFE];
	_ =	sdelay $0x1  }
0x2: {  	s1 =	srdreg.scid  }
0x3: {  	s0 =	sand.u32 $0x1, s1  }
0x4: {  	s16 =	sshll.u32 s0, $0xA;
	s2 =	sadd.s32 s3, s2  }
0x5: {  	s2 =	sadd.s32 s2, s16  }
0x6: {  	[smem:$0x3FB3] =	sst s2  }
0x7: {  	_ = 	snop  }
0x8: {  	s2 =	sld [smem:$0x3FD0];
	_ =	sdelay $0x3  }
0x9: {  	s17 =	simm.s32 $0xB;
	s4 =	simm.s32 $0x10;
	s2 =	sadd.s32 $0x1, s2  }
0xa: {  	[smem:s4], [sflag:s17] =	dma.local [hbm:s2], $0x1  }
0xb: {  	_ =	swait.eq [sflag:s17], $0x1  }
0xc: {  	[sflag:s17] =	ssyncset.done $0x0  }
0xd: {  	[sflag:s17] =	ssyncadd.s32 $0xFFFFFFFF  }
0xe: {  	s18 =	sld [smem:$0x11];
	(tm) =	ssettm $0x1  }
0xf: {  	s19 =	sld [smem:$0x3FFB];
	_ =	sdelay $0x3  }
0x10: {  	_ =	strace s19  }
0x11: {  	s2 =	sld [smem:$0x3FFC];
	_ =	sdelay $0x3  }
0x12: {  	_ =	strace s2  }
0x13: {  	s2 =	sld [smem:$0x3FFD];
	_ =	sdelay $0x3  }
0x14: {  	_ =	strace s2  }
0x15: {  	_ =	strace $0x8FFFFFFF  }
0x16: {  	s20 =	sld [smem:$0x3FDB];
	_ =	sdelay $0x1  }
0x17: {  	s21 =	simm.s32 $_scs_section_size  }
0x18: {  	s5 =	simm.s32 $_size__tile_overlayer_lowered;
	s6 =	simm.s32 $_tile_overlayer_lowered  }
0x19: {  	s7 =	simm.s32 $0x1BFF;
	s22 =	sshll.u32 s6, $0x1;
	s4 =	sadd.s32 s21, s20  }
0x1a: {  	s23 =	simm.s32 $0x0;
	s5 =	sshll.u32 s5, $0x1;
	s6 =	sadd.s32 s22, s4  }
0x1b: {  	[timem:s23], [sflag:s7] =	dma.local [hbm:s6], s5  }
0x1c: {  	_ =	swait.ge [sflag:s7], s5  }
0x1d: {  	s5 =	ssub.s32 $0x0, s5;
	[sflag:s7] =	ssyncset.done $0x0  }
0x1e: {  	[sflag:s7] =	ssyncadd.s32 s5;
	_ =	sdelay $0x1  }
0x1f: {  	s24 =	simm.s32 $0x1B8B  }
0x20: {  	_ =	swait.ge [sflag:s24], $0x1  }
0x21: {  	[sflag:s24] =	ssyncset.done $0x0  }
0x22: {  	[sflag:s24] =	ssyncadd.s32 $0xFFFFFFFF  }
0x23: {  	s5 =	sld [smem:$0x0]  }
0x24: {  	s6 =	sand.u32 $0xFFFFFFFE, s1  }
0x25: {  	p0 =	sne.s32 s1, s6  }
0x26: {  	s6 =	sshll.u32 @p0 s6, $0xE  }
0x27: {  	s6 =	sadd.s32 @p0 $0x11B8D, s6;
	s7 =	sshll.u32 @p0 s5, $0x11  }
0x28: {  	s6 =	sor.u32 @p0 s7, s6  }
0x29: {  	[sflag:s6] =	ssyncadd.remote.s32 @p0 $0x1;
	_ =	sdelay $0x1  }
0x2a: {  	s6 =	simm.s32 @p0 $0x1B8D  }
0x2b: {  	_ =	swait.eq @p0 [sflag:s6], $0x1  }
0x2c: {  	[sflag:s6] =	ssyncadd.s32 @p0 $0xFFFFFFFF  }
0x2d: {  	s7 =	sshll.u32 @!p0 s1, $0xE  }
0x2e: {  	s7 =	sor.u32 @!p0 $0x4000, s7;
	s6 =	simm.s32 @!p0 $0x1B8D  }
0x2f: {  	s5 =	sshll.u32 @!p0 s5, $0x11;
	s7 =	sadd.s32 @!p0 $0x11B8D, s7;
	_ =	swait.eq @!p0 [sflag:s6], $0x1  }
0x30: {  	s5 =	sor.u32 @!p0 s5, s7;
	[sflag:s6] =	ssyncadd.s32 @!p0 $0xFFFFFFFF  }
0x31: {  	s26 =	simm.s32 $0x1B8E;
	s25 =	sld [smem:$0x3FFE];
	[sflag:s5] =	ssyncadd.remote.s32 @!p0 $0x1  }
0x32: {  	s27 =	simm.s32 $execute0_lowered;
	[smem:$0x3FD2] =	sst s26  }
0x33: {  	s6 =	sshll.u32 s27, $0x1;
	_ =	strace $0x8000004F;
	[dreg:$0x1] =	wrdreg $0xFFFFFFFF  }
0x34: {  	s28 =	simm.s32 $_size_execute0_lowered;
	s4 =	sadd.s32 s4, s6;
	[dreg:$0x0] =	wrdreg $0x0  }
0x35: {  	s6 =	sshll.u32 s28, $0x1;
	[dreg:$0x2] =	wrdreg s4  }
0x36: {  	[dreg:$0x3] =	wrdreg s6  }
0x37: {  	[dreg:$0x4] =	wrdreg $0xC0  }
0x38: {  	_ =	task [dreg:s23], $0x5FFFF  }
0x39: {  	[dreg:$0x1] =	wrdreg $0xFFFFFFFF  }
0x3a: {  	[dreg:$0x0] =	wrdreg $0x60  }
0x3b: {  	[dreg:$0x2] =	wrdreg s25  }
0x3c: {  	[dreg:$0x3] =	wrdreg s18  }
0x3d: {  	[dreg:$0x4] =	wrdreg $0x9  }
0x3e: {  	_ =	task.clear_ibuf [dreg:s23], $0x5FFFF;
	_ =	strace $0x9000004F  }
0x3f: {  	s29 =	simm.s32 $0x9;
	_ =	strace $0x80000051  }
0x40: {  	_ =	swait.ge [sflag:s29], $0x1  }
0x41: {  	[sflag:s29] =	ssyncadd.s32 $0xFFFFFFFF  }
0x42: {  	_ =	strace $0x90000051  }
0x43: {  	_ =	sfence  }
0x44: {  	s30 =	sld [smem:$0x0];
	_ =	sdelay $0x2  }
0x45: {  	s31 =	sshll.u32 s1, $0xD;
	s1 =	sshrl.u32 s1, $0x2  }
0x46: {  	s4 =	sand.u32 $0x4000, s31;
	s1 =	sadd.s32 s1, s30  }
0x47: {  	s0 =	sor.u32 s4, s0;
	s1 =	sshll.u32 s1, $0x11  }
0x48: {  	s0 =	sor.u32 s1, s0  }
0x49: {  	s0 =	sadd.s32 $0x8F2B, s0  }
0x4a: {  	[sflag:s0] =	ssyncadd.remote.s32 $0x1  }
0x4b: {  	_ =	sfence.sel $0xFFFF  }
0x4c: {  	[dreg:$0x0] =	wrdreg $0xFFFFFFFF;
	(pc) =	sbr.abs _section_cstart, $3  }
0x4d: {  	[dreg:$0x1] =	wrdreg $0xFFFFFFFF  }
0x4e: {  	_ =	task.clear_ibuf [dreg:s23], $0x2FFFF;
	_ =	strace $0x9FFFFFFF  }
0x4f: {  	(tm) =	ssettm $0x7FFFFFFF  }
tec
execute0_lowered:
.L_overlay_start_1:
0x0: {  	(tag) =	ssettag $0x1  }
0x1: {  	s0 =	stileid.u32  }
0x2: {  	s1 =	srdreg.scid;
	s2 =	sshll.u32 s0, $0x7  }
0x3: {  	s7 =	rddreg [dreg:$0x0];
	s3 =	sshll.u32 s1, $0x4;
	s1 =	sand.u32 $0x380, s2  }
0x4: {  	s8 =	simm.s32 $0x2;
	s30 =	sand.u32 $0x10, s3;
	s31 =	ssub.s32 $0x400, s1  }
0x5: {  	s14 =	simm.s32 $0x0;
	s2 =	sor.u32 s0, s30;
	s4 =	sand.u32 $0x380, s31  }
0x6: {  	s2 =	sshrl.u32 s2, $0x3;
	p0 =	sne.s32 s4, $0x0;
	s4 =	simm.s32 $0x1  }
0x7: {  	s3 =	sshrl.u32 s31, $0xA;
	s5 =	ssub.s32 $0x35, s2;
	s4 =	simm.s32 @!p0 $0x0  }
0x8: {  	s9 =	simm.s32 $0x2000;
	s5 =	sshrl.u32 s5, $0x2;
	s3 =	sadd.s32 s4, s3  }
0x9: {  	s16 =	simm.s32 $0x0;
	s15 =	simm.s32 $0x0;
	s6 =	smul.u32 s3, s5  }
.Ltmp0:
0xa: {  	s10 =	simm.s32 $0x0;
	s4 =	rddreg [dreg:$0x1];
	(pc) =	sbr.rel .LBB1_1-.Ltmp0, $4  }
0xb: {  	s13 =	simm.s32 $0x0;
	s7 =	sadd.s32 $0x1396000, s7;
	s3 =	rddreg [dreg:$0x2]  }
0xc: {  	_ =	strace $0x80000050;
	s5 =	simm.s32 $0x1;
	s6 =	smul.u32 $0x9, s6  }
0xd: {  	s12 =	smov.u32 s1;
	s11 =	smov.u32 s2;
	[sflag:s5] =	ssyncpa.u1 $0x0  }
0xe: {  	p0 =	por $0x0, $0x0;
	[sflag:s8] =	ssyncpa.u1 $0x0;
	s8 =	sadd.s32 $0x1, s6  }
.LBB1_4:
0xf: {  	s19 =	sand.u32 $0x1F80, s15;
	s16 =	smul.u32 $0x12000, s16  }
0x10: {  	s20 =	sshrl.u32 s15, $0x3;
	s19 =	sadd.s32 s4, s19  }
0x11: {  	[tilespmem:s18+$0x810 ss:$0x81] =	vst.msk $0xffff, v2;
	s31 =	sand.u32 $0x7, s15;
	s20 =	sand.u32 $0xF, s20;
	s16 =	sadd.s32 s16, s19  }
0x12: {  	[tilespmem:s18+$0x1020 ss:$0x81] =	vst.msk $0xffff, v0;
	s14 =	sshll.u32 s14, $0xD;
	s15 =	sshll.u32 s31, $0x12;
	s16 =	sadd.s32 s20, s16  }
0x13: {  	[tilespmem:s18+$0x0 ss:$0x81] =	vst.msk $0xffff, v1;
	s15 =	sor.u32 $0x400, s15;
	s14 =	sadd.s32 s14, s16  }
0x14: {  	[hbm4b:s14+s15] =	stream.strided.scatter [tilespmem:s17], [sflag:$0x2], $0x2000, s9, s15, $0x20;
	[tilespmem:$0x8080] =	vst v63  }
.LBB1_5:
0x15: {  	s17 =	sadd.s32 $0x1, s10  }
0x16: {  	s14 =	sadd.s32 $0x4, s11;
	s18 =	smov.u32 s11;
	p2 =	sgt.s32 s17, $0x8  }
0x17: {  	s18 =	smov.u32 @p2 s14  }
0x18: {  	s20 =	smov.u32 s12;
	s14 =	sadd.s32 $0x400, s12;
	p3 =	sgt.s32 s18, $0x31  }
0x19: {  	s20 =	smov.u32 @p3 s14  }
0x1a: {  	s17 =	simm.s32 @p2 $0x0;
	p2 =	sgt.s32 s20, $0x3FF  }
0x1b: {  	p1 =	slt.u32 s13, $0x2;
	s20 =	smov.u32 @p2 s1;
	p2 =	sne.s32 s13, s8  }
.Ltmp1:
0x1c: {  	s19 =	simm.s32 @!p1 $0x2;
	(pc) =	sbr.rel @!p2 .LBB1_6-.Ltmp1, $4  }
0x1d: {  	s16 =	smov.u32 s11;
	s15 =	smov.u32 s12;
	_ =	swait.ge @!p1 [sflag:s19], $0x2000  }
0x1e: {  	p0 =	por !p0, !p0;
	[sflag:s19] =	ssyncset.done @!p1 $0x0;
	s18 =	smov.u32 @p3 s2  }
0x1f: {  	s14 =	smov.u32 s10;
	[sflag:s19] =	ssyncadd.s32 @!p1 $0xFFFFE000;
	s10 =	smov.u32 s17  }
0x20: {  	s11 =	smov.u32 s18;
	s13 =	sadd.s32 $0x1, s13;
	s12 =	smov.u32 s20  }
.LBB1_1:
0x21: {  	p1 =	sge.u32 s13, s6  }
0x22: {  	s18 =	smul.u32 @!p1 $0x3200, s12  }
0x23: {  	s31 =	sadd.s32 $0xFFFFFFFF, s13;
	s17 =	sxor.u32 @!p1 $0xFFFFFFFF, s13;
	s19 =	sshll.u32 @!p1 s11, $0x8  }
0x24: {  	s20 =	sshll.u32 @!p1 s10, $0x4;
	s17 =	sshll.u32 @!p1 s17, $0xD;
	s18 =	sadd.s32 @!p1 s7, s18  }
0x25: {  	s20 =	sand.u32 @!p1 $0xF0, s20;
	s17 =	sand.u32 @!p1 $0x2000, s17;
	s18 =	sadd.s32 @!p1 s19, s18  }
0x26: {  	s19 =	simm.s32 @!p1 $0x40;
	s18 =	sadd.s32 @!p1 s20, s18;
	s20 =	simm.s32 @!p1 $0x19000  }
0x27: {  	[tilespmem:s17], [sflag:$0x1] =	stream.strided.gather @!p1 [hbm4b:s18+s19], $0x2000, s20, s19, $0x38;
	[tilespmem:$0x8080] =	vst v63  }
0x28: {  	p1 =	sge.u32 s31, s6  }
.Ltmp2:
0x29: {  	_ = 	snop;
	(pc) =	sbr.rel @p1 .LBB1_5-.Ltmp2, $1  }
0x2a: {  	_ =	sdelay $0x3  }
0x2b: {  	s17 =	simm.s32 $0x1  }
0x2c: {  	_ =	swait.ge [sflag:s5], $0x2000;
	s17 =	simm.s32 @!p0 $0x0  }
0x2d: {  	[sflag:s5] =	ssyncset.done $0x0;
	s18 =	sshll.u32 s17, $0xD  }
0x2e: {  	[sflag:s5] =	ssyncadd.s32 $0xFFFFE000;
	s21 =	sor.u32 $0x20, s18  }
0x2f: {  	s17 =	smul.u32 $0x8100, s17;
	v3 =	vld [tilespmem:s21+$0x10]  }
0x30: {  	s30 =	sand.u32 $0x1, s13;
	v2 =	vld [tilespmem:s21+$0xFFFFFFF0]  }
0x31: {  	s18 =	smul.u32 $0x8100, s30;
	s17 =	sshrl.u32 s17, $0x2;
	v0 =	vld [tilespmem:s21+$0x0]  }
0x32: {  	v1 =	vld [tilespmem:s21+$0xFFFFFFE0];
	s19 =	sor.u32 $0x4000, s17  }
0x33: {  	s31 =	sshrl.u32 s18, $0x2;
	s18 =	sadd.s32 $0x0, s19  }
0x34: {  	s20 =	simm.s32 $0x4;
	s21 =	sadd.s32 $0x40, s21;
	s17 =	sor.u32 $0x4000, s31;
	[tilespmem:s18+$0x1830 ss:$0x81] =	vst.msk $0xffff, v3  }
.LBB1_3:
0x35: {  	v3 =	vld [tilespmem:s21+$0x10];
	p1 =	sne.s32 s20, $0x1FC;
	[tilespmem:s18+$0x810 ss:$0x81] =	vst.msk $0xffff, v2;
	s22 =	smov.u32 s20;
	s20 =	sadd.s32 $0x4, s20  }
.Ltmp3:
0x36: {  	v2 =	vld [tilespmem:s21+$0xFFFFFFF0];
	[tilespmem:s18+$0x1020 ss:$0x81] =	vst.msk $0xffff, v0;
	(pc) =	sbr.rel @p1 .LBB1_3-.Ltmp3, $4  }
0x37: {  	v0 =	vld [tilespmem:s21+$0x0];
	[tilespmem:s18+$0x0 ss:$0x81] =	vst.msk $0xffff, v1  }
0x38: {  	s18 =	sshra.s32 s22, $0x2;
	v1 =	vld [tilespmem:s21+$0xFFFFFFE0]  }
0x39: {  	s18 =	sadd.s32 s18, s19  }
0x3a: {  	s21 =	sadd.s32 $0x40, s21;
	[tilespmem:s18+$0x1830 ss:$0x81] =	vst.msk $0xffff, v3  }
.Ltmp4:
0x3b: {  	_ = 	snop;
	(pc) =	sbr.rel .LBB1_4-.Ltmp4, $1  }
0x3c: {  	_ =	sdelay $0x3  }
.LBB1_6:
0x3d: {  	_ =	sfence.sel $0x180000  }
0x3e: {  	s1 =	simm.s32 $0x1;
	[bflag:$0x0] =	sbarrier.arrive $0xFFFF  }
0x3f: {  	s31 =	simm.s32 $0x2;
	[sflag:s1] =	ssyncpa.u1 $0x1  }
0x40: {  	[sflag:s31] =	ssyncpa.u1 $0x1  }
0x41: {  	p0 =	sne.s32 s0, $0x0;
	_ =	strace $0x90000050  }
0x42: {  	s0 =	sadd.s32 @!p0 $0x100000, s3;
	[bflag:$0x2] =	sbarrier.arrive $0xFFFF  }
0x43: {  	[sflag:s0] =	ssyncadd.tile.s32 @!p0 $0x1;
	_ =	shalt  }
.Lfunc_end1:
_tile_overlayer_lowered:
.L_overlay_start_2:
0x44: {  	(tag) =	ssettag $0x2  }
0x45: {  	s0 =	rddreg [dreg:$0x0];
	s2 =	stileid.u32  }
0x46: {  	s1 =	rddreg [dreg:$0x1];
	p0 =	sne.s32 s2, $0x0  }
0x47: {  	s3 =	rddreg [dreg:$0x2];
	[bflag:$0x3] =	sbarrier.arrive $0xFFFF;
	s2 =	simm.s32 @!p0 $0x1C01  }
0x48: {  	[timem:s3], [sflag:s2] =	dma.local @!p0 [hbm:s0], s1  }
0x49: {  	s0 =	simm.s32 @!p0 $0x1  }
0x4a: {  	_ =	swait.ge @!p0 [sflag:s0], s1  }
0x4b: {  	s1 =	ssub.s32 @!p0 $0x0, s1;
	[sflag:s0] =	ssyncset.done @!p0 $0x0  }
0x4c: {  	[sflag:s0] =	ssyncadd.s32 @!p0 s1  }
0x4d: {  	[bflag:$0x3] =	sbarrier.arrive $0xFFFF  }
0x4e: {  	_ =	shalt  }

</sc_bundles>
